<compile_context>
chip_gen: v7x
topology: tpu7x:2x2x1
jax: 0.10.2.dev20260603
libtpu: 0.0.44.dev20260713+nightly
codegen_flags: <defaults>
</compile_context>

<pallas_src>
import functools

import jax
import jax.numpy as jnp
from jax import lax
from jax.experimental import pallas as pl
from jax.experimental.pallas import tpu as pltpu
from jax.experimental.pallas import tpu_sc as plsc

NC, NS, LANES = 2, 16, 16
NW = NC * NS
EC = 80
RC = 40


def _sc_mesh():
    return plsc.VectorSubcoreMesh(
        core_axis_name="c", subcore_axis_name="s", num_cores=NC, num_subcores=NS)


def _wid():
    return lax.axis_index("s") * NC + lax.axis_index("c")



def _make_prep(N, NP, E, R3):
    ECP = 40
    EW = E // NW
    NCH = EW // ECP
    NPT = NP // NS
    NRCH = N // RC

    @functools.partial(
        pl.kernel, mesh=_sc_mesh(),
        out_type=(
            jax.ShapeDtypeStruct((E, 16), jnp.float32),
            jax.ShapeDtypeStruct((NC, NP, 128), jnp.float32),
            jax.ShapeDtypeStruct((NP, R3), jnp.float32),
        ),
        scratch_types=[
            pltpu.VMEM_SHARED((NP, 128), jnp.float32),
            pltpu.VMEM((ECP,), jnp.int32),
            pltpu.VMEM((ECP,), jnp.int32),
            pltpu.VMEM((ECP, 128), jnp.float32),
            pltpu.VMEM((ECP, 128), jnp.float32),
            pltpu.VMEM((ECP, 16), jnp.float32),
            pltpu.VMEM((ECP, 128), jnp.float32),
            pltpu.VMEM((RC,), jnp.int32),
            pltpu.VMEM((RC, R3), jnp.float32),
            pltpu.SemaphoreType.DMA,
            pltpu.SemaphoreType.DMA,
        ],
    )
    def prep(posp, srci, dsti, regioni, regcat, zerosd,
             rel_o, degp_o, regb_o,
             dacc, sidx, didx, ps, pd, rel, ones, ridx, rrows, sem1, sem2):
        cid = lax.axis_index("c")
        sid = lax.axis_index("s")
        wid = _wid()

        def fill_ones(i, _):
            for cv in range(8):
                ones[i, pl.ds(cv * LANES, LANES)] = jnp.ones((LANES,),
                                                             jnp.float32)
            return 0
        lax.fori_loop(0, ECP, fill_ones, 0)

        pltpu.sync_copy(zerosd.at[pl.ds(sid * NPT, NPT)],
                        dacc.at[pl.ds(sid * NPT, NPT)])
        plsc.subcore_barrier()

        def echunk(j, _):
            base = wid * EW + j * ECP
            pltpu.sync_copy(srci.at[pl.ds(base, ECP)], sidx)
            pltpu.sync_copy(dsti.at[pl.ds(base, ECP)], didx)
            c1 = pltpu.async_copy(posp.at[sidx], ps, sem1)
            c2 = pltpu.async_copy(posp.at[didx], pd, sem2)
            c1.wait()
            c2.wait()

            def row(i, _):
                rel[i, :] = ps[i, pl.ds(0, LANES)] - pd[i, pl.ds(0, LANES)]
                return 0
            lax.fori_loop(0, ECP, row, 0)
            pltpu.sync_copy(rel, rel_o.at[pl.ds(base, ECP)])
            pltpu.sync_copy(ones, dacc.at[didx], add=True)
            return 0
        lax.fori_loop(0, NCH, echunk, 0)

        def rchunk(k, _):
            g = wid + k * NW

            @pl.when(g < NRCH)
            def _():
                b = g * RC
                pltpu.sync_copy(regioni.at[pl.ds(b, RC)], ridx)
                pltpu.async_copy(regcat.at[ridx], rrows, sem1).wait()
                pltpu.sync_copy(rrows, regb_o.at[pl.ds(b, RC)])
            return 0
        lax.fori_loop(0, pl.cdiv(NRCH, NW), rchunk, 0)

        plsc.subcore_barrier()
        pltpu.sync_copy(dacc.at[pl.ds(sid * NPT, NPT)],
                        degp_o.at[cid, pl.ds(sid * NPT, NPT)])

    return prep


def _make_agg(NP, E, D):
    EW = E // NW
    NCH = EW // EC
    NPT = NP // NS

    @functools.partial(
        pl.kernel, mesh=_sc_mesh(),
        out_type=jax.ShapeDtypeStruct((NC, NP, D), jnp.float32),
        scratch_types=[
            pltpu.VMEM_SHARED((NP, D), jnp.float32),
            pltpu.VMEM((EC,), jnp.int32),
            pltpu.VMEM((EC,), jnp.int32),
            pltpu.VMEM((EC, D), jnp.float32),
            pltpu.VMEM((EC, D), jnp.float32),
            pltpu.SemaphoreType.DMA,
            pltpu.SemaphoreType.DMA,
        ],
    )
    def agg(hx, ker, srci, dsti, zerosd, out_o,
            acc, sidx, didx, gbuf, kbuf, sem1, sem2):
        cid = lax.axis_index("c")
        sid = lax.axis_index("s")
        wid = _wid()

        pltpu.sync_copy(zerosd.at[pl.ds(sid * NPT, NPT)],
                        acc.at[pl.ds(sid * NPT, NPT)])
        plsc.subcore_barrier()

        def chunk(j, _):
            base = wid * EW + j * EC
            pltpu.sync_copy(srci.at[pl.ds(base, EC)], sidx)
            pltpu.sync_copy(dsti.at[pl.ds(base, EC)], didx)
            c1 = pltpu.async_copy(hx.at[sidx], gbuf, sem1)
            c2 = pltpu.async_copy(ker.at[pl.ds(base, EC)], kbuf, sem2)
            c1.wait()
            c2.wait()

            def row(i, _):
                for cv in range(D // LANES):
                    sl = pl.ds(cv * LANES, LANES)
                    gbuf[i, sl] = gbuf[i, sl] * kbuf[i, sl]
                return 0
            lax.fori_loop(0, EC, row, 0)
            pltpu.sync_copy(gbuf, acc.at[didx], add=True)
            return 0
        lax.fori_loop(0, NCH, chunk, 0)

        plsc.subcore_barrier()
        pltpu.sync_copy(acc.at[pl.ds(sid * NPT, NPT)],
                        out_o.at[cid, pl.ds(sid * NPT, NPT)])

    return agg


def _make_decgather(NP, E, D):
    EW = E // NW
    NCH = EW // EC

    @functools.partial(
        pl.kernel, mesh=_sc_mesh(),
        out_type=jax.ShapeDtypeStruct((E, D), jnp.float32),
        scratch_types=[
            pltpu.VMEM((EC,), jnp.int32),
            pltpu.VMEM((EC,), jnp.int32),
            pltpu.VMEM((EC, D), jnp.float32),
            pltpu.VMEM((EC, D), jnp.float32),
            pltpu.SemaphoreType.DMA,
            pltpu.SemaphoreType.DMA,
        ],
    )
    def decg(ha, hb, srci, dsti, out_o, sidx, didx, abuf, bbuf, sem1, sem2):
        wid = _wid()

        def chunk(j, _):
            base = wid * EW + j * EC
            pltpu.sync_copy(srci.at[pl.ds(base, EC)], sidx)
            pltpu.sync_copy(dsti.at[pl.ds(base, EC)], didx)
            c1 = pltpu.async_copy(ha.at[sidx], abuf, sem1)
            c2 = pltpu.async_copy(hb.at[didx], bbuf, sem2)
            c1.wait()
            c2.wait()

            def row(i, _):
                for cv in range(D // LANES):
                    sl = pl.ds(cv * LANES, LANES)
                    abuf[i, sl] = abuf[i, sl] + bbuf[i, sl]
                return 0
            lax.fori_loop(0, EC, row, 0)
            pltpu.sync_copy(abuf, out_o.at[pl.ds(base, EC)])
            return 0
        lax.fori_loop(0, NCH, chunk, 0)

    return decg



def _edge_mlp(rel, w1s, b1s, w2s, b2s):
    E = rel.shape[0]
    D = w2s[0].shape[1]
    BE = 3200
    G = E // BE

    def body(rel_ref, *refs):
        xm = rel_ref[...]
        for l in range(3):
            w1, b1, w2, b2 = refs[4 * l:4 * l + 4]
            o = refs[12 + l]
            k1 = jnp.maximum(
                jnp.dot(xm, w1[...], preferred_element_type=jnp.float32)
                + b1[0:1, :], 0.0)
            o[...] = (jnp.dot(k1, w2[...], preferred_element_type=jnp.float32)
                      + b2[0:1, :])

    wspecs = []
    wargs = []
    for l in range(3):
        wargs += [w1s[l], b1s[l], w2s[l], b2s[l]]
        wspecs += [
            pl.BlockSpec(w1s[l].shape, lambda i: (0, 0)),
            pl.BlockSpec(b1s[l].shape, lambda i: (0, 0)),
            pl.BlockSpec(w2s[l].shape, lambda i: (0, 0)),
            pl.BlockSpec(b2s[l].shape, lambda i: (0, 0)),
        ]
    return pl.pallas_call(
        body,
        grid=(G,),
        in_specs=[pl.BlockSpec((BE, 16), lambda i: (i, 0))] + wspecs,
        out_specs=[pl.BlockSpec((BE, D), lambda i: (i, 0))] * 3,
        out_shape=[jax.ShapeDtypeStruct((E, D), jnp.float32)] * 3,
    )(rel, *wargs)


def _matmul(h, w):
    NPR, D = h.shape
    D2 = w.shape[1]
    BN = NPR // 8
    G = NPR // BN

    def body(h_ref, w_ref, o_ref):
        o_ref[...] = jnp.dot(h_ref[...], w_ref[...],
                             preferred_element_type=jnp.float32)

    return pl.pallas_call(
        body,
        grid=(G,),
        in_specs=[pl.BlockSpec((BN, D), lambda i: (i, 0)),
                  pl.BlockSpec((D, D2), lambda i: (0, 0))],
        out_specs=pl.BlockSpec((BN, D2), lambda i: (i, 0)),
        out_shape=jax.ShapeDtypeStruct((NPR, D2), jnp.float32),
    )(h, w)


def _node_finalize(p0, p1, d0, d1, rb, bvec, ws, badd):
    NPR, D = p0.shape
    BN = NPR // 8
    G = NPR // BN
    nouts = len(ws)

    def body(p0r, p1r, d0r, d1r, rbr, br, *rest):
        wrefs = rest[:nouts]
        baddr = rest[nouts:2 * nouts]
        orefs = rest[2 * nouts:]
        deg = d0r[:, 0:1] + d1r[:, 0:1]
        rdeg = 1.0 / jnp.maximum(deg, 1.0)
        h = jnp.maximum((p0r[...] + p1r[...]) * rdeg + rbr[...] + br[0:1, :],
                        0.0)
        for i in range(nouts):
            o = jnp.dot(h, wrefs[i][...], preferred_element_type=jnp.float32)
            orefs[i][...] = o + baddr[i][0:1, :]

    in_specs = [
        pl.BlockSpec((BN, D), lambda i: (i, 0)),
        pl.BlockSpec((BN, D), lambda i: (i, 0)),
        pl.BlockSpec((BN, D), lambda i: (i, 0)),
        pl.BlockSpec((BN, D), lambda i: (i, 0)),
        pl.BlockSpec((BN, D), lambda i: (i, 0)),
        pl.BlockSpec(bvec.shape, lambda i: (0, 0)),
    ]
    args = [p0, p1, d0, d1, rb, bvec]
    for w in ws:
        in_specs.append(pl.BlockSpec(w.shape, lambda i: (0, 0)))
        args.append(w)
    for ba in badd:
        in_specs.append(pl.BlockSpec(ba.shape, lambda i: (0, 0)))
        args.append(ba)
    outs = pl.pallas_call(
        body,
        grid=(G,),
        in_specs=in_specs,
        out_specs=[pl.BlockSpec((BN, w.shape[1]), lambda i: (i, 0))
                   for w in ws],
        out_shape=[jax.ShapeDtypeStruct((NPR, w.shape[1]), jnp.float32)
                   for w in ws],
    )(*args)
    return outs


def _dec_mlp(z1pre, w2, b2, w3row, b3):
    E, D = z1pre.shape
    BE = 3200
    G = E // BE

    def body(z_ref, w2r, b2r, w3r, b3r, o_ref):
        z1 = jnp.maximum(z_ref[...], 0.0)
        z2 = jnp.maximum(
            jnp.dot(z1, w2r[...], preferred_element_type=jnp.float32)
            + b2r[0:1, :], 0.0)
        s = jnp.sum(z2 * w3r[0:1, :], axis=1, keepdims=True) + b3r[0:1, 0:1]
        o_ref[...] = jax.nn.sigmoid(s)

    return pl.pallas_call(
        body,
        grid=(G,),
        in_specs=[pl.BlockSpec((BE, D), lambda i: (i, 0)),
                  pl.BlockSpec(w2.shape, lambda i: (0, 0)),
                  pl.BlockSpec(b2.shape, lambda i: (0, 0)),
                  pl.BlockSpec(w3row.shape, lambda i: (0, 0)),
                  pl.BlockSpec(b3.shape, lambda i: (0, 0))],
        out_specs=pl.BlockSpec((BE, 1), lambda i: (i, 0)),
        out_shape=jax.ShapeDtypeStruct((E, 1), jnp.float32),
    )(z1pre, w2, b2, w3row, b3)



def _b8(b):
    return jnp.broadcast_to(b[None, :], (8, b.shape[0]))


def kernel(x, edge_index, node_region, params):
    N = x.shape[0]
    D = x.shape[1] - 2
    E = edge_index.shape[1]

    NP = ((N + 127) // 128) * 128
    pos = x[:, :2]
    h0 = jnp.pad(x[:, 2:], ((0, NP - N), (0, 0)))
    posp = jnp.pad(pos, ((0, 0), (0, 126)))
    src = edge_index[0]
    dst = edge_index[1]
    regcat = jnp.concatenate(
        [params[f"conv{l}_reg"] for l in range(3)], axis=1)
    zerosd = jnp.zeros((NP, D), jnp.float32)

    rel, degp, regb = _make_prep(N, NP, E, 3 * D)(
        posp, src, dst, node_region, regcat, zerosd)

    w1s = [jnp.pad(params[f"conv{l}_Wp1"], ((0, 14), (0, 0))) for l in range(3)]
    b1s = [_b8(params[f"conv{l}_bp1"]) for l in range(3)]
    w2s = [params[f"conv{l}_Wp2"] for l in range(3)]
    b2s = [_b8(params[f"conv{l}_bp2"]) for l in range(3)]
    kers = _edge_mlp(rel, w1s, b1s, w2s, b2s)

    hx = _matmul(h0, params["conv0_Wx"])
    d0 = degp[0]
    d1 = degp[1]
    agg_call = _make_agg(NP, E, D)
    zb = _b8(jnp.zeros((D,), jnp.float32))

    ha = hb = None
    for l in range(3):
        p = agg_call(hx, kers[l], src, dst, zerosd)
        rb = regb[:, l * D:(l + 1) * D]
        bvec = _b8(params[f"conv{l}_b"])
        if l < 2:
            (hx,) = _node_finalize(p[0], p[1], d0, d1, rb, bvec,
                                   [params[f"conv{l + 1}_Wx"]], [zb])
        else:
            w1a = params["dec_W1"][:D]
            w1b = params["dec_W1"][D:]
            ha, hb = _node_finalize(p[0], p[1], d0, d1, rb, bvec,
                                    [w1a, w1b], [_b8(params["dec_b1"]), zb])

    z1pre = _make_decgather(NP, E, D)(ha, hb, src, dst)
    w3row = _b8(params["dec_W3"][:, 0])
    b3 = jnp.broadcast_to(params["dec_b3"][None, :], (8, 8))
    return _dec_mlp(z1pre, params["dec_W2"], _b8(params["dec_b2"]), w3row, b3)

# --- scband reference (transcript-rebuilt; emitter-appended) ---
"""Pipeline reference for scband-rsgcnmodel-37701222924447 (READ-ONLY COPY).

The authoritative reference and input builder live on the scoring server;
editing this copy changes nothing except your own understanding.
"""

import jax, jax.numpy as jnp
import numpy as np

N = 10000
E = 320000
D = 128
H = 128
R = 16

def _glorot(k, shape):
    fan_in = shape[0]
    return (jax.random.normal(k, shape, dtype=jnp.float32) / np.sqrt(fan_in)).astype(jnp.float32)

def setup_inputs(seed: int = 0):
    key = jax.random.key(seed)
    ks = jax.random.split(key, 32)
    x = jax.random.normal(ks[0], (N, 2 + D), dtype=jnp.float32)
    edge_index = jax.random.randint(ks[1], (2, E), 0, N, dtype=jnp.int32)
    node_region = jax.random.randint(ks[2], (N,), 0, R, dtype=jnp.int32)
    params = {}
    i = 3
    for l in range(3):
        params[f"conv{l}_Wp1"] = _glorot(ks[i], (2, H)); i += 1
        params[f"conv{l}_bp1"] = jnp.zeros((H,), jnp.float32)
        params[f"conv{l}_Wp2"] = _glorot(ks[i], (H, D)); i += 1
        params[f"conv{l}_bp2"] = jnp.zeros((D,), jnp.float32)
        params[f"conv{l}_Wx"] = _glorot(ks[i], (D, D)); i += 1
        params[f"conv{l}_reg"] = _glorot(ks[i], (R, D)); i += 1
        params[f"conv{l}_b"] = jnp.zeros((D,), jnp.float32)
    params["dec_W1"] = _glorot(ks[i], (2 * D, D)); i += 1
    params["dec_b1"] = jnp.zeros((D,), jnp.float32)
    params["dec_W2"] = _glorot(ks[i], (D, D)); i += 1
    params["dec_b2"] = jnp.zeros((D,), jnp.float32)
    params["dec_W3"] = _glorot(ks[i], (D, 1)); i += 1
    params["dec_b3"] = jnp.zeros((1,), jnp.float32)
    return {"x": x, "edge_index": edge_index, "node_region": node_region, "params": params}

def _rsgcn_layer(h, pos, src, dst, node_region, p, l):
    # spatial edge kernel from relative positions (coors=2)
    rel = pos[src] - pos[dst]
    k1 = jax.nn.relu(rel @ p[f"conv{l}_Wp1"] + p[f"conv{l}_bp1"])
    kernel = k1 @ p[f"conv{l}_Wp2"] + p[f"conv{l}_bp2"]
    # transform node features first, then gather (linear, so equivalent)
    hx = h @ p[f"conv{l}_Wx"]
    msg = hx[src] * kernel
    agg = jax.ops.segment_sum(msg, dst, num_segments=N)
    deg = jax.ops.segment_sum(jnp.ones((src.shape[0],), jnp.float32), dst, num_segments=N)
    agg = agg / jnp.maximum(deg, 1.0)[:, None]
    out = jax.nn.relu(agg + p[f"conv{l}_reg"][node_region] + p[f"conv{l}_b"])
    return out  # dropout is identity in eval mode

def reference(x, edge_index, node_region, params):
    pos = x[:, :2]
    h = x[:, 2:]
    src, dst = edge_index[0], edge_index[1]
    for l in range(3):
        h = _rsgcn_layer(h, pos, src, dst, node_region, params, l)
    z = jnp.concatenate([h[src], h[dst]], axis=-1)
    z = jax.nn.relu(z @ params["dec_W1"] + params["dec_b1"])
    z = jax.nn.relu(z @ params["dec_W2"] + params["dec_b2"])
    return jax.nn.sigmoid(z @ params["dec_W3"] + params["dec_b3"])

if __name__ == "__main__":
    import jax
    _d = setup_inputs()
    print(jax.jit(kernel)(*tuple(_d.values())))

</pallas_src>

<mosaic_0001>
#map = affine_map<(d0, d1) -> (0, 0)>
#map1 = affine_map<(d0, d1) -> (0)>
#map2 = affine_map<(d0, d1) -> (0, 0, 0)>
module attributes {stable_mosaic.version = 14 : i64} {
  func.func @prep(%arg0: i32, %arg1: i32, %arg2: memref<10000x128xf32, #tpu.memory_space<hbm>>, %arg3: memref<320000xi32, #tpu.memory_space<hbm>>, %arg4: memref<320000xi32, #tpu.memory_space<hbm>>, %arg5: memref<10000xi32, #tpu.memory_space<hbm>>, %arg6: memref<16x384xf32, #tpu.memory_space<hbm>>, %arg7: memref<10112x128xf32, #tpu.memory_space<hbm>>, %arg8: memref<320000x16xf32, #tpu.memory_space<hbm>>, %arg9: memref<2x10112x128xf32, #tpu.memory_space<hbm>>, %arg10: memref<10112x384xf32, #tpu.memory_space<hbm>>, %arg11: memref<10112x128xf32, #tpu.memory_space<vmem_shared>>, %arg12: memref<40xi32, #tpu.memory_space<vmem>>, %arg13: memref<40xi32, #tpu.memory_space<vmem>>, %arg14: memref<40x128xf32, #tpu.memory_space<vmem>>, %arg15: memref<40x128xf32, #tpu.memory_space<vmem>>, %arg16: memref<40x16xf32, #tpu.memory_space<vmem>>, %arg17: memref<40x128xf32, #tpu.memory_space<vmem>>, %arg18: memref<40xi32, #tpu.memory_space<vmem>>, %arg19: memref<40x384xf32, #tpu.memory_space<vmem>>, %arg20: memref<!tpu.dma_semaphore, #tpu.memory_space<semaphore_mem>>, %arg21: memref<!tpu.dma_semaphore, #tpu.memory_space<semaphore_mem>>) attributes {dimension_semantics = [#tpu.dimension_semantics<core_parallel>, #tpu.dimension_semantics<subcore_parallel>], iteration_bounds = array<i64: 2, 16>, scalar_prefetch = 0 : i64, scratch_operands = 11 : i64, tpu.core_type = #tpu.core_type<sc_vector_subcore>, window_params = [{transform_indices = #map}, {transform_indices = #map1}, {transform_indices = #map1}, {transform_indices = #map1}, {transform_indices = #map}, {transform_indices = #map}, {transform_indices = #map}, {transform_indices = #map2}, {transform_indices = #map}]} {
    %mul3A = arith.constant 2 : i32
    %mul3A_0 = arith.muli %arg1, %mul3A : i32
    %add3A = arith.addi %mul3A_0, %arg0 : i32
    %scan3A = arith.constant 0 : i32
    %scan3A_1 = arith.constant 0 : i32
    %scan3A_2 = arith.constant 40 : i32
    %scan3A_3 = arith.addi %scan3A_1, %scan3A_2 : i32
    %scan3A_4 = arith.constant 1 : i32
    %scan3A_5 = scf.for %scan3A_30 = %scan3A_1 to %scan3A_3 step %scan3A_4 iter_args(%scan3A_31 = %scan3A) -> (i32)  : i32 {
      %broadcast_in_dim3A = arith.constant 1.000000e+00 : f32
      %broadcast_in_dim3A_32 = vector.broadcast %broadcast_in_dim3A : f32 to vector<16xf32>
      %swap3A = arith.index_cast %scan3A_30 : i32 to index
      %swap3A_33 = arith.constant 0 : index
      %swap3A_34 = tpu.vector_load %arg17[%swap3A, %swap3A_33] {strides = array<i32>} : memref<40x128xf32, #tpu.memory_space<vmem>>, vector<1x16xf32>,
      %swap3A_35 = vector.shape_cast %swap3A_34 : vector<1x16xf32> to vector<16xf32>
      %swap3A_36 = vector.shape_cast %broadcast_in_dim3A_32 : vector<16xf32> to vector<1x16xf32>
      tpu.vector_store %arg17[%swap3A, %swap3A_33], %swap3A_36 {strides = array<i32>} : memref<40x128xf32, #tpu.memory_space<vmem>>, vector<1x16xf32>,
      %broadcast_in_dim3A_37 = arith.constant 1.000000e+00 : f32
      %broadcast_in_dim3A_38 = vector.broadcast %broadcast_in_dim3A_37 : f32 to vector<16xf32>
      %swap3A_39 = arith.index_cast %scan3A_30 : i32 to index
      %swap3A_40 = arith.constant 16 : index
      %swap3A_41 = tpu.vector_load %arg17[%swap3A_39, %swap3A_40] {strides = array<i32>} : memref<40x128xf32, #tpu.memory_space<vmem>>, vector<1x16xf32>,
      %swap3A_42 = vector.shape_cast %swap3A_41 : vector<1x16xf32> to vector<16xf32>
      %swap3A_43 = vector.shape_cast %broadcast_in_dim3A_38 : vector<16xf32> to vector<1x16xf32>
      tpu.vector_store %arg17[%swap3A_39, %swap3A_40], %swap3A_43 {strides = array<i32>} : memref<40x128xf32, #tpu.memory_space<vmem>>, vector<1x16xf32>,
      %broadcast_in_dim3A_44 = arith.constant 1.000000e+00 : f32
      %broadcast_in_dim3A_45 = vector.broadcast %broadcast_in_dim3A_44 : f32 to vector<16xf32>
      %swap3A_46 = arith.index_cast %scan3A_30 : i32 to index
      %swap3A_47 = arith.constant 32 : index
      %swap3A_48 = tpu.vector_load %arg17[%swap3A_46, %swap3A_47] {strides = array<i32>} : memref<40x128xf32, #tpu.memory_space<vmem>>, vector<1x16xf32>,
      %swap3A_49 = vector.shape_cast %swap3A_48 : vector<1x16xf32> to vector<16xf32>
      %swap3A_50 = vector.shape_cast %broadcast_in_dim3A_45 : vector<16xf32> to vector<1x16xf32>
      tpu.vector_store %arg17[%swap3A_46, %swap3A_47], %swap3A_50 {strides = array<i32>} : memref<40x128xf32, #tpu.memory_space<vmem>>, vector<1x16xf32>,
      %broadcast_in_dim3A_51 = arith.constant 1.000000e+00 : f32
      %broadcast_in_dim3A_52 = vector.broadcast %broadcast_in_dim3A_51 : f32 to vector<16xf32>
      %swap3A_53 = arith.index_cast %scan3A_30 : i32 to index
      %swap3A_54 = arith.constant 48 : index
      %swap3A_55 = tpu.vector_load %arg17[%swap3A_53, %swap3A_54] {strides = array<i32>} : memref<40x128xf32, #tpu.memory_space<vmem>>, vector<1x16xf32>,
      %swap3A_56 = vector.shape_cast %swap3A_55 : vector<1x16xf32> to vector<16xf32>
      %swap3A_57 = vector.shape_cast %broadcast_in_dim3A_52 : vector<16xf32> to vector<1x16xf32>
      tpu.vector_store %arg17[%swap3A_53, %swap3A_54], %swap3A_57 {strides = array<i32>} : memref<40x128xf32, #tpu.memory_space<vmem>>, vector<1x16xf32>,
      %broadcast_in_dim3A_58 = arith.constant 1.000000e+00 : f32
      %broadcast_in_dim3A_59 = vector.broadcast %broadcast_in_dim3A_58 : f32 to vector<16xf32>
      %swap3A_60 = arith.index_cast %scan3A_30 : i32 to index
      %swap3A_61 = arith.constant 64 : index
      %swap3A_62 = tpu.vector_load %arg17[%swap3A_60, %swap3A_61] {strides = array<i32>} : memref<40x128xf32, #tpu.memory_space<vmem>>, vector<1x16xf32>,
      %swap3A_63 = vector.shape_cast %swap3A_62 : vector<1x16xf32> to vector<16xf32>
      %swap3A_64 = vector.shape_cast %broadcast_in_dim3A_59 : vector<16xf32> to vector<1x16xf32>
      tpu.vector_store %arg17[%swap3A_60, %swap3A_61], %swap3A_64 {strides = array<i32>} : memref<40x128xf32, #tpu.memory_space<vmem>>, vector<1x16xf32>,
      %broadcast_in_dim3A_65 = arith.constant 1.000000e+00 : f32
      %broadcast_in_dim3A_66 = vector.broadcast %broadcast_in_dim3A_65 : f32 to vector<16xf32>
      %swap3A_67 = arith.index_cast %scan3A_30 : i32 to index
      %swap3A_68 = arith.constant 80 : index
      %swap3A_69 = tpu.vector_load %arg17[%swap3A_67, %swap3A_68] {strides = array<i32>} : memref<40x128xf32, #tpu.memory_space<vmem>>, vector<1x16xf32>,
      %swap3A_70 = vector.shape_cast %swap3A_69 : vector<1x16xf32> to vector<16xf32>
      %swap3A_71 = vector.shape_cast %broadcast_in_dim3A_66 : vector<16xf32> to vector<1x16xf32>
      tpu.vector_store %arg17[%swap3A_67, %swap3A_68], %swap3A_71 {strides = array<i32>} : memref<40x128xf32, #tpu.memory_space<vmem>>, vector<1x16xf32>,
      %broadcast_in_dim3A_72 = arith.constant 1.000000e+00 : f32
      %broadcast_in_dim3A_73 = vector.broadcast %broadcast_in_dim3A_72 : f32 to vector<16xf32>
      %swap3A_74 = arith.index_cast %scan3A_30 : i32 to index
      %swap3A_75 = arith.constant 96 : index
      %swap3A_76 = tpu.vector_load %arg17[%swap3A_74, %swap3A_75] {strides = array<i32>} : memref<40x128xf32, #tpu.memory_space<vmem>>, vector<1x16xf32>,
      %swap3A_77 = vector.shape_cast %swap3A_76 : vector<1x16xf32> to vector<16xf32>
      %swap3A_78 = vector.shape_cast %broadcast_in_dim3A_73 : vector<16xf32> to vector<1x16xf32>
      tpu.vector_store %arg17[%swap3A_74, %swap3A_75], %swap3A_78 {strides = array<i32>} : memref<40x128xf32, #tpu.memory_space<vmem>>, vector<1x16xf32>,
      %broadcast_in_dim3A_79 = arith.constant 1.000000e+00 : f32
      %broadcast_in_dim3A_80 = vector.broadcast %broadcast_in_dim3A_79 : f32 to vector<16xf32>
      %swap3A_81 = arith.index_cast %scan3A_30 : i32 to index
      %swap3A_82 = arith.constant 112 : index
      %swap3A_83 = tpu.vector_load %arg17[%swap3A_81, %swap3A_82] {strides = array<i32>} : memref<40x128xf32, #tpu.memory_space<vmem>>, vector<1x16xf32>,
      %swap3A_84 = vector.shape_cast %swap3A_83 : vector<1x16xf32> to vector<16xf32>
      %swap3A_85 = vector.shape_cast %broadcast_in_dim3A_80 : vector<16xf32> to vector<1x16xf32>
      tpu.vector_store %arg17[%swap3A_81, %swap3A_82], %swap3A_85 {strides = array<i32>} : memref<40x128xf32, #tpu.memory_space<vmem>>, vector<1x16xf32>,
      %scan3A_86 = arith.constant 0 : i32
      scf.yield %scan3A_86 : i32
    }
    %scan3A_6 = arith.constant 40 : i32
    %mul3A_7 = arith.constant 632 : i32
    %mul3A_8 = arith.muli %arg1, %mul3A_7 : i32
    %mul3A_9 = arith.constant 632 : i32
    %mul3A_10 = arith.muli %arg1, %mul3A_9 : i32
    "tpu.region"() ({
      %run_scoped3A = tpu.sem_alloc : memref<!tpu.dma_semaphore, #tpu.memory_space<semaphore_mem>>
      %dma_start3A = arith.constant 0 : i32
      %dma_start3A_30 = tpu.memref_slice %arg11[%mul3A_10, %dma_start3A] : memref<10112x128xf32, #tpu.memory_space<vmem_shared>> -> memref<632x128xf32, #tpu.memory_space<vmem_shared>>
      %dma_start3A_31 = arith.constant 0 : i32
      %dma_start3A_32 = tpu.memref_slice %arg7[%mul3A_8, %dma_start3A_31] : memref<10112x128xf32, #tpu.memory_space<hbm>> -> memref<632x128xf32, #tpu.memory_space<hbm>>
      tpu.enqueue_dma source(%dma_start3A_32 : memref<632x128xf32, #tpu.memory_space<hbm>>) target(%dma_start3A_30 : memref<632x128xf32, #tpu.memory_space<vmem_shared>>) target_semaphore(%run_scoped3A : memref<!tpu.dma_semaphore, #tpu.memory_space<semaphore_mem>>)
      %dma_wait3A = arith.constant 0 : i32
      %dma_wait3A_33 = tpu.memref_slice %arg11[%mul3A_10, %dma_wait3A] : memref<10112x128xf32, #tpu.memory_space<vmem_shared>> -> memref<632x128xf32, #tpu.memory_space<vmem_shared>>
      %dma_wait3A_34 = arith.constant 0 : i32
      %dma_wait3A_35 = tpu.memref_slice %arg7[%mul3A_8, %dma_wait3A_34] : memref<10112x128xf32, #tpu.memory_space<hbm>> -> memref<632x128xf32, #tpu.memory_space<hbm>>
      tpu.wait_dma2 semaphore(%run_scoped3A : memref<!tpu.dma_semaphore, #tpu.memory_space<semaphore_mem>>) src(%dma_wait3A_35 : memref<632x128xf32, #tpu.memory_space<hbm>>) dst(%dma_wait3A_33 : memref<632x128xf32, #tpu.memory_space<vmem_shared>>)
      tpu.yield
    }) : () -> ()
    %barrier3A = arith.constant 0 : index
    tpu.barrier barrier_id(%barrier3A)
    %scan3A_11 = arith.constant 0 : i32
    %scan3A_12 = arith.constant 0 : i32
    %scan3A_13 = arith.constant 250 : i32
    %scan3A_14 = arith.addi %scan3A_12, %scan3A_13 : i32
    %scan3A_15 = arith.constant 1 : i32
    %scan3A_16 = scf.for %scan3A_30 = %scan3A_12 to %scan3A_14 step %scan3A_15 iter_args(%scan3A_31 = %scan3A_11) -> (i32)  : i32 {
      %mul3A_32 = arith.constant 10000 : i32
      %mul3A_33 = arith.muli %add3A, %mul3A_32 : i32
      %mul3A_34 = arith.constant 40 : i32
      %mul3A_35 = arith.muli %scan3A_30, %mul3A_34 : i32
      %add3A_36 = arith.addi %mul3A_33, %mul3A_35 : i32
      "tpu.region"() ({
        %run_scoped3A = tpu.sem_alloc : memref<!tpu.dma_semaphore, #tpu.memory_space<semaphore_mem>>
        %dma_start3A_55 = tpu.memref_slice %arg3[%add3A_36] : memref<320000xi32, #tpu.memory_space<hbm>> -> memref<40xi32, #tpu.memory_space<hbm>>
        %dma_start3A_56 = tpu.memref_slice %arg3[%add3A_36] : memref<320000xi32, #tpu.memory_space<hbm>> -> memref<40xi32, #tpu.memory_space<hbm>>
        tpu.enqueue_dma source(%dma_start3A_56 : memref<40xi32, #tpu.memory_space<hbm>>) target(%arg12 : memref<40xi32, #tpu.memory_space<vmem>>) target_semaphore(%run_scoped3A : memref<!tpu.dma_semaphore, #tpu.memory_space<semaphore_mem>>)
        %dma_wait3A_57 = tpu.memref_slice %arg3[%add3A_36] : memref<320000xi32, #tpu.memory_space<hbm>> -> memref<40xi32, #tpu.memory_space<hbm>>
        %dma_wait3A_58 = tpu.memref_slice %arg3[%add3A_36] : memref<320000xi32, #tpu.memory_space<hbm>> -> memref<40xi32, #tpu.memory_space<hbm>>
        tpu.wait_dma2 semaphore(%run_scoped3A : memref<!tpu.dma_semaphore, #tpu.memory_space<semaphore_mem>>) src(%dma_wait3A_58 : memref<40xi32, #tpu.memory_space<hbm>>) dst(%arg12 : memref<40xi32, #tpu.memory_space<vmem>>)
        tpu.yield
      }) : () -> ()
      "tpu.region"() ({
        %run_scoped3A = tpu.sem_alloc : memref<!tpu.dma_semaphore, #tpu.memory_space<semaphore_mem>>
        %dma_start3A_55 = tpu.memref_slice %arg4[%add3A_36] : memref<320000xi32, #tpu.memory_space<hbm>> -> memref<40xi32, #tpu.memory_space<hbm>>
        %dma_start3A_56 = tpu.memref_slice %arg4[%add3A_36] : memref<320000xi32, #tpu.memory_space<hbm>> -> memref<40xi32, #tpu.memory_space<hbm>>
        tpu.enqueue_dma source(%dma_start3A_56 : memref<40xi32, #tpu.memory_space<hbm>>) target(%arg13 : memref<40xi32, #tpu.memory_space<vmem>>) target_semaphore(%run_scoped3A : memref<!tpu.dma_semaphore, #tpu.memory_space<semaphore_mem>>)
        %dma_wait3A_57 = tpu.memref_slice %arg4[%add3A_36] : memref<320000xi32, #tpu.memory_space<hbm>> -> memref<40xi32, #tpu.memory_space<hbm>>
        %dma_wait3A_58 = tpu.memref_slice %arg4[%add3A_36] : memref<320000xi32, #tpu.memory_space<hbm>> -> memref<40xi32, #tpu.memory_space<hbm>>
        tpu.wait_dma2 semaphore(%run_scoped3A : memref<!tpu.dma_semaphore, #tpu.memory_space<semaphore_mem>>) src(%dma_wait3A_58 : memref<40xi32, #tpu.memory_space<hbm>>) dst(%arg13 : memref<40xi32, #tpu.memory_space<vmem>>)
        tpu.yield
      }) : () -> ()
      %dma_start3A = arith.constant 0 : i32
      %dma_start3A_37 = arith.constant 0 : i32
      %dma_start3A_38 = tpu.memref_slice %arg2[%dma_start3A, %dma_start3A_37] : memref<10000x128xf32, #tpu.memory_space<hbm>> -> memref<10000x128xf32, #tpu.memory_space<hbm>>
      tpu.enqueue_indirect_dma source(%dma_start3A_38 : memref<10000x128xf32, #tpu.memory_space<hbm>>) target(%arg14 : memref<40x128xf32, #tpu.memory_space<vmem>>) offsets(%arg12 : memref<40xi32, #tpu.memory_space<vmem>>) semaphore(%arg20 : memref<!tpu.dma_semaphore, #tpu.memory_space<semaphore_mem>>)
      %dma_start3A_39 = arith.constant 0 : i32
      %dma_start3A_40 = arith.constant 0 : i32
      %dma_start3A_41 = tpu.memref_slice %arg2[%dma_start3A_39, %dma_start3A_40] : memref<10000x128xf32, #tpu.memory_space<hbm>> -> memref<10000x128xf32, #tpu.memory_space<hbm>>
      tpu.enqueue_indirect_dma source(%dma_start3A_41 : memref<10000x128xf32, #tpu.memory_space<hbm>>) target(%arg15 : memref<40x128xf32, #tpu.memory_space<vmem>>) offsets(%arg13 : memref<40xi32, #tpu.memory_space<vmem>>) semaphore(%arg21 : memref<!tpu.dma_semaphore, #tpu.memory_space<semaphore_mem>>)
      %dma_wait3A = arith.constant 0 : i32
      %dma_wait3A_42 = arith.constant 0 : i32
      %dma_wait3A_43 = tpu.memref_slice %arg2[%dma_wait3A, %dma_wait3A_42] : memref<10000x128xf32, #tpu.memory_space<hbm>> -> memref<10000x128xf32, #tpu.memory_space<hbm>>
      tpu.wait_indirect_dma semaphore(%arg20 : memref<!tpu.dma_semaphore, #tpu.memory_space<semaphore_mem>>) src(%dma_wait3A_43 : memref<10000x128xf32, #tpu.memory_space<hbm>>) dst(%arg14 : memref<40x128xf32, #tpu.memory_space<vmem>>)
      %dma_wait3A_44 = arith.constant 0 : i32
      %dma_wait3A_45 = arith.constant 0 : i32
      %dma_wait3A_46 = tpu.memref_slice %arg2[%dma_wait3A_44, %dma_wait3A_45] : memref<10000x128xf32, #tpu.memory_space<hbm>> -> memref<10000x128xf32, #tpu.memory_space<hbm>>
      tpu.wait_indirect_dma semaphore(%arg21 : memref<!tpu.dma_semaphore, #tpu.memory_space<semaphore_mem>>) src(%dma_wait3A_46 : memref<10000x128xf32, #tpu.memory_space<hbm>>) dst(%arg15 : memref<40x128xf32, #tpu.memory_space<vmem>>)
      %scan3A_47 = arith.constant 0 : i32
      %scan3A_48 = arith.constant 0 : i32
      %scan3A_49 = arith.constant 40 : i32
      %scan3A_50 = arith.addi %scan3A_48, %scan3A_49 : i32
      %scan3A_51 = arith.constant 1 : i32
      %scan3A_52 = scf.for %scan3A_55 = %scan3A_48 to %scan3A_50 step %scan3A_51 iter_args(%scan3A_56 = %scan3A_47) -> (i32)  : i32 {
        %get3A = arith.index_cast %scan3A_55 : i32 to index
        %get3A_57 = arith.constant 0 : index
        %get3A_58 = tpu.vector_load %arg14[%get3A, %get3A_57] {strides = array<i32>} : memref<40x128xf32, #tpu.memory_space<vmem>>, vector<1x16xf32>,
        %get3A_59 = vector.shape_cast %get3A_58 : vector<1x16xf32> to vector<16xf32>
        %get3A_60 = arith.index_cast %scan3A_55 : i32 to index
        %get3A_61 = arith.constant 0 : index
        %get3A_62 = tpu.vector_load %arg15[%get3A_60, %get3A_61] {strides = array<i32>} : memref<40x128xf32, #tpu.memory_space<vmem>>, vector<1x16xf32>,
        %get3A_63 = vector.shape_cast %get3A_62 : vector<1x16xf32> to vector<16xf32>
        %sub3A = arith.subf %get3A_59, %get3A_63 : vector<16xf32>
        %swap3A = arith.index_cast %scan3A_55 : i32 to index
        %swap3A_64 = arith.constant 0 : index
        %swap3A_65 = tpu.vector_load %arg16[%swap3A, %swap3A_64] {strides = array<i32>} : memref<40x16xf32, #tpu.memory_space<vmem>>, vector<1x16xf32>,
        %swap3A_66 = vector.shape_cast %swap3A_65 : vector<1x16xf32> to vector<16xf32>
        %swap3A_67 = vector.shape_cast %sub3A : vector<16xf32> to vector<1x16xf32>
        tpu.vector_store %arg16[%swap3A, %swap3A_64], %swap3A_67 {strides = array<i32>} : memref<40x16xf32, #tpu.memory_space<vmem>>, vector<1x16xf32>,
        %scan3A_68 = arith.constant 0 : i32
        scf.yield %scan3A_68 : i32
      }
      %scan3A_53 = arith.constant 40 : i32
      "tpu.region"() ({
        %run_scoped3A = tpu.sem_alloc : memref<!tpu.dma_semaphore, #tpu.memory_space<semaphore_mem>>
        %dma_start3A_55 = arith.constant 0 : i32
        %dma_start3A_56 = tpu.memref_slice %arg8[%add3A_36, %dma_start3A_55] : memref<320000x16xf32, #tpu.memory_space<hbm>> -> memref<40x16xf32, #tpu.memory_space<hbm>>
        %dma_start3A_57 = arith.constant 0 : i32
        %dma_start3A_58 = tpu.memref_slice %arg8[%add3A_36, %dma_start3A_57] : memref<320000x16xf32, #tpu.memory_space<hbm>> -> memref<40x16xf32, #tpu.memory_space<hbm>>
        tpu.enqueue_dma source(%arg16 : memref<40x16xf32, #tpu.memory_space<vmem>>) target(%dma_start3A_58 : memref<40x16xf32, #tpu.memory_space<hbm>>) target_semaphore(%run_scoped3A : memref<!tpu.dma_semaphore, #tpu.memory_space<semaphore_mem>>)
        %dma_wait3A_59 = arith.constant 0 : i32
        %dma_wait3A_60 = tpu.memref_slice %arg8[%add3A_36, %dma_wait3A_59] : memref<320000x16xf32, #tpu.memory_space<hbm>> -> memref<40x16xf32, #tpu.memory_space<hbm>>
        %dma_wait3A_61 = arith.constant 0 : i32
        %dma_wait3A_62 = tpu.memref_slice %arg8[%add3A_36, %dma_wait3A_61] : memref<320000x16xf32, #tpu.memory_space<hbm>> -> memref<40x16xf32, #tpu.memory_space<hbm>>
        tpu.wait_dma2 semaphore(%run_scoped3A : memref<!tpu.dma_semaphore, #tpu.memory_space<semaphore_mem>>) src(%arg16 : memref<40x16xf32, #tpu.memory_space<vmem>>) dst(%dma_wait3A_62 : memref<40x16xf32, #tpu.memory_space<hbm>>)
        tpu.yield
      }) : () -> ()
      "tpu.region"() ({
        %run_scoped3A = tpu.sem_alloc : memref<!tpu.dma_semaphore, #tpu.memory_space<semaphore_mem>>
        %dma_start3A_55 = arith.constant 0 : i32
        %dma_start3A_56 = arith.constant 0 : i32
        %dma_start3A_57 = tpu.memref_slice %arg11[%dma_start3A_55, %dma_start3A_56] : memref<10112x128xf32, #tpu.memory_space<vmem_shared>> -> memref<10112x128xf32, #tpu.memory_space<vmem_shared>>
        tpu.enqueue_indirect_dma source(%arg17 : memref<40x128xf32, #tpu.memory_space<vmem>>) target(%dma_start3A_57 : memref<10112x128xf32, #tpu.memory_space<vmem_shared>>) offsets(%arg13 : memref<40xi32, #tpu.memory_space<vmem>>) semaphore(%run_scoped3A : memref<!tpu.dma_semaphore, #tpu.memory_space<semaphore_mem>>) {add = true}
        %dma_wait3A_58 = arith.constant 0 : i32
        %dma_wait3A_59 = arith.constant 0 : i32
        %dma_wait3A_60 = tpu.memref_slice %arg11[%dma_wait3A_58, %dma_wait3A_59] : memref<10112x128xf32, #tpu.memory_space<vmem_shared>> -> memref<10112x128xf32, #tpu.memory_space<vmem_shared>>
        tpu.wait_indirect_dma semaphore(%run_scoped3A : memref<!tpu.dma_semaphore, #tpu.memory_space<semaphore_mem>>) src(%arg17 : memref<40x128xf32, #tpu.memory_space<vmem>>) dst(%dma_wait3A_60 : memref<10112x128xf32, #tpu.memory_space<vmem_shared>>)
        tpu.yield
      }) : () -> ()
      %scan3A_54 = arith.constant 0 : i32
      scf.yield %scan3A_54 : i32
    }
    %scan3A_17 = arith.constant 250 : i32
    %scan3A_18 = arith.constant 0 : i32
    %scan3A_19 = arith.constant 0 : i32
    %scan3A_20 = arith.constant 8 : i32
    %scan3A_21 = arith.addi %scan3A_19, %scan3A_20 : i32
    %scan3A_22 = arith.constant 1 : i32
    %scan3A_23 = scf.for %scan3A_30 = %scan3A_19 to %scan3A_21 step %scan3A_22 iter_args(%scan3A_31 = %scan3A_18) -> (i32)  : i32 {
      %mul3A_32 = arith.constant 32 : i32
      %mul3A_33 = arith.muli %scan3A_30, %mul3A_32 : i32
      %add3A_34 = arith.addi %add3A, %mul3A_33 : i32
      %lt3A = arith.constant 250 : i32
      %lt3A_35 = arith.cmpi slt, %add3A_34, %lt3A : i32
      %convert_element_type3A = arith.extui %lt3A_35 : i1 to i32
      %cond3A = arith.constant 0 : i32
      %cond3A_36 = arith.cmpi ne, %convert_element_type3A, %cond3A : i32
      scf.if %cond3A_36 {
        %mul3A_38 = arith.constant 40 : i32
        %mul3A_39 = arith.muli %add3A_34, %mul3A_38 : i32
        "tpu.region"() ({
          %run_scoped3A = tpu.sem_alloc : memref<!tpu.dma_semaphore, #tpu.memory_space<semaphore_mem>>
          %dma_start3A_44 = tpu.memref_slice %arg5[%mul3A_39] : memref<10000xi32, #tpu.memory_space<hbm>> -> memref<40xi32, #tpu.memory_space<hbm>>
          %dma_start3A_45 = tpu.memref_slice %arg5[%mul3A_39] : memref<10000xi32, #tpu.memory_space<hbm>> -> memref<40xi32, #tpu.memory_space<hbm>>
          tpu.enqueue_dma source(%dma_start3A_45 : memref<40xi32, #tpu.memory_space<hbm>>) target(%arg18 : memref<40xi32, #tpu.memory_space<vmem>>) target_semaphore(%run_scoped3A : memref<!tpu.dma_semaphore, #tpu.memory_space<semaphore_mem>>)
          %dma_wait3A_46 = tpu.memref_slice %arg5[%mul3A_39] : memref<10000xi32, #tpu.memory_space<hbm>> -> memref<40xi32, #tpu.memory_space<hbm>>
          %dma_wait3A_47 = tpu.memref_slice %arg5[%mul3A_39] : memref<10000xi32, #tpu.memory_space<hbm>> -> memref<40xi32, #tpu.memory_space<hbm>>
          tpu.wait_dma2 semaphore(%run_scoped3A : memref<!tpu.dma_semaphore, #tpu.memory_space<semaphore_mem>>) src(%dma_wait3A_47 : memref<40xi32, #tpu.memory_space<hbm>>) dst(%arg18 : memref<40xi32, #tpu.memory_space<vmem>>)
          tpu.yield
        }) : () -> ()
        %dma_start3A = arith.constant 0 : i32
        %dma_start3A_40 = arith.constant 0 : i32
        %dma_start3A_41 = tpu.memref_slice %arg6[%dma_start3A, %dma_start3A_40] : memref<16x384xf32, #tpu.memory_space<hbm>> -> memref<16x384xf32, #tpu.memory_space<hbm>>
        tpu.enqueue_indirect_dma source(%dma_start3A_41 : memref<16x384xf32, #tpu.memory_space<hbm>>) target(%arg19 : memref<40x384xf32, #tpu.memory_space<vmem>>) offsets(%arg18 : memref<40xi32, #tpu.memory_space<vmem>>) semaphore(%arg20 : memref<!tpu.dma_semaphore, #tpu.memory_space<semaphore_mem>>)
        %dma_wait3A = arith.constant 0 : i32
        %dma_wait3A_42 = arith.constant 0 : i32
        %dma_wait3A_43 = tpu.memref_slice %arg6[%dma_wait3A, %dma_wait3A_42] : memref<16x384xf32, #tpu.memory_space<hbm>> -> memref<16x384xf32, #tpu.memory_space<hbm>>
        tpu.wait_indirect_dma semaphore(%arg20 : memref<!tpu.dma_semaphore, #tpu.memory_space<semaphore_mem>>) src(%dma_wait3A_43 : memref<16x384xf32, #tpu.memory_space<hbm>>) dst(%arg19 : memref<40x384xf32, #tpu.memory_space<vmem>>)
        "tpu.region"() ({
          %run_scoped3A = tpu.sem_alloc : memref<!tpu.dma_semaphore, #tpu.memory_space<semaphore_mem>>
          %dma_start3A_44 = arith.constant 0 : i32
          %dma_start3A_45 = tpu.memref_slice %arg10[%mul3A_39, %dma_start3A_44] : memref<10112x384xf32, #tpu.memory_space<hbm>> -> memref<40x384xf32, #tpu.memory_space<hbm>>
          %dma_start3A_46 = arith.constant 0 : i32
          %dma_start3A_47 = tpu.memref_slice %arg10[%mul3A_39, %dma_start3A_46] : memref<10112x384xf32, #tpu.memory_space<hbm>> -> memref<40x384xf32, #tpu.memory_space<hbm>>
          tpu.enqueue_dma source(%arg19 : memref<40x384xf32, #tpu.memory_space<vmem>>) target(%dma_start3A_47 : memref<40x384xf32, #tpu.memory_space<hbm>>) target_semaphore(%run_scoped3A : memref<!tpu.dma_semaphore, #tpu.memory_space<semaphore_mem>>)
          %dma_wait3A_48 = arith.constant 0 : i32
          %dma_wait3A_49 = tpu.memref_slice %arg10[%mul3A_39, %dma_wait3A_48] : memref<10112x384xf32, #tpu.memory_space<hbm>> -> memref<40x384xf32, #tpu.memory_space<hbm>>
          %dma_wait3A_50 = arith.constant 0 : i32
          %dma_wait3A_51 = tpu.memref_slice %arg10[%mul3A_39, %dma_wait3A_50] : memref<10112x384xf32, #tpu.memory_space<hbm>> -> memref<40x384xf32, #tpu.memory_space<hbm>>
          tpu.wait_dma2 semaphore(%run_scoped3A : memref<!tpu.dma_semaphore, #tpu.memory_space<semaphore_mem>>) src(%arg19 : memref<40x384xf32, #tpu.memory_space<vmem>>) dst(%dma_wait3A_51 : memref<40x384xf32, #tpu.memory_space<hbm>>)
          tpu.yield
        }) : () -> ()
      } else {
      }
      %scan3A_37 = arith.constant 0 : i32
      scf.yield %scan3A_37 : i32
    }
    %scan3A_24 = arith.constant 8 : i32
    %barrier3A_25 = arith.constant 0 : index
    tpu.barrier barrier_id(%barrier3A_25)
    %mul3A_26 = arith.constant 632 : i32
    %mul3A_27 = arith.muli %arg1, %mul3A_26 : i32
    %mul3A_28 = arith.constant 632 : i32
    %mul3A_29 = arith.muli %arg1, %mul3A_28 : i32
    "tpu.region"() ({
      %run_scoped3A = tpu.sem_alloc : memref<!tpu.dma_semaphore, #tpu.memory_space<semaphore_mem>>
      %dma_start3A = arith.constant 0 : i32
      %dma_start3A_30 = tpu.memref_slice %arg9[%arg0, %mul3A_29, %dma_start3A] : memref<2x10112x128xf32, #tpu.memory_space<hbm>> -> memref<1x632x128xf32, #tpu.memory_space<hbm>>
      %dma_start3A_31 = tpu.memref_squeeze %dma_start3A_30 : memref<1x632x128xf32, #tpu.memory_space<hbm>> -> memref<632x128xf32, #tpu.memory_space<hbm>>
      %dma_start3A_32 = arith.constant 0 : i32
      %dma_start3A_33 = tpu.memref_slice %arg11[%mul3A_27, %dma_start3A_32] : memref<10112x128xf32, #tpu.memory_space<vmem_shared>> -> memref<632x128xf32, #tpu.memory_space<vmem_shared>>
      tpu.enqueue_dma source(%dma_start3A_33 : memref<632x128xf32, #tpu.memory_space<vmem_shared>>) target(%dma_start3A_31 : memref<632x128xf32, #tpu.memory_space<hbm>>) target_semaphore(%run_scoped3A : memref<!tpu.dma_semaphore, #tpu.memory_space<semaphore_mem>>)
      %dma_wait3A = arith.constant 0 : i32
      %dma_wait3A_34 = tpu.memref_slice %arg9[%arg0, %mul3A_29, %dma_wait3A] : memref<2x10112x128xf32, #tpu.memory_space<hbm>> -> memref<1x632x128xf32, #tpu.memory_space<hbm>>
      %dma_wait3A_35 = tpu.memref_squeeze %dma_wait3A_34 : memref<1x632x128xf32, #tpu.memory_space<hbm>> -> memref<632x128xf32, #tpu.memory_space<hbm>>
      %dma_wait3A_36 = arith.constant 0 : i32
      %dma_wait3A_37 = tpu.memref_slice %arg11[%mul3A_27, %dma_wait3A_36] : memref<10112x128xf32, #tpu.memory_space<vmem_shared>> -> memref<632x128xf32, #tpu.memory_space<vmem_shared>>
      tpu.wait_dma2 semaphore(%run_scoped3A : memref<!tpu.dma_semaphore, #tpu.memory_space<semaphore_mem>>) src(%dma_wait3A_37 : memref<632x128xf32, #tpu.memory_space<vmem_shared>>) dst(%dma_wait3A_35 : memref<632x128xf32, #tpu.memory_space<hbm>>)
      tpu.yield
    }) : () -> ()
    return
  }
}

#map = affine_map<(d0, d1) -> (0, 0)>
#map1 = affine_map<(d0, d1) -> (0)>
#map2 = affine_map<(d0, d1) -> (0, 0, 0)>
module attributes {stable_mosaic.version = 14 : i64} {
  func.func @agg(%arg0: i32, %arg1: i32, %arg2: memref<10112x128xf32, #tpu.memory_space<hbm>>, %arg3: memref<320000x128xf32, #tpu.memory_space<hbm>>, %arg4: memref<320000xi32, #tpu.memory_space<hbm>>, %arg5: memref<320000xi32, #tpu.memory_space<hbm>>, %arg6: memref<10112x128xf32, #tpu.memory_space<hbm>>, %arg7: memref<2x10112x128xf32, #tpu.memory_space<hbm>>, %arg8: memref<10112x128xf32, #tpu.memory_space<vmem_shared>>, %arg9: memref<80xi32, #tpu.memory_space<vmem>>, %arg10: memref<80xi32, #tpu.memory_space<vmem>>, %arg11: memref<80x128xf32, #tpu.memory_space<vmem>>, %arg12: memref<80x128xf32, #tpu.memory_space<vmem>>, %arg13: memref<!tpu.dma_semaphore, #tpu.memory_space<semaphore_mem>>, %arg14: memref<!tpu.dma_semaphore, #tpu.memory_space<semaphore_mem>>) attributes {dimension_semantics = [#tpu.dimension_semantics<core_parallel>, #tpu.dimension_semantics<subcore_parallel>], iteration_bounds = array<i64: 2, 16>, scalar_prefetch = 0 : i64, scratch_operands = 7 : i64, tpu.core_type = #tpu.core_type<sc_vector_subcore>, window_params = [{transform_indices = #map}, {transform_indices = #map}, {transform_indices = #map1}, {transform_indices = #map1}, {transform_indices = #map}, {transform_indices = #map2}]} {
    %mul3A = arith.constant 2 : i32
    %mul3A_0 = arith.muli %arg1, %mul3A : i32
    %add3A = arith.addi %mul3A_0, %arg0 : i32
    %mul3A_1 = arith.constant 632 : i32
    %mul3A_2 = arith.muli %arg1, %mul3A_1 : i32
    %mul3A_3 = arith.constant 632 : i32
    %mul3A_4 = arith.muli %arg1, %mul3A_3 : i32
    "tpu.region"() ({
      %run_scoped3A = tpu.sem_alloc : memref<!tpu.dma_semaphore, #tpu.memory_space<semaphore_mem>>
      %dma_start3A = arith.constant 0 : i32
      %dma_start3A_16 = tpu.memref_slice %arg8[%mul3A_4, %dma_start3A] : memref<10112x128xf32, #tpu.memory_space<vmem_shared>> -> memref<632x128xf32, #tpu.memory_space<vmem_shared>>
      %dma_start3A_17 = arith.constant 0 : i32
      %dma_start3A_18 = tpu.memref_slice %arg6[%mul3A_2, %dma_start3A_17] : memref<10112x128xf32, #tpu.memory_space<hbm>> -> memref<632x128xf32, #tpu.memory_space<hbm>>
      tpu.enqueue_dma source(%dma_start3A_18 : memref<632x128xf32, #tpu.memory_space<hbm>>) target(%dma_start3A_16 : memref<632x128xf32, #tpu.memory_space<vmem_shared>>) target_semaphore(%run_scoped3A : memref<!tpu.dma_semaphore, #tpu.memory_space<semaphore_mem>>)
      %dma_wait3A = arith.constant 0 : i32
      %dma_wait3A_19 = tpu.memref_slice %arg8[%mul3A_4, %dma_wait3A] : memref<10112x128xf32, #tpu.memory_space<vmem_shared>> -> memref<632x128xf32, #tpu.memory_space<vmem_shared>>
      %dma_wait3A_20 = arith.constant 0 : i32
      %dma_wait3A_21 = tpu.memref_slice %arg6[%mul3A_2, %dma_wait3A_20] : memref<10112x128xf32, #tpu.memory_space<hbm>> -> memref<632x128xf32, #tpu.memory_space<hbm>>
      tpu.wait_dma2 semaphore(%run_scoped3A : memref<!tpu.dma_semaphore, #tpu.memory_space<semaphore_mem>>) src(%dma_wait3A_21 : memref<632x128xf32, #tpu.memory_space<hbm>>) dst(%dma_wait3A_19 : memref<632x128xf32, #tpu.memory_space<vmem_shared>>)
      tpu.yield
    }) : () -> ()
    %barrier3A = arith.constant 0 : index
    tpu.barrier barrier_id(%barrier3A)
    %scan3A = arith.constant 0 : i32
    %scan3A_5 = arith.constant 0 : i32
    %scan3A_6 = arith.constant 125 : i32
    %scan3A_7 = arith.addi %scan3A_5, %scan3A_6 : i32
    %scan3A_8 = arith.constant 1 : i32
    %scan3A_9 = scf.for %scan3A_16 = %scan3A_5 to %scan3A_7 step %scan3A_8 iter_args(%scan3A_17 = %scan3A) -> (i32)  : i32 {
      %mul3A_18 = arith.constant 10000 : i32
      %mul3A_19 = arith.muli %add3A, %mul3A_18 : i32
      %mul3A_20 = arith.constant 80 : i32
      %mul3A_21 = arith.muli %scan3A_16, %mul3A_20 : i32
      %add3A_22 = arith.addi %mul3A_19, %mul3A_21 : i32
      "tpu.region"() ({
        %run_scoped3A = tpu.sem_alloc : memref<!tpu.dma_semaphore, #tpu.memory_space<semaphore_mem>>
        %dma_start3A_43 = tpu.memref_slice %arg4[%add3A_22] : memref<320000xi32, #tpu.memory_space<hbm>> -> memref<80xi32, #tpu.memory_space<hbm>>
        %dma_start3A_44 = tpu.memref_slice %arg4[%add3A_22] : memref<320000xi32, #tpu.memory_space<hbm>> -> memref<80xi32, #tpu.memory_space<hbm>>
        tpu.enqueue_dma source(%dma_start3A_44 : memref<80xi32, #tpu.memory_space<hbm>>) target(%arg9 : memref<80xi32, #tpu.memory_space<vmem>>) target_semaphore(%run_scoped3A : memref<!tpu.dma_semaphore, #tpu.memory_space<semaphore_mem>>)
        %dma_wait3A_45 = tpu.memref_slice %arg4[%add3A_22] : memref<320000xi32, #tpu.memory_space<hbm>> -> memref<80xi32, #tpu.memory_space<hbm>>
        %dma_wait3A_46 = tpu.memref_slice %arg4[%add3A_22] : memref<320000xi32, #tpu.memory_space<hbm>> -> memref<80xi32, #tpu.memory_space<hbm>>
        tpu.wait_dma2 semaphore(%run_scoped3A : memref<!tpu.dma_semaphore, #tpu.memory_space<semaphore_mem>>) src(%dma_wait3A_46 : memref<80xi32, #tpu.memory_space<hbm>>) dst(%arg9 : memref<80xi32, #tpu.memory_space<vmem>>)
        tpu.yield
      }) : () -> ()
      "tpu.region"() ({
        %run_scoped3A = tpu.sem_alloc : memref<!tpu.dma_semaphore, #tpu.memory_space<semaphore_mem>>
        %dma_start3A_43 = tpu.memref_slice %arg5[%add3A_22] : memref<320000xi32, #tpu.memory_space<hbm>> -> memref<80xi32, #tpu.memory_space<hbm>>
        %dma_start3A_44 = tpu.memref_slice %arg5[%add3A_22] : memref<320000xi32, #tpu.memory_space<hbm>> -> memref<80xi32, #tpu.memory_space<hbm>>
        tpu.enqueue_dma source(%dma_start3A_44 : memref<80xi32, #tpu.memory_space<hbm>>) target(%arg10 : memref<80xi32, #tpu.memory_space<vmem>>) target_semaphore(%run_scoped3A : memref<!tpu.dma_semaphore, #tpu.memory_space<semaphore_mem>>)
        %dma_wait3A_45 = tpu.memref_slice %arg5[%add3A_22] : memref<320000xi32, #tpu.memory_space<hbm>> -> memref<80xi32, #tpu.memory_space<hbm>>
        %dma_wait3A_46 = tpu.memref_slice %arg5[%add3A_22] : memref<320000xi32, #tpu.memory_space<hbm>> -> memref<80xi32, #tpu.memory_space<hbm>>
        tpu.wait_dma2 semaphore(%run_scoped3A : memref<!tpu.dma_semaphore, #tpu.memory_space<semaphore_mem>>) src(%dma_wait3A_46 : memref<80xi32, #tpu.memory_space<hbm>>) dst(%arg10 : memref<80xi32, #tpu.memory_space<vmem>>)
        tpu.yield
      }) : () -> ()
      %dma_start3A = arith.constant 0 : i32
      %dma_start3A_23 = arith.constant 0 : i32
      %dma_start3A_24 = tpu.memref_slice %arg2[%dma_start3A, %dma_start3A_23] : memref<10112x128xf32, #tpu.memory_space<hbm>> -> memref<10112x128xf32, #tpu.memory_space<hbm>>
      tpu.enqueue_indirect_dma source(%dma_start3A_24 : memref<10112x128xf32, #tpu.memory_space<hbm>>) target(%arg11 : memref<80x128xf32, #tpu.memory_space<vmem>>) offsets(%arg9 : memref<80xi32, #tpu.memory_space<vmem>>) semaphore(%arg13 : memref<!tpu.dma_semaphore, #tpu.memory_space<semaphore_mem>>)
      %dma_start3A_25 = arith.constant 0 : i32
      %dma_start3A_26 = tpu.memref_slice %arg3[%add3A_22, %dma_start3A_25] : memref<320000x128xf32, #tpu.memory_space<hbm>> -> memref<80x128xf32, #tpu.memory_space<hbm>>
      %dma_start3A_27 = arith.constant 0 : i32
      %dma_start3A_28 = tpu.memref_slice %arg3[%add3A_22, %dma_start3A_27] : memref<320000x128xf32, #tpu.memory_space<hbm>> -> memref<80x128xf32, #tpu.memory_space<hbm>>
      tpu.enqueue_dma source(%dma_start3A_28 : memref<80x128xf32, #tpu.memory_space<hbm>>) target(%arg12 : memref<80x128xf32, #tpu.memory_space<vmem>>) target_semaphore(%arg14 : memref<!tpu.dma_semaphore, #tpu.memory_space<semaphore_mem>>)
      %dma_wait3A = arith.constant 0 : i32
      %dma_wait3A_29 = arith.constant 0 : i32
      %dma_wait3A_30 = tpu.memref_slice %arg2[%dma_wait3A, %dma_wait3A_29] : memref<10112x128xf32, #tpu.memory_space<hbm>> -> memref<10112x128xf32, #tpu.memory_space<hbm>>
      tpu.wait_indirect_dma semaphore(%arg13 : memref<!tpu.dma_semaphore, #tpu.memory_space<semaphore_mem>>) src(%dma_wait3A_30 : memref<10112x128xf32, #tpu.memory_space<hbm>>) dst(%arg11 : memref<80x128xf32, #tpu.memory_space<vmem>>)
      %dma_wait3A_31 = arith.constant 0 : i32
      %dma_wait3A_32 = tpu.memref_slice %arg3[%add3A_22, %dma_wait3A_31] : memref<320000x128xf32, #tpu.memory_space<hbm>> -> memref<80x128xf32, #tpu.memory_space<hbm>>
      %dma_wait3A_33 = arith.constant 0 : i32
      %dma_wait3A_34 = tpu.memref_slice %arg3[%add3A_22, %dma_wait3A_33] : memref<320000x128xf32, #tpu.memory_space<hbm>> -> memref<80x128xf32, #tpu.memory_space<hbm>>
      tpu.wait_dma2 semaphore(%arg14 : memref<!tpu.dma_semaphore, #tpu.memory_space<semaphore_mem>>) src(%dma_wait3A_34 : memref<80x128xf32, #tpu.memory_space<hbm>>) dst(%arg12 : memref<80x128xf32, #tpu.memory_space<vmem>>)
      %scan3A_35 = arith.constant 0 : i32
      %scan3A_36 = arith.constant 0 : i32
      %scan3A_37 = arith.constant 80 : i32
      %scan3A_38 = arith.addi %scan3A_36, %scan3A_37 : i32
      %scan3A_39 = arith.constant 1 : i32
      %scan3A_40 = scf.for %scan3A_43 = %scan3A_36 to %scan3A_38 step %scan3A_39 iter_args(%scan3A_44 = %scan3A_35) -> (i32)  : i32 {
        %get3A = arith.index_cast %scan3A_43 : i32 to index
        %get3A_45 = arith.constant 0 : index
        %get3A_46 = tpu.vector_load %arg11[%get3A, %get3A_45] {strides = array<i32>} : memref<80x128xf32, #tpu.memory_space<vmem>>, vector<1x16xf32>,
        %get3A_47 = vector.shape_cast %get3A_46 : vector<1x16xf32> to vector<16xf32>
        %get3A_48 = arith.index_cast %scan3A_43 : i32 to index
        %get3A_49 = arith.constant 0 : index
        %get3A_50 = tpu.vector_load %arg12[%get3A_48, %get3A_49] {strides = array<i32>} : memref<80x128xf32, #tpu.memory_space<vmem>>, vector<1x16xf32>,
        %get3A_51 = vector.shape_cast %get3A_50 : vector<1x16xf32> to vector<16xf32>
        %mul3A_52 = arith.mulf %get3A_47, %get3A_51 : vector<16xf32>
        %swap3A = arith.index_cast %scan3A_43 : i32 to index
        %swap3A_53 = arith.constant 0 : index
        %swap3A_54 = tpu.vector_load %arg11[%swap3A, %swap3A_53] {strides = array<i32>} : memref<80x128xf32, #tpu.memory_space<vmem>>, vector<1x16xf32>,
        %swap3A_55 = vector.shape_cast %swap3A_54 : vector<1x16xf32> to vector<16xf32>
        %swap3A_56 = vector.shape_cast %mul3A_52 : vector<16xf32> to vector<1x16xf32>
        tpu.vector_store %arg11[%swap3A, %swap3A_53], %swap3A_56 {strides = array<i32>} : memref<80x128xf32, #tpu.memory_space<vmem>>, vector<1x16xf32>,
        %get3A_57 = arith.index_cast %scan3A_43 : i32 to index
        %get3A_58 = arith.constant 16 : index
        %get3A_59 = tpu.vector_load %arg11[%get3A_57, %get3A_58] {strides = array<i32>} : memref<80x128xf32, #tpu.memory_space<vmem>>, vector<1x16xf32>,
        %get3A_60 = vector.shape_cast %get3A_59 : vector<1x16xf32> to vector<16xf32>
        %get3A_61 = arith.index_cast %scan3A_43 : i32 to index
        %get3A_62 = arith.constant 16 : index
        %get3A_63 = tpu.vector_load %arg12[%get3A_61, %get3A_62] {strides = array<i32>} : memref<80x128xf32, #tpu.memory_space<vmem>>, vector<1x16xf32>,
        %get3A_64 = vector.shape_cast %get3A_63 : vector<1x16xf32> to vector<16xf32>
        %mul3A_65 = arith.mulf %get3A_60, %get3A_64 : vector<16xf32>
        %swap3A_66 = arith.index_cast %scan3A_43 : i32 to index
        %swap3A_67 = arith.constant 16 : index
        %swap3A_68 = tpu.vector_load %arg11[%swap3A_66, %swap3A_67] {strides = array<i32>} : memref<80x128xf32, #tpu.memory_space<vmem>>, vector<1x16xf32>,
        %swap3A_69 = vector.shape_cast %swap3A_68 : vector<1x16xf32> to vector<16xf32>
        %swap3A_70 = vector.shape_cast %mul3A_65 : vector<16xf32> to vector<1x16xf32>
        tpu.vector_store %arg11[%swap3A_66, %swap3A_67], %swap3A_70 {strides = array<i32>} : memref<80x128xf32, #tpu.memory_space<vmem>>, vector<1x16xf32>,
        %get3A_71 = arith.index_cast %scan3A_43 : i32 to index
        %get3A_72 = arith.constant 32 : index
        %get3A_73 = tpu.vector_load %arg11[%get3A_71, %get3A_72] {strides = array<i32>} : memref<80x128xf32, #tpu.memory_space<vmem>>, vector<1x16xf32>,
        %get3A_74 = vector.shape_cast %get3A_73 : vector<1x16xf32> to vector<16xf32>
        %get3A_75 = arith.index_cast %scan3A_43 : i32 to index
        %get3A_76 = arith.constant 32 : index
        %get3A_77 = tpu.vector_load %arg12[%get3A_75, %get3A_76] {strides = array<i32>} : memref<80x128xf32, #tpu.memory_space<vmem>>, vector<1x16xf32>,
        %get3A_78 = vector.shape_cast %get3A_77 : vector<1x16xf32> to vector<16xf32>
        %mul3A_79 = arith.mulf %get3A_74, %get3A_78 : vector<16xf32>
        %swap3A_80 = arith.index_cast %scan3A_43 : i32 to index
        %swap3A_81 = arith.constant 32 : index
        %swap3A_82 = tpu.vector_load %arg11[%swap3A_80, %swap3A_81] {strides = array<i32>} : memref<80x128xf32, #tpu.memory_space<vmem>>, vector<1x16xf32>,
        %swap3A_83 = vector.shape_cast %swap3A_82 : vector<1x16xf32> to vector<16xf32>
        %swap3A_84 = vector.shape_cast %mul3A_79 : vector<16xf32> to vector<1x16xf32>
        tpu.vector_store %arg11[%swap3A_80, %swap3A_81], %swap3A_84 {strides = array<i32>} : memref<80x128xf32, #tpu.memory_space<vmem>>, vector<1x16xf32>,
        %get3A_85 = arith.index_cast %scan3A_43 : i32 to index
        %get3A_86 = arith.constant 48 : index
        %get3A_87 = tpu.vector_load %arg11[%get3A_85, %get3A_86] {strides = array<i32>} : memref<80x128xf32, #tpu.memory_space<vmem>>, vector<1x16xf32>,
        %get3A_88 = vector.shape_cast %get3A_87 : vector<1x16xf32> to vector<16xf32>
        %get3A_89 = arith.index_cast %scan3A_43 : i32 to index
        %get3A_90 = arith.constant 48 : index
        %get3A_91 = tpu.vector_load %arg12[%get3A_89, %get3A_90] {strides = array<i32>} : memref<80x128xf32, #tpu.memory_space<vmem>>, vector<1x16xf32>,
        %get3A_92 = vector.shape_cast %get3A_91 : vector<1x16xf32> to vector<16xf32>
        %mul3A_93 = arith.mulf %get3A_88, %get3A_92 : vector<16xf32>
        %swap3A_94 = arith.index_cast %scan3A_43 : i32 to index
        %swap3A_95 = arith.constant 48 : index
        %swap3A_96 = tpu.vector_load %arg11[%swap3A_94, %swap3A_95] {strides = array<i32>} : memref<80x128xf32, #tpu.memory_space<vmem>>, vector<1x16xf32>,
        %swap3A_97 = vector.shape_cast %swap3A_96 : vector<1x16xf32> to vector<16xf32>
        %swap3A_98 = vector.shape_cast %mul3A_93 : vector<16xf32> to vector<1x16xf32>
        tpu.vector_store %arg11[%swap3A_94, %swap3A_95], %swap3A_98 {strides = array<i32>} : memref<80x128xf32, #tpu.memory_space<vmem>>, vector<1x16xf32>,
        %get3A_99 = arith.index_cast %scan3A_43 : i32 to index
        %get3A_100 = arith.constant 64 : index
        %get3A_101 = tpu.vector_load %arg11[%get3A_99, %get3A_100] {strides = array<i32>} : memref<80x128xf32, #tpu.memory_space<vmem>>, vector<1x16xf32>,
        %get3A_102 = vector.shape_cast %get3A_101 : vector<1x16xf32> to vector<16xf32>
        %get3A_103 = arith.index_cast %scan3A_43 : i32 to index
        %get3A_104 = arith.constant 64 : index
        %get3A_105 = tpu.vector_load %arg12[%get3A_103, %get3A_104] {strides = array<i32>} : memref<80x128xf32, #tpu.memory_space<vmem>>, vector<1x16xf32>,
        %get3A_106 = vector.shape_cast %get3A_105 : vector<1x16xf32> to vector<16xf32>
        %mul3A_107 = arith.mulf %get3A_102, %get3A_106 : vector<16xf32>
        %swap3A_108 = arith.index_cast %scan3A_43 : i32 to index
        %swap3A_109 = arith.constant 64 : index
        %swap3A_110 = tpu.vector_load %arg11[%swap3A_108, %swap3A_109] {strides = array<i32>} : memref<80x128xf32, #tpu.memory_space<vmem>>, vector<1x16xf32>,
        %swap3A_111 = vector.shape_cast %swap3A_110 : vector<1x16xf32> to vector<16xf32>
        %swap3A_112 = vector.shape_cast %mul3A_107 : vector<16xf32> to vector<1x16xf32>
        tpu.vector_store %arg11[%swap3A_108, %swap3A_109], %swap3A_112 {strides = array<i32>} : memref<80x128xf32, #tpu.memory_space<vmem>>, vector<1x16xf32>,
        %get3A_113 = arith.index_cast %scan3A_43 : i32 to index
        %get3A_114 = arith.constant 80 : index
        %get3A_115 = tpu.vector_load %arg11[%get3A_113, %get3A_114] {strides = array<i32>} : memref<80x128xf32, #tpu.memory_space<vmem>>, vector<1x16xf32>,
        %get3A_116 = vector.shape_cast %get3A_115 : vector<1x16xf32> to vector<16xf32>
        %get3A_117 = arith.index_cast %scan3A_43 : i32 to index
        %get3A_118 = arith.constant 80 : index
        %get3A_119 = tpu.vector_load %arg12[%get3A_117, %get3A_118] {strides = array<i32>} : memref<80x128xf32, #tpu.memory_space<vmem>>, vector<1x16xf32>,
        %get3A_120 = vector.shape_cast %get3A_119 : vector<1x16xf32> to vector<16xf32>
        %mul3A_121 = arith.mulf %get3A_116, %get3A_120 : vector<16xf32>
        %swap3A_122 = arith.index_cast %scan3A_43 : i32 to index
        %swap3A_123 = arith.constant 80 : index
        %swap3A_124 = tpu.vector_load %arg11[%swap3A_122, %swap3A_123] {strides = array<i32>} : memref<80x128xf32, #tpu.memory_space<vmem>>, vector<1x16xf32>,
        %swap3A_125 = vector.shape_cast %swap3A_124 : vector<1x16xf32> to vector<16xf32>
        %swap3A_126 = vector.shape_cast %mul3A_121 : vector<16xf32> to vector<1x16xf32>
        tpu.vector_store %arg11[%swap3A_122, %swap3A_123], %swap3A_126 {strides = array<i32>} : memref<80x128xf32, #tpu.memory_space<vmem>>, vector<1x16xf32>,
        %get3A_127 = arith.index_cast %scan3A_43 : i32 to index
        %get3A_128 = arith.constant 96 : index
        %get3A_129 = tpu.vector_load %arg11[%get3A_127, %get3A_128] {strides = array<i32>} : memref<80x128xf32, #tpu.memory_space<vmem>>, vector<1x16xf32>,
        %get3A_130 = vector.shape_cast %get3A_129 : vector<1x16xf32> to vector<16xf32>
        %get3A_131 = arith.index_cast %scan3A_43 : i32 to index
        %get3A_132 = arith.constant 96 : index
        %get3A_133 = tpu.vector_load %arg12[%get3A_131, %get3A_132] {strides = array<i32>} : memref<80x128xf32, #tpu.memory_space<vmem>>, vector<1x16xf32>,
        %get3A_134 = vector.shape_cast %get3A_133 : vector<1x16xf32> to vector<16xf32>
        %mul3A_135 = arith.mulf %get3A_130, %get3A_134 : vector<16xf32>
        %swap3A_136 = arith.index_cast %scan3A_43 : i32 to index
        %swap3A_137 = arith.constant 96 : index
        %swap3A_138 = tpu.vector_load %arg11[%swap3A_136, %swap3A_137] {strides = array<i32>} : memref<80x128xf32, #tpu.memory_space<vmem>>, vector<1x16xf32>,
        %swap3A_139 = vector.shape_cast %swap3A_138 : vector<1x16xf32> to vector<16xf32>
        %swap3A_140 = vector.shape_cast %mul3A_135 : vector<16xf32> to vector<1x16xf32>
        tpu.vector_store %arg11[%swap3A_136, %swap3A_137], %swap3A_140 {strides = array<i32>} : memref<80x128xf32, #tpu.memory_space<vmem>>, vector<1x16xf32>,
        %get3A_141 = arith.index_cast %scan3A_43 : i32 to index
        %get3A_142 = arith.constant 112 : index
        %get3A_143 = tpu.vector_load %arg11[%get3A_141, %get3A_142] {strides = array<i32>} : memref<80x128xf32, #tpu.memory_space<vmem>>, vector<1x16xf32>,
        %get3A_144 = vector.shape_cast %get3A_143 : vector<1x16xf32> to vector<16xf32>
        %get3A_145 = arith.index_cast %scan3A_43 : i32 to index
        %get3A_146 = arith.constant 112 : index
        %get3A_147 = tpu.vector_load %arg12[%get3A_145, %get3A_146] {strides = array<i32>} : memref<80x128xf32, #tpu.memory_space<vmem>>, vector<1x16xf32>,
        %get3A_148 = vector.shape_cast %get3A_147 : vector<1x16xf32> to vector<16xf32>
        %mul3A_149 = arith.mulf %get3A_144, %get3A_148 : vector<16xf32>
        %swap3A_150 = arith.index_cast %scan3A_43 : i32 to index
        %swap3A_151 = arith.constant 112 : index
        %swap3A_152 = tpu.vector_load %arg11[%swap3A_150, %swap3A_151] {strides = array<i32>} : memref<80x128xf32, #tpu.memory_space<vmem>>, vector<1x16xf32>,
        %swap3A_153 = vector.shape_cast %swap3A_152 : vector<1x16xf32> to vector<16xf32>
        %swap3A_154 = vector.shape_cast %mul3A_149 : vector<16xf32> to vector<1x16xf32>
        tpu.vector_store %arg11[%swap3A_150, %swap3A_151], %swap3A_154 {strides = array<i32>} : memref<80x128xf32, #tpu.memory_space<vmem>>, vector<1x16xf32>,
        %scan3A_155 = arith.constant 0 : i32
        scf.yield %scan3A_155 : i32
      }
      %scan3A_41 = arith.constant 80 : i32
      "tpu.region"() ({
        %run_scoped3A = tpu.sem_alloc : memref<!tpu.dma_semaphore, #tpu.memory_space<semaphore_mem>>
        %dma_start3A_43 = arith.constant 0 : i32
        %dma_start3A_44 = arith.constant 0 : i32
        %dma_start3A_45 = tpu.memref_slice %arg8[%dma_start3A_43, %dma_start3A_44] : memref<10112x128xf32, #tpu.memory_space<vmem_shared>> -> memref<10112x128xf32, #tpu.memory_space<vmem_shared>>
        tpu.enqueue_indirect_dma source(%arg11 : memref<80x128xf32, #tpu.memory_space<vmem>>) target(%dma_start3A_45 : memref<10112x128xf32, #tpu.memory_space<vmem_shared>>) offsets(%arg10 : memref<80xi32, #tpu.memory_space<vmem>>) semaphore(%run_scoped3A : memref<!tpu.dma_semaphore, #tpu.memory_space<semaphore_mem>>) {add = true}
        %dma_wait3A_46 = arith.constant 0 : i32
        %dma_wait3A_47 = arith.constant 0 : i32
        %dma_wait3A_48 = tpu.memref_slice %arg8[%dma_wait3A_46, %dma_wait3A_47] : memref<10112x128xf32, #tpu.memory_space<vmem_shared>> -> memref<10112x128xf32, #tpu.memory_space<vmem_shared>>
        tpu.wait_indirect_dma semaphore(%run_scoped3A : memref<!tpu.dma_semaphore, #tpu.memory_space<semaphore_mem>>) src(%arg11 : memref<80x128xf32, #tpu.memory_space<vmem>>) dst(%dma_wait3A_48 : memref<10112x128xf32, #tpu.memory_space<vmem_shared>>)
        tpu.yield
      }) : () -> ()
      %scan3A_42 = arith.constant 0 : i32
      scf.yield %scan3A_42 : i32
    }
    %scan3A_10 = arith.constant 125 : i32
    %barrier3A_11 = arith.constant 0 : index
    tpu.barrier barrier_id(%barrier3A_11)
    %mul3A_12 = arith.constant 632 : i32
    %mul3A_13 = arith.muli %arg1, %mul3A_12 : i32
    %mul3A_14 = arith.constant 632 : i32
    %mul3A_15 = arith.muli %arg1, %mul3A_14 : i32
    "tpu.region"() ({
      %run_scoped3A = tpu.sem_alloc : memref<!tpu.dma_semaphore, #tpu.memory_space<semaphore_mem>>
      %dma_start3A = arith.constant 0 : i32
      %dma_start3A_16 = tpu.memref_slice %arg7[%arg0, %mul3A_15, %dma_start3A] : memref<2x10112x128xf32, #tpu.memory_space<hbm>> -> memref<1x632x128xf32, #tpu.memory_space<hbm>>
      %dma_start3A_17 = tpu.memref_squeeze %dma_start3A_16 : memref<1x632x128xf32, #tpu.memory_space<hbm>> -> memref<632x128xf32, #tpu.memory_space<hbm>>
      %dma_start3A_18 = arith.constant 0 : i32
      %dma_start3A_19 = tpu.memref_slice %arg8[%mul3A_13, %dma_start3A_18] : memref<10112x128xf32, #tpu.memory_space<vmem_shared>> -> memref<632x128xf32, #tpu.memory_space<vmem_shared>>
      tpu.enqueue_dma source(%dma_start3A_19 : memref<632x128xf32, #tpu.memory_space<vmem_shared>>) target(%dma_start3A_17 : memref<632x128xf32, #tpu.memory_space<hbm>>) target_semaphore(%run_scoped3A : memref<!tpu.dma_semaphore, #tpu.memory_space<semaphore_mem>>)
      %dma_wait3A = arith.constant 0 : i32
      %dma_wait3A_20 = tpu.memref_slice %arg7[%arg0, %mul3A_15, %dma_wait3A] : memref<2x10112x128xf32, #tpu.memory_space<hbm>> -> memref<1x632x128xf32, #tpu.memory_space<hbm>>
      %dma_wait3A_21 = tpu.memref_squeeze %dma_wait3A_20 : memref<1x632x128xf32, #tpu.memory_space<hbm>> -> memref<632x128xf32, #tpu.memory_space<hbm>>
      %dma_wait3A_22 = arith.constant 0 : i32
      %dma_wait3A_23 = tpu.memref_slice %arg8[%mul3A_13, %dma_wait3A_22] : memref<10112x128xf32, #tpu.memory_space<vmem_shared>> -> memref<632x128xf32, #tpu.memory_space<vmem_shared>>
      tpu.wait_dma2 semaphore(%run_scoped3A : memref<!tpu.dma_semaphore, #tpu.memory_space<semaphore_mem>>) src(%dma_wait3A_23 : memref<632x128xf32, #tpu.memory_space<vmem_shared>>) dst(%dma_wait3A_21 : memref<632x128xf32, #tpu.memory_space<hbm>>)
      tpu.yield
    }) : () -> ()
    return
  }
}

#map = affine_map<(d0, d1) -> (0, 0)>
#map1 = affine_map<(d0, d1) -> (0)>
#map2 = affine_map<(d0, d1) -> (0, 0, 0)>
module attributes {stable_mosaic.version = 14 : i64} {
  func.func @agg(%arg0: i32, %arg1: i32, %arg2: memref<10112x128xf32, #tpu.memory_space<hbm>>, %arg3: memref<320000x128xf32, #tpu.memory_space<hbm>>, %arg4: memref<320000xi32, #tpu.memory_space<hbm>>, %arg5: memref<320000xi32, #tpu.memory_space<hbm>>, %arg6: memref<10112x128xf32, #tpu.memory_space<hbm>>, %arg7: memref<2x10112x128xf32, #tpu.memory_space<hbm>>, %arg8: memref<10112x128xf32, #tpu.memory_space<vmem_shared>>, %arg9: memref<80xi32, #tpu.memory_space<vmem>>, %arg10: memref<80xi32, #tpu.memory_space<vmem>>, %arg11: memref<80x128xf32, #tpu.memory_space<vmem>>, %arg12: memref<80x128xf32, #tpu.memory_space<vmem>>, %arg13: memref<!tpu.dma_semaphore, #tpu.memory_space<semaphore_mem>>, %arg14: memref<!tpu.dma_semaphore, #tpu.memory_space<semaphore_mem>>) attributes {dimension_semantics = [#tpu.dimension_semantics<core_parallel>, #tpu.dimension_semantics<subcore_parallel>], iteration_bounds = array<i64: 2, 16>, scalar_prefetch = 0 : i64, scratch_operands = 7 : i64, tpu.core_type = #tpu.core_type<sc_vector_subcore>, window_params = [{transform_indices = #map}, {transform_indices = #map}, {transform_indices = #map1}, {transform_indices = #map1}, {transform_indices = #map}, {transform_indices = #map2}]} {
    %mul3A = arith.constant 2 : i32
    %mul3A_0 = arith.muli %arg1, %mul3A : i32
    %add3A = arith.addi %mul3A_0, %arg0 : i32
    %mul3A_1 = arith.constant 632 : i32
    %mul3A_2 = arith.muli %arg1, %mul3A_1 : i32
    %mul3A_3 = arith.constant 632 : i32
    %mul3A_4 = arith.muli %arg1, %mul3A_3 : i32
    "tpu.region"() ({
      %run_scoped3A = tpu.sem_alloc : memref<!tpu.dma_semaphore, #tpu.memory_space<semaphore_mem>>
      %dma_start3A = arith.constant 0 : i32
      %dma_start3A_16 = tpu.memref_slice %arg8[%mul3A_4, %dma_start3A] : memref<10112x128xf32, #tpu.memory_space<vmem_shared>> -> memref<632x128xf32, #tpu.memory_space<vmem_shared>>
      %dma_start3A_17 = arith.constant 0 : i32
      %dma_start3A_18 = tpu.memref_slice %arg6[%mul3A_2, %dma_start3A_17] : memref<10112x128xf32, #tpu.memory_space<hbm>> -> memref<632x128xf32, #tpu.memory_space<hbm>>
      tpu.enqueue_dma source(%dma_start3A_18 : memref<632x128xf32, #tpu.memory_space<hbm>>) target(%dma_start3A_16 : memref<632x128xf32, #tpu.memory_space<vmem_shared>>) target_semaphore(%run_scoped3A : memref<!tpu.dma_semaphore, #tpu.memory_space<semaphore_mem>>)
      %dma_wait3A = arith.constant 0 : i32
      %dma_wait3A_19 = tpu.memref_slice %arg8[%mul3A_4, %dma_wait3A] : memref<10112x128xf32, #tpu.memory_space<vmem_shared>> -> memref<632x128xf32, #tpu.memory_space<vmem_shared>>
      %dma_wait3A_20 = arith.constant 0 : i32
      %dma_wait3A_21 = tpu.memref_slice %arg6[%mul3A_2, %dma_wait3A_20] : memref<10112x128xf32, #tpu.memory_space<hbm>> -> memref<632x128xf32, #tpu.memory_space<hbm>>
      tpu.wait_dma2 semaphore(%run_scoped3A : memref<!tpu.dma_semaphore, #tpu.memory_space<semaphore_mem>>) src(%dma_wait3A_21 : memref<632x128xf32, #tpu.memory_space<hbm>>) dst(%dma_wait3A_19 : memref<632x128xf32, #tpu.memory_space<vmem_shared>>)
      tpu.yield
    }) : () -> ()
    %barrier3A = arith.constant 0 : index
    tpu.barrier barrier_id(%barrier3A)
    %scan3A = arith.constant 0 : i32
    %scan3A_5 = arith.constant 0 : i32
    %scan3A_6 = arith.constant 125 : i32
    %scan3A_7 = arith.addi %scan3A_5, %scan3A_6 : i32
    %scan3A_8 = arith.constant 1 : i32
    %scan3A_9 = scf.for %scan3A_16 = %scan3A_5 to %scan3A_7 step %scan3A_8 iter_args(%scan3A_17 = %scan3A) -> (i32)  : i32 {
      %mul3A_18 = arith.constant 10000 : i32
      %mul3A_19 = arith.muli %add3A, %mul3A_18 : i32
      %mul3A_20 = arith.constant 80 : i32
      %mul3A_21 = arith.muli %scan3A_16, %mul3A_20 : i32
      %add3A_22 = arith.addi %mul3A_19, %mul3A_21 : i32
      "tpu.region"() ({
        %run_scoped3A = tpu.sem_alloc : memref<!tpu.dma_semaphore, #tpu.memory_space<semaphore_mem>>
        %dma_start3A_43 = tpu.memref_slice %arg4[%add3A_22] : memref<320000xi32, #tpu.memory_space<hbm>> -> memref<80xi32, #tpu.memory_space<hbm>>
        %dma_start3A_44 = tpu.memref_slice %arg4[%add3A_22] : memref<320000xi32, #tpu.memory_space<hbm>> -> memref<80xi32, #tpu.memory_space<hbm>>
        tpu.enqueue_dma source(%dma_start3A_44 : memref<80xi32, #tpu.memory_space<hbm>>) target(%arg9 : memref<80xi32, #tpu.memory_space<vmem>>) target_semaphore(%run_scoped3A : memref<!tpu.dma_semaphore, #tpu.memory_space<semaphore_mem>>)
        %dma_wait3A_45 = tpu.memref_slice %arg4[%add3A_22] : memref<320000xi32, #tpu.memory_space<hbm>> -> memref<80xi32, #tpu.memory_space<hbm>>
        %dma_wait3A_46 = tpu.memref_slice %arg4[%add3A_22] : memref<320000xi32, #tpu.memory_space<hbm>> -> memref<80xi32, #tpu.memory_space<hbm>>
        tpu.wait_dma2 semaphore(%run_scoped3A : memref<!tpu.dma_semaphore, #tpu.memory_space<semaphore_mem>>) src(%dma_wait3A_46 : memref<80xi32, #tpu.memory_space<hbm>>) dst(%arg9 : memref<80xi32, #tpu.memory_space<vmem>>)
        tpu.yield
      }) : () -> ()
      "tpu.region"() ({
        %run_scoped3A = tpu.sem_alloc : memref<!tpu.dma_semaphore, #tpu.memory_space<semaphore_mem>>
        %dma_start3A_43 = tpu.memref_slice %arg5[%add3A_22] : memref<320000xi32, #tpu.memory_space<hbm>> -> memref<80xi32, #tpu.memory_space<hbm>>
        %dma_start3A_44 = tpu.memref_slice %arg5[%add3A_22] : memref<320000xi32, #tpu.memory_space<hbm>> -> memref<80xi32, #tpu.memory_space<hbm>>
        tpu.enqueue_dma source(%dma_start3A_44 : memref<80xi32, #tpu.memory_space<hbm>>) target(%arg10 : memref<80xi32, #tpu.memory_space<vmem>>) target_semaphore(%run_scoped3A : memref<!tpu.dma_semaphore, #tpu.memory_space<semaphore_mem>>)
        %dma_wait3A_45 = tpu.memref_slice %arg5[%add3A_22] : memref<320000xi32, #tpu.memory_space<hbm>> -> memref<80xi32, #tpu.memory_space<hbm>>
        %dma_wait3A_46 = tpu.memref_slice %arg5[%add3A_22] : memref<320000xi32, #tpu.memory_space<hbm>> -> memref<80xi32, #tpu.memory_space<hbm>>
        tpu.wait_dma2 semaphore(%run_scoped3A : memref<!tpu.dma_semaphore, #tpu.memory_space<semaphore_mem>>) src(%dma_wait3A_46 : memref<80xi32, #tpu.memory_space<hbm>>) dst(%arg10 : memref<80xi32, #tpu.memory_space<vmem>>)
        tpu.yield
      }) : () -> ()
      %dma_start3A = arith.constant 0 : i32
      %dma_start3A_23 = arith.constant 0 : i32
      %dma_start3A_24 = tpu.memref_slice %arg2[%dma_start3A, %dma_start3A_23] : memref<10112x128xf32, #tpu.memory_space<hbm>> -> memref<10112x128xf32, #tpu.memory_space<hbm>>
      tpu.enqueue_indirect_dma source(%dma_start3A_24 : memref<10112x128xf32, #tpu.memory_space<hbm>>) target(%arg11 : memref<80x128xf32, #tpu.memory_space<vmem>>) offsets(%arg9 : memref<80xi32, #tpu.memory_space<vmem>>) semaphore(%arg13 : memref<!tpu.dma_semaphore, #tpu.memory_space<semaphore_mem>>)
      %dma_start3A_25 = arith.constant 0 : i32
      %dma_start3A_26 = tpu.memref_slice %arg3[%add3A_22, %dma_start3A_25] : memref<320000x128xf32, #tpu.memory_space<hbm>> -> memref<80x128xf32, #tpu.memory_space<hbm>>
      %dma_start3A_27 = arith.constant 0 : i32
      %dma_start3A_28 = tpu.memref_slice %arg3[%add3A_22, %dma_start3A_27] : memref<320000x128xf32, #tpu.memory_space<hbm>> -> memref<80x128xf32, #tpu.memory_space<hbm>>
      tpu.enqueue_dma source(%dma_start3A_28 : memref<80x128xf32, #tpu.memory_space<hbm>>) target(%arg12 : memref<80x128xf32, #tpu.memory_space<vmem>>) target_semaphore(%arg14 : memref<!tpu.dma_semaphore, #tpu.memory_space<semaphore_mem>>)
      %dma_wait3A = arith.constant 0 : i32
      %dma_wait3A_29 = arith.constant 0 : i32
      %dma_wait3A_30 = tpu.memref_slice %arg2[%dma_wait3A, %dma_wait3A_29] : memref<10112x128xf32, #tpu.memory_space<hbm>> -> memref<10112x128xf32, #tpu.memory_space<hbm>>
      tpu.wait_indirect_dma semaphore(%arg13 : memref<!tpu.dma_semaphore, #tpu.memory_space<semaphore_mem>>) src(%dma_wait3A_30 : memref<10112x128xf32, #tpu.memory_space<hbm>>) dst(%arg11 : memref<80x128xf32, #tpu.memory_space<vmem>>)
      %dma_wait3A_31 = arith.constant 0 : i32
      %dma_wait3A_32 = tpu.memref_slice %arg3[%add3A_22, %dma_wait3A_31] : memref<320000x128xf32, #tpu.memory_space<hbm>> -> memref<80x128xf32, #tpu.memory_space<hbm>>
      %dma_wait3A_33 = arith.constant 0 : i32
      %dma_wait3A_34 = tpu.memref_slice %arg3[%add3A_22, %dma_wait3A_33] : memref<320000x128xf32, #tpu.memory_space<hbm>> -> memref<80x128xf32, #tpu.memory_space<hbm>>
      tpu.wait_dma2 semaphore(%arg14 : memref<!tpu.dma_semaphore, #tpu.memory_space<semaphore_mem>>) src(%dma_wait3A_34 : memref<80x128xf32, #tpu.memory_space<hbm>>) dst(%arg12 : memref<80x128xf32, #tpu.memory_space<vmem>>)
      %scan3A_35 = arith.constant 0 : i32
      %scan3A_36 = arith.constant 0 : i32
      %scan3A_37 = arith.constant 80 : i32
      %scan3A_38 = arith.addi %scan3A_36, %scan3A_37 : i32
      %scan3A_39 = arith.constant 1 : i32
      %scan3A_40 = scf.for %scan3A_43 = %scan3A_36 to %scan3A_38 step %scan3A_39 iter_args(%scan3A_44 = %scan3A_35) -> (i32)  : i32 {
        %get3A = arith.index_cast %scan3A_43 : i32 to index
        %get3A_45 = arith.constant 0 : index
        %get3A_46 = tpu.vector_load %arg11[%get3A, %get3A_45] {strides = array<i32>} : memref<80x128xf32, #tpu.memory_space<vmem>>, vector<1x16xf32>,
        %get3A_47 = vector.shape_cast %get3A_46 : vector<1x16xf32> to vector<16xf32>
        %get3A_48 = arith.index_cast %scan3A_43 : i32 to index
        %get3A_49 = arith.constant 0 : index
        %get3A_50 = tpu.vector_load %arg12[%get3A_48, %get3A_49] {strides = array<i32>} : memref<80x128xf32, #tpu.memory_space<vmem>>, vector<1x16xf32>,
        %get3A_51 = vector.shape_cast %get3A_50 : vector<1x16xf32> to vector<16xf32>
        %mul3A_52 = arith.mulf %get3A_47, %get3A_51 : vector<16xf32>
        %swap3A = arith.index_cast %scan3A_43 : i32 to index
        %swap3A_53 = arith.constant 0 : index
        %swap3A_54 = tpu.vector_load %arg11[%swap3A, %swap3A_53] {strides = array<i32>} : memref<80x128xf32, #tpu.memory_space<vmem>>, vector<1x16xf32>,
        %swap3A_55 = vector.shape_cast %swap3A_54 : vector<1x16xf32> to vector<16xf32>
        %swap3A_56 = vector.shape_cast %mul3A_52 : vector<16xf32> to vector<1x16xf32>
        tpu.vector_store %arg11[%swap3A, %swap3A_53], %swap3A_56 {strides = array<i32>} : memref<80x128xf32, #tpu.memory_space<vmem>>, vector<1x16xf32>,
        %get3A_57 = arith.index_cast %scan3A_43 : i32 to index
        %get3A_58 = arith.constant 16 : index
        %get3A_59 = tpu.vector_load %arg11[%get3A_57, %get3A_58] {strides = array<i32>} : memref<80x128xf32, #tpu.memory_space<vmem>>, vector<1x16xf32>,
        %get3A_60 = vector.shape_cast %get3A_59 : vector<1x16xf32> to vector<16xf32>
        %get3A_61 = arith.index_cast %scan3A_43 : i32 to index
        %get3A_62 = arith.constant 16 : index
        %get3A_63 = tpu.vector_load %arg12[%get3A_61, %get3A_62] {strides = array<i32>} : memref<80x128xf32, #tpu.memory_space<vmem>>, vector<1x16xf32>,
        %get3A_64 = vector.shape_cast %get3A_63 : vector<1x16xf32> to vector<16xf32>
        %mul3A_65 = arith.mulf %get3A_60, %get3A_64 : vector<16xf32>
        %swap3A_66 = arith.index_cast %scan3A_43 : i32 to index
        %swap3A_67 = arith.constant 16 : index
        %swap3A_68 = tpu.vector_load %arg11[%swap3A_66, %swap3A_67] {strides = array<i32>} : memref<80x128xf32, #tpu.memory_space<vmem>>, vector<1x16xf32>,
        %swap3A_69 = vector.shape_cast %swap3A_68 : vector<1x16xf32> to vector<16xf32>
        %swap3A_70 = vector.shape_cast %mul3A_65 : vector<16xf32> to vector<1x16xf32>
        tpu.vector_store %arg11[%swap3A_66, %swap3A_67], %swap3A_70 {strides = array<i32>} : memref<80x128xf32, #tpu.memory_space<vmem>>, vector<1x16xf32>,
        %get3A_71 = arith.index_cast %scan3A_43 : i32 to index
        %get3A_72 = arith.constant 32 : index
        %get3A_73 = tpu.vector_load %arg11[%get3A_71, %get3A_72] {strides = array<i32>} : memref<80x128xf32, #tpu.memory_space<vmem>>, vector<1x16xf32>,
        %get3A_74 = vector.shape_cast %get3A_73 : vector<1x16xf32> to vector<16xf32>
        %get3A_75 = arith.index_cast %scan3A_43 : i32 to index
        %get3A_76 = arith.constant 32 : index
        %get3A_77 = tpu.vector_load %arg12[%get3A_75, %get3A_76] {strides = array<i32>} : memref<80x128xf32, #tpu.memory_space<vmem>>, vector<1x16xf32>,
        %get3A_78 = vector.shape_cast %get3A_77 : vector<1x16xf32> to vector<16xf32>
        %mul3A_79 = arith.mulf %get3A_74, %get3A_78 : vector<16xf32>
        %swap3A_80 = arith.index_cast %scan3A_43 : i32 to index
        %swap3A_81 = arith.constant 32 : index
        %swap3A_82 = tpu.vector_load %arg11[%swap3A_80, %swap3A_81] {strides = array<i32>} : memref<80x128xf32, #tpu.memory_space<vmem>>, vector<1x16xf32>,
        %swap3A_83 = vector.shape_cast %swap3A_82 : vector<1x16xf32> to vector<16xf32>
        %swap3A_84 = vector.shape_cast %mul3A_79 : vector<16xf32> to vector<1x16xf32>
        tpu.vector_store %arg11[%swap3A_80, %swap3A_81], %swap3A_84 {strides = array<i32>} : memref<80x128xf32, #tpu.memory_space<vmem>>, vector<1x16xf32>,
        %get3A_85 = arith.index_cast %scan3A_43 : i32 to index
        %get3A_86 = arith.constant 48 : index
        %get3A_87 = tpu.vector_load %arg11[%get3A_85, %get3A_86] {strides = array<i32>} : memref<80x128xf32, #tpu.memory_space<vmem>>, vector<1x16xf32>,
        %get3A_88 = vector.shape_cast %get3A_87 : vector<1x16xf32> to vector<16xf32>
        %get3A_89 = arith.index_cast %scan3A_43 : i32 to index
        %get3A_90 = arith.constant 48 : index
        %get3A_91 = tpu.vector_load %arg12[%get3A_89, %get3A_90] {strides = array<i32>} : memref<80x128xf32, #tpu.memory_space<vmem>>, vector<1x16xf32>,
        %get3A_92 = vector.shape_cast %get3A_91 : vector<1x16xf32> to vector<16xf32>
        %mul3A_93 = arith.mulf %get3A_88, %get3A_92 : vector<16xf32>
        %swap3A_94 = arith.index_cast %scan3A_43 : i32 to index
        %swap3A_95 = arith.constant 48 : index
        %swap3A_96 = tpu.vector_load %arg11[%swap3A_94, %swap3A_95] {strides = array<i32>} : memref<80x128xf32, #tpu.memory_space<vmem>>, vector<1x16xf32>,
        %swap3A_97 = vector.shape_cast %swap3A_96 : vector<1x16xf32> to vector<16xf32>
        %swap3A_98 = vector.shape_cast %mul3A_93 : vector<16xf32> to vector<1x16xf32>
        tpu.vector_store %arg11[%swap3A_94, %swap3A_95], %swap3A_98 {strides = array<i32>} : memref<80x128xf32, #tpu.memory_space<vmem>>, vector<1x16xf32>,
        %get3A_99 = arith.index_cast %scan3A_43 : i32 to index
        %get3A_100 = arith.constant 64 : index
        %get3A_101 = tpu.vector_load %arg11[%get3A_99, %get3A_100] {strides = array<i32>} : memref<80x128xf32, #tpu.memory_space<vmem>>, vector<1x16xf32>,
        %get3A_102 = vector.shape_cast %get3A_101 : vector<1x16xf32> to vector<16xf32>
        %get3A_103 = arith.index_cast %scan3A_43 : i32 to index
        %get3A_104 = arith.constant 64 : index
        %get3A_105 = tpu.vector_load %arg12[%get3A_103, %get3A_104] {strides = array<i32>} : memref<80x128xf32, #tpu.memory_space<vmem>>, vector<1x16xf32>,
        %get3A_106 = vector.shape_cast %get3A_105 : vector<1x16xf32> to vector<16xf32>
        %mul3A_107 = arith.mulf %get3A_102, %get3A_106 : vector<16xf32>
        %swap3A_108 = arith.index_cast %scan3A_43 : i32 to index
        %swap3A_109 = arith.constant 64 : index
        %swap3A_110 = tpu.vector_load %arg11[%swap3A_108, %swap3A_109] {strides = array<i32>} : memref<80x128xf32, #tpu.memory_space<vmem>>, vector<1x16xf32>,
        %swap3A_111 = vector.shape_cast %swap3A_110 : vector<1x16xf32> to vector<16xf32>
        %swap3A_112 = vector.shape_cast %mul3A_107 : vector<16xf32> to vector<1x16xf32>
        tpu.vector_store %arg11[%swap3A_108, %swap3A_109], %swap3A_112 {strides = array<i32>} : memref<80x128xf32, #tpu.memory_space<vmem>>, vector<1x16xf32>,
        %get3A_113 = arith.index_cast %scan3A_43 : i32 to index
        %get3A_114 = arith.constant 80 : index
        %get3A_115 = tpu.vector_load %arg11[%get3A_113, %get3A_114] {strides = array<i32>} : memref<80x128xf32, #tpu.memory_space<vmem>>, vector<1x16xf32>,
        %get3A_116 = vector.shape_cast %get3A_115 : vector<1x16xf32> to vector<16xf32>
        %get3A_117 = arith.index_cast %scan3A_43 : i32 to index
        %get3A_118 = arith.constant 80 : index
        %get3A_119 = tpu.vector_load %arg12[%get3A_117, %get3A_118] {strides = array<i32>} : memref<80x128xf32, #tpu.memory_space<vmem>>, vector<1x16xf32>,
        %get3A_120 = vector.shape_cast %get3A_119 : vector<1x16xf32> to vector<16xf32>
        %mul3A_121 = arith.mulf %get3A_116, %get3A_120 : vector<16xf32>
        %swap3A_122 = arith.index_cast %scan3A_43 : i32 to index
        %swap3A_123 = arith.constant 80 : index
        %swap3A_124 = tpu.vector_load %arg11[%swap3A_122, %swap3A_123] {strides = array<i32>} : memref<80x128xf32, #tpu.memory_space<vmem>>, vector<1x16xf32>,
        %swap3A_125 = vector.shape_cast %swap3A_124 : vector<1x16xf32> to vector<16xf32>
        %swap3A_126 = vector.shape_cast %mul3A_121 : vector<16xf32> to vector<1x16xf32>
        tpu.vector_store %arg11[%swap3A_122, %swap3A_123], %swap3A_126 {strides = array<i32>} : memref<80x128xf32, #tpu.memory_space<vmem>>, vector<1x16xf32>,
        %get3A_127 = arith.index_cast %scan3A_43 : i32 to index
        %get3A_128 = arith.constant 96 : index
        %get3A_129 = tpu.vector_load %arg11[%get3A_127, %get3A_128] {strides = array<i32>} : memref<80x128xf32, #tpu.memory_space<vmem>>, vector<1x16xf32>,
        %get3A_130 = vector.shape_cast %get3A_129 : vector<1x16xf32> to vector<16xf32>
        %get3A_131 = arith.index_cast %scan3A_43 : i32 to index
        %get3A_132 = arith.constant 96 : index
        %get3A_133 = tpu.vector_load %arg12[%get3A_131, %get3A_132] {strides = array<i32>} : memref<80x128xf32, #tpu.memory_space<vmem>>, vector<1x16xf32>,
        %get3A_134 = vector.shape_cast %get3A_133 : vector<1x16xf32> to vector<16xf32>
        %mul3A_135 = arith.mulf %get3A_130, %get3A_134 : vector<16xf32>
        %swap3A_136 = arith.index_cast %scan3A_43 : i32 to index
        %swap3A_137 = arith.constant 96 : index
        %swap3A_138 = tpu.vector_load %arg11[%swap3A_136, %swap3A_137] {strides = array<i32>} : memref<80x128xf32, #tpu.memory_space<vmem>>, vector<1x16xf32>,
        %swap3A_139 = vector.shape_cast %swap3A_138 : vector<1x16xf32> to vector<16xf32>
        %swap3A_140 = vector.shape_cast %mul3A_135 : vector<16xf32> to vector<1x16xf32>
        tpu.vector_store %arg11[%swap3A_136, %swap3A_137], %swap3A_140 {strides = array<i32>} : memref<80x128xf32, #tpu.memory_space<vmem>>, vector<1x16xf32>,
        %get3A_141 = arith.index_cast %scan3A_43 : i32 to index
        %get3A_142 = arith.constant 112 : index
        %get3A_143 = tpu.vector_load %arg11[%get3A_141, %get3A_142] {strides = array<i32>} : memref<80x128xf32, #tpu.memory_space<vmem>>, vector<1x16xf32>,
        %get3A_144 = vector.shape_cast %get3A_143 : vector<1x16xf32> to vector<16xf32>
        %get3A_145 = arith.index_cast %scan3A_43 : i32 to index
        %get3A_146 = arith.constant 112 : index
        %get3A_147 = tpu.vector_load %arg12[%get3A_145, %get3A_146] {strides = array<i32>} : memref<80x128xf32, #tpu.memory_space<vmem>>, vector<1x16xf32>,
        %get3A_148 = vector.shape_cast %get3A_147 : vector<1x16xf32> to vector<16xf32>
        %mul3A_149 = arith.mulf %get3A_144, %get3A_148 : vector<16xf32>
        %swap3A_150 = arith.index_cast %scan3A_43 : i32 to index
        %swap3A_151 = arith.constant 112 : index
        %swap3A_152 = tpu.vector_load %arg11[%swap3A_150, %swap3A_151] {strides = array<i32>} : memref<80x128xf32, #tpu.memory_space<vmem>>, vector<1x16xf32>,
        %swap3A_153 = vector.shape_cast %swap3A_152 : vector<1x16xf32> to vector<16xf32>
        %swap3A_154 = vector.shape_cast %mul3A_149 : vector<16xf32> to vector<1x16xf32>
        tpu.vector_store %arg11[%swap3A_150, %swap3A_151], %swap3A_154 {strides = array<i32>} : memref<80x128xf32, #tpu.memory_space<vmem>>, vector<1x16xf32>,
        %scan3A_155 = arith.constant 0 : i32
        scf.yield %scan3A_155 : i32
      }
      %scan3A_41 = arith.constant 80 : i32
      "tpu.region"() ({
        %run_scoped3A = tpu.sem_alloc : memref<!tpu.dma_semaphore, #tpu.memory_space<semaphore_mem>>
        %dma_start3A_43 = arith.constant 0 : i32
        %dma_start3A_44 = arith.constant 0 : i32
        %dma_start3A_45 = tpu.memref_slice %arg8[%dma_start3A_43, %dma_start3A_44] : memref<10112x128xf32, #tpu.memory_space<vmem_shared>> -> memref<10112x128xf32, #tpu.memory_space<vmem_shared>>
        tpu.enqueue_indirect_dma source(%arg11 : memref<80x128xf32, #tpu.memory_space<vmem>>) target(%dma_start3A_45 : memref<10112x128xf32, #tpu.memory_space<vmem_shared>>) offsets(%arg10 : memref<80xi32, #tpu.memory_space<vmem>>) semaphore(%run_scoped3A : memref<!tpu.dma_semaphore, #tpu.memory_space<semaphore_mem>>) {add = true}
        %dma_wait3A_46 = arith.constant 0 : i32
        %dma_wait3A_47 = arith.constant 0 : i32
        %dma_wait3A_48 = tpu.memref_slice %arg8[%dma_wait3A_46, %dma_wait3A_47] : memref<10112x128xf32, #tpu.memory_space<vmem_shared>> -> memref<10112x128xf32, #tpu.memory_space<vmem_shared>>
        tpu.wait_indirect_dma semaphore(%run_scoped3A : memref<!tpu.dma_semaphore, #tpu.memory_space<semaphore_mem>>) src(%arg11 : memref<80x128xf32, #tpu.memory_space<vmem>>) dst(%dma_wait3A_48 : memref<10112x128xf32, #tpu.memory_space<vmem_shared>>)
        tpu.yield
      }) : () -> ()
      %scan3A_42 = arith.constant 0 : i32
      scf.yield %scan3A_42 : i32
    }
    %scan3A_10 = arith.constant 125 : i32
    %barrier3A_11 = arith.constant 0 : index
    tpu.barrier barrier_id(%barrier3A_11)
    %mul3A_12 = arith.constant 632 : i32
    %mul3A_13 = arith.muli %arg1, %mul3A_12 : i32
    %mul3A_14 = arith.constant 632 : i32
    %mul3A_15 = arith.muli %arg1, %mul3A_14 : i32
    "tpu.region"() ({
      %run_scoped3A = tpu.sem_alloc : memref<!tpu.dma_semaphore, #tpu.memory_space<semaphore_mem>>
      %dma_start3A = arith.constant 0 : i32
      %dma_start3A_16 = tpu.memref_slice %arg7[%arg0, %mul3A_15, %dma_start3A] : memref<2x10112x128xf32, #tpu.memory_space<hbm>> -> memref<1x632x128xf32, #tpu.memory_space<hbm>>
      %dma_start3A_17 = tpu.memref_squeeze %dma_start3A_16 : memref<1x632x128xf32, #tpu.memory_space<hbm>> -> memref<632x128xf32, #tpu.memory_space<hbm>>
      %dma_start3A_18 = arith.constant 0 : i32
      %dma_start3A_19 = tpu.memref_slice %arg8[%mul3A_13, %dma_start3A_18] : memref<10112x128xf32, #tpu.memory_space<vmem_shared>> -> memref<632x128xf32, #tpu.memory_space<vmem_shared>>
      tpu.enqueue_dma source(%dma_start3A_19 : memref<632x128xf32, #tpu.memory_space<vmem_shared>>) target(%dma_start3A_17 : memref<632x128xf32, #tpu.memory_space<hbm>>) target_semaphore(%run_scoped3A : memref<!tpu.dma_semaphore, #tpu.memory_space<semaphore_mem>>)
      %dma_wait3A = arith.constant 0 : i32
      %dma_wait3A_20 = tpu.memref_slice %arg7[%arg0, %mul3A_15, %dma_wait3A] : memref<2x10112x128xf32, #tpu.memory_space<hbm>> -> memref<1x632x128xf32, #tpu.memory_space<hbm>>
      %dma_wait3A_21 = tpu.memref_squeeze %dma_wait3A_20 : memref<1x632x128xf32, #tpu.memory_space<hbm>> -> memref<632x128xf32, #tpu.memory_space<hbm>>
      %dma_wait3A_22 = arith.constant 0 : i32
      %dma_wait3A_23 = tpu.memref_slice %arg8[%mul3A_13, %dma_wait3A_22] : memref<10112x128xf32, #tpu.memory_space<vmem_shared>> -> memref<632x128xf32, #tpu.memory_space<vmem_shared>>
      tpu.wait_dma2 semaphore(%run_scoped3A : memref<!tpu.dma_semaphore, #tpu.memory_space<semaphore_mem>>) src(%dma_wait3A_23 : memref<632x128xf32, #tpu.memory_space<vmem_shared>>) dst(%dma_wait3A_21 : memref<632x128xf32, #tpu.memory_space<hbm>>)
      tpu.yield
    }) : () -> ()
    return
  }
}

#map = affine_map<(d0, d1) -> (0, 0)>
#map1 = affine_map<(d0, d1) -> (0)>
#map2 = affine_map<(d0, d1) -> (0, 0, 0)>
module attributes {stable_mosaic.version = 14 : i64} {
  func.func @agg(%arg0: i32, %arg1: i32, %arg2: memref<10112x128xf32, #tpu.memory_space<hbm>>, %arg3: memref<320000x128xf32, #tpu.memory_space<hbm>>, %arg4: memref<320000xi32, #tpu.memory_space<hbm>>, %arg5: memref<320000xi32, #tpu.memory_space<hbm>>, %arg6: memref<10112x128xf32, #tpu.memory_space<hbm>>, %arg7: memref<2x10112x128xf32, #tpu.memory_space<hbm>>, %arg8: memref<10112x128xf32, #tpu.memory_space<vmem_shared>>, %arg9: memref<80xi32, #tpu.memory_space<vmem>>, %arg10: memref<80xi32, #tpu.memory_space<vmem>>, %arg11: memref<80x128xf32, #tpu.memory_space<vmem>>, %arg12: memref<80x128xf32, #tpu.memory_space<vmem>>, %arg13: memref<!tpu.dma_semaphore, #tpu.memory_space<semaphore_mem>>, %arg14: memref<!tpu.dma_semaphore, #tpu.memory_space<semaphore_mem>>) attributes {dimension_semantics = [#tpu.dimension_semantics<core_parallel>, #tpu.dimension_semantics<subcore_parallel>], iteration_bounds = array<i64: 2, 16>, scalar_prefetch = 0 : i64, scratch_operands = 7 : i64, tpu.core_type = #tpu.core_type<sc_vector_subcore>, window_params = [{transform_indices = #map}, {transform_indices = #map}, {transform_indices = #map1}, {transform_indices = #map1}, {transform_indices = #map}, {transform_indices = #map2}]} {
    %mul3A = arith.constant 2 : i32
    %mul3A_0 = arith.muli %arg1, %mul3A : i32
    %add3A = arith.addi %mul3A_0, %arg0 : i32
    %mul3A_1 = arith.constant 632 : i32
    %mul3A_2 = arith.muli %arg1, %mul3A_1 : i32
    %mul3A_3 = arith.constant 632 : i32
    %mul3A_4 = arith.muli %arg1, %mul3A_3 : i32
    "tpu.region"() ({
      %run_scoped3A = tpu.sem_alloc : memref<!tpu.dma_semaphore, #tpu.memory_space<semaphore_mem>>
      %dma_start3A = arith.constant 0 : i32
      %dma_start3A_16 = tpu.memref_slice %arg8[%mul3A_4, %dma_start3A] : memref<10112x128xf32, #tpu.memory_space<vmem_shared>> -> memref<632x128xf32, #tpu.memory_space<vmem_shared>>
      %dma_start3A_17 = arith.constant 0 : i32
      %dma_start3A_18 = tpu.memref_slice %arg6[%mul3A_2, %dma_start3A_17] : memref<10112x128xf32, #tpu.memory_space<hbm>> -> memref<632x128xf32, #tpu.memory_space<hbm>>
      tpu.enqueue_dma source(%dma_start3A_18 : memref<632x128xf32, #tpu.memory_space<hbm>>) target(%dma_start3A_16 : memref<632x128xf32, #tpu.memory_space<vmem_shared>>) target_semaphore(%run_scoped3A : memref<!tpu.dma_semaphore, #tpu.memory_space<semaphore_mem>>)
      %dma_wait3A = arith.constant 0 : i32
      %dma_wait3A_19 = tpu.memref_slice %arg8[%mul3A_4, %dma_wait3A] : memref<10112x128xf32, #tpu.memory_space<vmem_shared>> -> memref<632x128xf32, #tpu.memory_space<vmem_shared>>
      %dma_wait3A_20 = arith.constant 0 : i32
      %dma_wait3A_21 = tpu.memref_slice %arg6[%mul3A_2, %dma_wait3A_20] : memref<10112x128xf32, #tpu.memory_space<hbm>> -> memref<632x128xf32, #tpu.memory_space<hbm>>
      tpu.wait_dma2 semaphore(%run_scoped3A : memref<!tpu.dma_semaphore, #tpu.memory_space<semaphore_mem>>) src(%dma_wait3A_21 : memref<632x128xf32, #tpu.memory_space<hbm>>) dst(%dma_wait3A_19 : memref<632x128xf32, #tpu.memory_space<vmem_shared>>)
      tpu.yield
    }) : () -> ()
    %barrier3A = arith.constant 0 : index
    tpu.barrier barrier_id(%barrier3A)
    %scan3A = arith.constant 0 : i32
    %scan3A_5 = arith.constant 0 : i32
    %scan3A_6 = arith.constant 125 : i32
    %scan3A_7 = arith.addi %scan3A_5, %scan3A_6 : i32
    %scan3A_8 = arith.constant 1 : i32
    %scan3A_9 = scf.for %scan3A_16 = %scan3A_5 to %scan3A_7 step %scan3A_8 iter_args(%scan3A_17 = %scan3A) -> (i32)  : i32 {
      %mul3A_18 = arith.constant 10000 : i32
      %mul3A_19 = arith.muli %add3A, %mul3A_18 : i32
      %mul3A_20 = arith.constant 80 : i32
      %mul3A_21 = arith.muli %scan3A_16, %mul3A_20 : i32
      %add3A_22 = arith.addi %mul3A_19, %mul3A_21 : i32
      "tpu.region"() ({
        %run_scoped3A = tpu.sem_alloc : memref<!tpu.dma_semaphore, #tpu.memory_space<semaphore_mem>>
        %dma_start3A_43 = tpu.memref_slice %arg4[%add3A_22] : memref<320000xi32, #tpu.memory_space<hbm>> -> memref<80xi32, #tpu.memory_space<hbm>>
        %dma_start3A_44 = tpu.memref_slice %arg4[%add3A_22] : memref<320000xi32, #tpu.memory_space<hbm>> -> memref<80xi32, #tpu.memory_space<hbm>>
        tpu.enqueue_dma source(%dma_start3A_44 : memref<80xi32, #tpu.memory_space<hbm>>) target(%arg9 : memref<80xi32, #tpu.memory_space<vmem>>) target_semaphore(%run_scoped3A : memref<!tpu.dma_semaphore, #tpu.memory_space<semaphore_mem>>)
        %dma_wait3A_45 = tpu.memref_slice %arg4[%add3A_22] : memref<320000xi32, #tpu.memory_space<hbm>> -> memref<80xi32, #tpu.memory_space<hbm>>
        %dma_wait3A_46 = tpu.memref_slice %arg4[%add3A_22] : memref<320000xi32, #tpu.memory_space<hbm>> -> memref<80xi32, #tpu.memory_space<hbm>>
        tpu.wait_dma2 semaphore(%run_scoped3A : memref<!tpu.dma_semaphore, #tpu.memory_space<semaphore_mem>>) src(%dma_wait3A_46 : memref<80xi32, #tpu.memory_space<hbm>>) dst(%arg9 : memref<80xi32, #tpu.memory_space<vmem>>)
        tpu.yield
      }) : () -> ()
      "tpu.region"() ({
        %run_scoped3A = tpu.sem_alloc : memref<!tpu.dma_semaphore, #tpu.memory_space<semaphore_mem>>
        %dma_start3A_43 = tpu.memref_slice %arg5[%add3A_22] : memref<320000xi32, #tpu.memory_space<hbm>> -> memref<80xi32, #tpu.memory_space<hbm>>
        %dma_start3A_44 = tpu.memref_slice %arg5[%add3A_22] : memref<320000xi32, #tpu.memory_space<hbm>> -> memref<80xi32, #tpu.memory_space<hbm>>
        tpu.enqueue_dma source(%dma_start3A_44 : memref<80xi32, #tpu.memory_space<hbm>>) target(%arg10 : memref<80xi32, #tpu.memory_space<vmem>>) target_semaphore(%run_scoped3A : memref<!tpu.dma_semaphore, #tpu.memory_space<semaphore_mem>>)
        %dma_wait3A_45 = tpu.memref_slice %arg5[%add3A_22] : memref<320000xi32, #tpu.memory_space<hbm>> -> memref<80xi32, #tpu.memory_space<hbm>>
        %dma_wait3A_46 = tpu.memref_slice %arg5[%add3A_22] : memref<320000xi32, #tpu.memory_space<hbm>> -> memref<80xi32, #tpu.memory_space<hbm>>
        tpu.wait_dma2 semaphore(%run_scoped3A : memref<!tpu.dma_semaphore, #tpu.memory_space<semaphore_mem>>) src(%dma_wait3A_46 : memref<80xi32, #tpu.memory_space<hbm>>) dst(%arg10 : memref<80xi32, #tpu.memory_space<vmem>>)
        tpu.yield
      }) : () -> ()
      %dma_start3A = arith.constant 0 : i32
      %dma_start3A_23 = arith.constant 0 : i32
      %dma_start3A_24 = tpu.memref_slice %arg2[%dma_start3A, %dma_start3A_23] : memref<10112x128xf32, #tpu.memory_space<hbm>> -> memref<10112x128xf32, #tpu.memory_space<hbm>>
      tpu.enqueue_indirect_dma source(%dma_start3A_24 : memref<10112x128xf32, #tpu.memory_space<hbm>>) target(%arg11 : memref<80x128xf32, #tpu.memory_space<vmem>>) offsets(%arg9 : memref<80xi32, #tpu.memory_space<vmem>>) semaphore(%arg13 : memref<!tpu.dma_semaphore, #tpu.memory_space<semaphore_mem>>)
      %dma_start3A_25 = arith.constant 0 : i32
      %dma_start3A_26 = tpu.memref_slice %arg3[%add3A_22, %dma_start3A_25] : memref<320000x128xf32, #tpu.memory_space<hbm>> -> memref<80x128xf32, #tpu.memory_space<hbm>>
      %dma_start3A_27 = arith.constant 0 : i32
      %dma_start3A_28 = tpu.memref_slice %arg3[%add3A_22, %dma_start3A_27] : memref<320000x128xf32, #tpu.memory_space<hbm>> -> memref<80x128xf32, #tpu.memory_space<hbm>>
      tpu.enqueue_dma source(%dma_start3A_28 : memref<80x128xf32, #tpu.memory_space<hbm>>) target(%arg12 : memref<80x128xf32, #tpu.memory_space<vmem>>) target_semaphore(%arg14 : memref<!tpu.dma_semaphore, #tpu.memory_space<semaphore_mem>>)
      %dma_wait3A = arith.constant 0 : i32
      %dma_wait3A_29 = arith.constant 0 : i32
      %dma_wait3A_30 = tpu.memref_slice %arg2[%dma_wait3A, %dma_wait3A_29] : memref<10112x128xf32, #tpu.memory_space<hbm>> -> memref<10112x128xf32, #tpu.memory_space<hbm>>
      tpu.wait_indirect_dma semaphore(%arg13 : memref<!tpu.dma_semaphore, #tpu.memory_space<semaphore_mem>>) src(%dma_wait3A_30 : memref<10112x128xf32, #tpu.memory_space<hbm>>) dst(%arg11 : memref<80x128xf32, #tpu.memory_space<vmem>>)
      %dma_wait3A_31 = arith.constant 0 : i32
      %dma_wait3A_32 = tpu.memref_slice %arg3[%add3A_22, %dma_wait3A_31] : memref<320000x128xf32, #tpu.memory_space<hbm>> -> memref<80x128xf32, #tpu.memory_space<hbm>>
      %dma_wait3A_33 = arith.constant 0 : i32
      %dma_wait3A_34 = tpu.memref_slice %arg3[%add3A_22, %dma_wait3A_33] : memref<320000x128xf32, #tpu.memory_space<hbm>> -> memref<80x128xf32, #tpu.memory_space<hbm>>
      tpu.wait_dma2 semaphore(%arg14 : memref<!tpu.dma_semaphore, #tpu.memory_space<semaphore_mem>>) src(%dma_wait3A_34 : memref<80x128xf32, #tpu.memory_space<hbm>>) dst(%arg12 : memref<80x128xf32, #tpu.memory_space<vmem>>)
      %scan3A_35 = arith.constant 0 : i32
      %scan3A_36 = arith.constant 0 : i32
      %scan3A_37 = arith.constant 80 : i32
      %scan3A_38 = arith.addi %scan3A_36, %scan3A_37 : i32
      %scan3A_39 = arith.constant 1 : i32
      %scan3A_40 = scf.for %scan3A_43 = %scan3A_36 to %scan3A_38 step %scan3A_39 iter_args(%scan3A_44 = %scan3A_35) -> (i32)  : i32 {
        %get3A = arith.index_cast %scan3A_43 : i32 to index
        %get3A_45 = arith.constant 0 : index
        %get3A_46 = tpu.vector_load %arg11[%get3A, %get3A_45] {strides = array<i32>} : memref<80x128xf32, #tpu.memory_space<vmem>>, vector<1x16xf32>,
        %get3A_47 = vector.shape_cast %get3A_46 : vector<1x16xf32> to vector<16xf32>
        %get3A_48 = arith.index_cast %scan3A_43 : i32 to index
        %get3A_49 = arith.constant 0 : index
        %get3A_50 = tpu.vector_load %arg12[%get3A_48, %get3A_49] {strides = array<i32>} : memref<80x128xf32, #tpu.memory_space<vmem>>, vector<1x16xf32>,
        %get3A_51 = vector.shape_cast %get3A_50 : vector<1x16xf32> to vector<16xf32>
        %mul3A_52 = arith.mulf %get3A_47, %get3A_51 : vector<16xf32>
        %swap3A = arith.index_cast %scan3A_43 : i32 to index
        %swap3A_53 = arith.constant 0 : index
        %swap3A_54 = tpu.vector_load %arg11[%swap3A, %swap3A_53] {strides = array<i32>} : memref<80x128xf32, #tpu.memory_space<vmem>>, vector<1x16xf32>,
        %swap3A_55 = vector.shape_cast %swap3A_54 : vector<1x16xf32> to vector<16xf32>
        %swap3A_56 = vector.shape_cast %mul3A_52 : vector<16xf32> to vector<1x16xf32>
        tpu.vector_store %arg11[%swap3A, %swap3A_53], %swap3A_56 {strides = array<i32>} : memref<80x128xf32, #tpu.memory_space<vmem>>, vector<1x16xf32>,
        %get3A_57 = arith.index_cast %scan3A_43 : i32 to index
        %get3A_58 = arith.constant 16 : index
        %get3A_59 = tpu.vector_load %arg11[%get3A_57, %get3A_58] {strides = array<i32>} : memref<80x128xf32, #tpu.memory_space<vmem>>, vector<1x16xf32>,
        %get3A_60 = vector.shape_cast %get3A_59 : vector<1x16xf32> to vector<16xf32>
        %get3A_61 = arith.index_cast %scan3A_43 : i32 to index
        %get3A_62 = arith.constant 16 : index
        %get3A_63 = tpu.vector_load %arg12[%get3A_61, %get3A_62] {strides = array<i32>} : memref<80x128xf32, #tpu.memory_space<vmem>>, vector<1x16xf32>,
        %get3A_64 = vector.shape_cast %get3A_63 : vector<1x16xf32> to vector<16xf32>
        %mul3A_65 = arith.mulf %get3A_60, %get3A_64 : vector<16xf32>
        %swap3A_66 = arith.index_cast %scan3A_43 : i32 to index
        %swap3A_67 = arith.constant 16 : index
        %swap3A_68 = tpu.vector_load %arg11[%swap3A_66, %swap3A_67] {strides = array<i32>} : memref<80x128xf32, #tpu.memory_space<vmem>>, vector<1x16xf32>,
        %swap3A_69 = vector.shape_cast %swap3A_68 : vector<1x16xf32> to vector<16xf32>
        %swap3A_70 = vector.shape_cast %mul3A_65 : vector<16xf32> to vector<1x16xf32>
        tpu.vector_store %arg11[%swap3A_66, %swap3A_67], %swap3A_70 {strides = array<i32>} : memref<80x128xf32, #tpu.memory_space<vmem>>, vector<1x16xf32>,
        %get3A_71 = arith.index_cast %scan3A_43 : i32 to index
        %get3A_72 = arith.constant 32 : index
        %get3A_73 = tpu.vector_load %arg11[%get3A_71, %get3A_72] {strides = array<i32>} : memref<80x128xf32, #tpu.memory_space<vmem>>, vector<1x16xf32>,
        %get3A_74 = vector.shape_cast %get3A_73 : vector<1x16xf32> to vector<16xf32>
        %get3A_75 = arith.index_cast %scan3A_43 : i32 to index
        %get3A_76 = arith.constant 32 : index
        %get3A_77 = tpu.vector_load %arg12[%get3A_75, %get3A_76] {strides = array<i32>} : memref<80x128xf32, #tpu.memory_space<vmem>>, vector<1x16xf32>,
        %get3A_78 = vector.shape_cast %get3A_77 : vector<1x16xf32> to vector<16xf32>
        %mul3A_79 = arith.mulf %get3A_74, %get3A_78 : vector<16xf32>
        %swap3A_80 = arith.index_cast %scan3A_43 : i32 to index
        %swap3A_81 = arith.constant 32 : index
        %swap3A_82 = tpu.vector_load %arg11[%swap3A_80, %swap3A_81] {strides = array<i32>} : memref<80x128xf32, #tpu.memory_space<vmem>>, vector<1x16xf32>,
        %swap3A_83 = vector.shape_cast %swap3A_82 : vector<1x16xf32> to vector<16xf32>
        %swap3A_84 = vector.shape_cast %mul3A_79 : vector<16xf32> to vector<1x16xf32>
        tpu.vector_store %arg11[%swap3A_80, %swap3A_81], %swap3A_84 {strides = array<i32>} : memref<80x128xf32, #tpu.memory_space<vmem>>, vector<1x16xf32>,
        %get3A_85 = arith.index_cast %scan3A_43 : i32 to index
        %get3A_86 = arith.constant 48 : index
        %get3A_87 = tpu.vector_load %arg11[%get3A_85, %get3A_86] {strides = array<i32>} : memref<80x128xf32, #tpu.memory_space<vmem>>, vector<1x16xf32>,
        %get3A_88 = vector.shape_cast %get3A_87 : vector<1x16xf32> to vector<16xf32>
        %get3A_89 = arith.index_cast %scan3A_43 : i32 to index
        %get3A_90 = arith.constant 48 : index
        %get3A_91 = tpu.vector_load %arg12[%get3A_89, %get3A_90] {strides = array<i32>} : memref<80x128xf32, #tpu.memory_space<vmem>>, vector<1x16xf32>,
        %get3A_92 = vector.shape_cast %get3A_91 : vector<1x16xf32> to vector<16xf32>
        %mul3A_93 = arith.mulf %get3A_88, %get3A_92 : vector<16xf32>
        %swap3A_94 = arith.index_cast %scan3A_43 : i32 to index
        %swap3A_95 = arith.constant 48 : index
        %swap3A_96 = tpu.vector_load %arg11[%swap3A_94, %swap3A_95] {strides = array<i32>} : memref<80x128xf32, #tpu.memory_space<vmem>>, vector<1x16xf32>,
        %swap3A_97 = vector.shape_cast %swap3A_96 : vector<1x16xf32> to vector<16xf32>
        %swap3A_98 = vector.shape_cast %mul3A_93 : vector<16xf32> to vector<1x16xf32>
        tpu.vector_store %arg11[%swap3A_94, %swap3A_95], %swap3A_98 {strides = array<i32>} : memref<80x128xf32, #tpu.memory_space<vmem>>, vector<1x16xf32>,
        %get3A_99 = arith.index_cast %scan3A_43 : i32 to index
        %get3A_100 = arith.constant 64 : index
        %get3A_101 = tpu.vector_load %arg11[%get3A_99, %get3A_100] {strides = array<i32>} : memref<80x128xf32, #tpu.memory_space<vmem>>, vector<1x16xf32>,
        %get3A_102 = vector.shape_cast %get3A_101 : vector<1x16xf32> to vector<16xf32>
        %get3A_103 = arith.index_cast %scan3A_43 : i32 to index
        %get3A_104 = arith.constant 64 : index
        %get3A_105 = tpu.vector_load %arg12[%get3A_103, %get3A_104] {strides = array<i32>} : memref<80x128xf32, #tpu.memory_space<vmem>>, vector<1x16xf32>,
        %get3A_106 = vector.shape_cast %get3A_105 : vector<1x16xf32> to vector<16xf32>
        %mul3A_107 = arith.mulf %get3A_102, %get3A_106 : vector<16xf32>
        %swap3A_108 = arith.index_cast %scan3A_43 : i32 to index
        %swap3A_109 = arith.constant 64 : index
        %swap3A_110 = tpu.vector_load %arg11[%swap3A_108, %swap3A_109] {strides = array<i32>} : memref<80x128xf32, #tpu.memory_space<vmem>>, vector<1x16xf32>,
        %swap3A_111 = vector.shape_cast %swap3A_110 : vector<1x16xf32> to vector<16xf32>
        %swap3A_112 = vector.shape_cast %mul3A_107 : vector<16xf32> to vector<1x16xf32>
        tpu.vector_store %arg11[%swap3A_108, %swap3A_109], %swap3A_112 {strides = array<i32>} : memref<80x128xf32, #tpu.memory_space<vmem>>, vector<1x16xf32>,
        %get3A_113 = arith.index_cast %scan3A_43 : i32 to index
        %get3A_114 = arith.constant 80 : index
        %get3A_115 = tpu.vector_load %arg11[%get3A_113, %get3A_114] {strides = array<i32>} : memref<80x128xf32, #tpu.memory_space<vmem>>, vector<1x16xf32>,
        %get3A_116 = vector.shape_cast %get3A_115 : vector<1x16xf32> to vector<16xf32>
        %get3A_117 = arith.index_cast %scan3A_43 : i32 to index
        %get3A_118 = arith.constant 80 : index
        %get3A_119 = tpu.vector_load %arg12[%get3A_117, %get3A_118] {strides = array<i32>} : memref<80x128xf32, #tpu.memory_space<vmem>>, vector<1x16xf32>,
        %get3A_120 = vector.shape_cast %get3A_119 : vector<1x16xf32> to vector<16xf32>
        %mul3A_121 = arith.mulf %get3A_116, %get3A_120 : vector<16xf32>
        %swap3A_122 = arith.index_cast %scan3A_43 : i32 to index
        %swap3A_123 = arith.constant 80 : index
        %swap3A_124 = tpu.vector_load %arg11[%swap3A_122, %swap3A_123] {strides = array<i32>} : memref<80x128xf32, #tpu.memory_space<vmem>>, vector<1x16xf32>,
        %swap3A_125 = vector.shape_cast %swap3A_124 : vector<1x16xf32> to vector<16xf32>
        %swap3A_126 = vector.shape_cast %mul3A_121 : vector<16xf32> to vector<1x16xf32>
        tpu.vector_store %arg11[%swap3A_122, %swap3A_123], %swap3A_126 {strides = array<i32>} : memref<80x128xf32, #tpu.memory_space<vmem>>, vector<1x16xf32>,
        %get3A_127 = arith.index_cast %scan3A_43 : i32 to index
        %get3A_128 = arith.constant 96 : index
        %get3A_129 = tpu.vector_load %arg11[%get3A_127, %get3A_128] {strides = array<i32>} : memref<80x128xf32, #tpu.memory_space<vmem>>, vector<1x16xf32>,
        %get3A_130 = vector.shape_cast %get3A_129 : vector<1x16xf32> to vector<16xf32>
        %get3A_131 = arith.index_cast %scan3A_43 : i32 to index
        %get3A_132 = arith.constant 96 : index
        %get3A_133 = tpu.vector_load %arg12[%get3A_131, %get3A_132] {strides = array<i32>} : memref<80x128xf32, #tpu.memory_space<vmem>>, vector<1x16xf32>,
        %get3A_134 = vector.shape_cast %get3A_133 : vector<1x16xf32> to vector<16xf32>
        %mul3A_135 = arith.mulf %get3A_130, %get3A_134 : vector<16xf32>
        %swap3A_136 = arith.index_cast %scan3A_43 : i32 to index
        %swap3A_137 = arith.constant 96 : index
        %swap3A_138 = tpu.vector_load %arg11[%swap3A_136, %swap3A_137] {strides = array<i32>} : memref<80x128xf32, #tpu.memory_space<vmem>>, vector<1x16xf32>,
        %swap3A_139 = vector.shape_cast %swap3A_138 : vector<1x16xf32> to vector<16xf32>
        %swap3A_140 = vector.shape_cast %mul3A_135 : vector<16xf32> to vector<1x16xf32>
        tpu.vector_store %arg11[%swap3A_136, %swap3A_137], %swap3A_140 {strides = array<i32>} : memref<80x128xf32, #tpu.memory_space<vmem>>, vector<1x16xf32>,
        %get3A_141 = arith.index_cast %scan3A_43 : i32 to index
        %get3A_142 = arith.constant 112 : index
        %get3A_143 = tpu.vector_load %arg11[%get3A_141, %get3A_142] {strides = array<i32>} : memref<80x128xf32, #tpu.memory_space<vmem>>, vector<1x16xf32>,
        %get3A_144 = vector.shape_cast %get3A_143 : vector<1x16xf32> to vector<16xf32>
        %get3A_145 = arith.index_cast %scan3A_43 : i32 to index
        %get3A_146 = arith.constant 112 : index
        %get3A_147 = tpu.vector_load %arg12[%get3A_145, %get3A_146] {strides = array<i32>} : memref<80x128xf32, #tpu.memory_space<vmem>>, vector<1x16xf32>,
        %get3A_148 = vector.shape_cast %get3A_147 : vector<1x16xf32> to vector<16xf32>
        %mul3A_149 = arith.mulf %get3A_144, %get3A_148 : vector<16xf32>
        %swap3A_150 = arith.index_cast %scan3A_43 : i32 to index
        %swap3A_151 = arith.constant 112 : index
        %swap3A_152 = tpu.vector_load %arg11[%swap3A_150, %swap3A_151] {strides = array<i32>} : memref<80x128xf32, #tpu.memory_space<vmem>>, vector<1x16xf32>,
        %swap3A_153 = vector.shape_cast %swap3A_152 : vector<1x16xf32> to vector<16xf32>
        %swap3A_154 = vector.shape_cast %mul3A_149 : vector<16xf32> to vector<1x16xf32>
        tpu.vector_store %arg11[%swap3A_150, %swap3A_151], %swap3A_154 {strides = array<i32>} : memref<80x128xf32, #tpu.memory_space<vmem>>, vector<1x16xf32>,
        %scan3A_155 = arith.constant 0 : i32
        scf.yield %scan3A_155 : i32
      }
      %scan3A_41 = arith.constant 80 : i32
      "tpu.region"() ({
        %run_scoped3A = tpu.sem_alloc : memref<!tpu.dma_semaphore, #tpu.memory_space<semaphore_mem>>
        %dma_start3A_43 = arith.constant 0 : i32
        %dma_start3A_44 = arith.constant 0 : i32
        %dma_start3A_45 = tpu.memref_slice %arg8[%dma_start3A_43, %dma_start3A_44] : memref<10112x128xf32, #tpu.memory_space<vmem_shared>> -> memref<10112x128xf32, #tpu.memory_space<vmem_shared>>
        tpu.enqueue_indirect_dma source(%arg11 : memref<80x128xf32, #tpu.memory_space<vmem>>) target(%dma_start3A_45 : memref<10112x128xf32, #tpu.memory_space<vmem_shared>>) offsets(%arg10 : memref<80xi32, #tpu.memory_space<vmem>>) semaphore(%run_scoped3A : memref<!tpu.dma_semaphore, #tpu.memory_space<semaphore_mem>>) {add = true}
        %dma_wait3A_46 = arith.constant 0 : i32
        %dma_wait3A_47 = arith.constant 0 : i32
        %dma_wait3A_48 = tpu.memref_slice %arg8[%dma_wait3A_46, %dma_wait3A_47] : memref<10112x128xf32, #tpu.memory_space<vmem_shared>> -> memref<10112x128xf32, #tpu.memory_space<vmem_shared>>
        tpu.wait_indirect_dma semaphore(%run_scoped3A : memref<!tpu.dma_semaphore, #tpu.memory_space<semaphore_mem>>) src(%arg11 : memref<80x128xf32, #tpu.memory_space<vmem>>) dst(%dma_wait3A_48 : memref<10112x128xf32, #tpu.memory_space<vmem_shared>>)
        tpu.yield
      }) : () -> ()
      %scan3A_42 = arith.constant 0 : i32
      scf.yield %scan3A_42 : i32
    }
    %scan3A_10 = arith.constant 125 : i32
    %barrier3A_11 = arith.constant 0 : index
    tpu.barrier barrier_id(%barrier3A_11)
    %mul3A_12 = arith.constant 632 : i32
    %mul3A_13 = arith.muli %arg1, %mul3A_12 : i32
    %mul3A_14 = arith.constant 632 : i32
    %mul3A_15 = arith.muli %arg1, %mul3A_14 : i32
    "tpu.region"() ({
      %run_scoped3A = tpu.sem_alloc : memref<!tpu.dma_semaphore, #tpu.memory_space<semaphore_mem>>
      %dma_start3A = arith.constant 0 : i32
      %dma_start3A_16 = tpu.memref_slice %arg7[%arg0, %mul3A_15, %dma_start3A] : memref<2x10112x128xf32, #tpu.memory_space<hbm>> -> memref<1x632x128xf32, #tpu.memory_space<hbm>>
      %dma_start3A_17 = tpu.memref_squeeze %dma_start3A_16 : memref<1x632x128xf32, #tpu.memory_space<hbm>> -> memref<632x128xf32, #tpu.memory_space<hbm>>
      %dma_start3A_18 = arith.constant 0 : i32
      %dma_start3A_19 = tpu.memref_slice %arg8[%mul3A_13, %dma_start3A_18] : memref<10112x128xf32, #tpu.memory_space<vmem_shared>> -> memref<632x128xf32, #tpu.memory_space<vmem_shared>>
      tpu.enqueue_dma source(%dma_start3A_19 : memref<632x128xf32, #tpu.memory_space<vmem_shared>>) target(%dma_start3A_17 : memref<632x128xf32, #tpu.memory_space<hbm>>) target_semaphore(%run_scoped3A : memref<!tpu.dma_semaphore, #tpu.memory_space<semaphore_mem>>)
      %dma_wait3A = arith.constant 0 : i32
      %dma_wait3A_20 = tpu.memref_slice %arg7[%arg0, %mul3A_15, %dma_wait3A] : memref<2x10112x128xf32, #tpu.memory_space<hbm>> -> memref<1x632x128xf32, #tpu.memory_space<hbm>>
      %dma_wait3A_21 = tpu.memref_squeeze %dma_wait3A_20 : memref<1x632x128xf32, #tpu.memory_space<hbm>> -> memref<632x128xf32, #tpu.memory_space<hbm>>
      %dma_wait3A_22 = arith.constant 0 : i32
      %dma_wait3A_23 = tpu.memref_slice %arg8[%mul3A_13, %dma_wait3A_22] : memref<10112x128xf32, #tpu.memory_space<vmem_shared>> -> memref<632x128xf32, #tpu.memory_space<vmem_shared>>
      tpu.wait_dma2 semaphore(%run_scoped3A : memref<!tpu.dma_semaphore, #tpu.memory_space<semaphore_mem>>) src(%dma_wait3A_23 : memref<632x128xf32, #tpu.memory_space<vmem_shared>>) dst(%dma_wait3A_21 : memref<632x128xf32, #tpu.memory_space<hbm>>)
      tpu.yield
    }) : () -> ()
    return
  }
}

#map = affine_map<(d0, d1) -> (0, 0)>
#map1 = affine_map<(d0, d1) -> (0)>
module attributes {stable_mosaic.version = 14 : i64} {
  func.func @decg(%arg0: i32, %arg1: i32, %arg2: memref<10112x128xf32, #tpu.memory_space<hbm>>, %arg3: memref<10112x128xf32, #tpu.memory_space<hbm>>, %arg4: memref<320000xi32, #tpu.memory_space<hbm>>, %arg5: memref<320000xi32, #tpu.memory_space<hbm>>, %arg6: memref<320000x128xf32, #tpu.memory_space<hbm>>, %arg7: memref<80xi32, #tpu.memory_space<vmem>>, %arg8: memref<80xi32, #tpu.memory_space<vmem>>, %arg9: memref<80x128xf32, #tpu.memory_space<vmem>>, %arg10: memref<80x128xf32, #tpu.memory_space<vmem>>, %arg11: memref<!tpu.dma_semaphore, #tpu.memory_space<semaphore_mem>>, %arg12: memref<!tpu.dma_semaphore, #tpu.memory_space<semaphore_mem>>) attributes {dimension_semantics = [#tpu.dimension_semantics<core_parallel>, #tpu.dimension_semantics<subcore_parallel>], iteration_bounds = array<i64: 2, 16>, scalar_prefetch = 0 : i64, scratch_operands = 6 : i64, tpu.core_type = #tpu.core_type<sc_vector_subcore>, window_params = [{transform_indices = #map}, {transform_indices = #map}, {transform_indices = #map1}, {transform_indices = #map1}, {transform_indices = #map}]} {
    %mul3A = arith.constant 2 : i32
    %mul3A_0 = arith.muli %arg1, %mul3A : i32
    %add3A = arith.addi %mul3A_0, %arg0 : i32
    %scan3A = arith.constant 0 : i32
    %scan3A_1 = arith.constant 0 : i32
    %scan3A_2 = arith.constant 125 : i32
    %scan3A_3 = arith.addi %scan3A_1, %scan3A_2 : i32
    %scan3A_4 = arith.constant 1 : i32
    %scan3A_5 = scf.for %scan3A_7 = %scan3A_1 to %scan3A_3 step %scan3A_4 iter_args(%scan3A_8 = %scan3A) -> (i32)  : i32 {
      %mul3A_9 = arith.constant 10000 : i32
      %mul3A_10 = arith.muli %add3A, %mul3A_9 : i32
      %mul3A_11 = arith.constant 80 : i32
      %mul3A_12 = arith.muli %scan3A_7, %mul3A_11 : i32
      %add3A_13 = arith.addi %mul3A_10, %mul3A_12 : i32
      "tpu.region"() ({
        %run_scoped3A = tpu.sem_alloc : memref<!tpu.dma_semaphore, #tpu.memory_space<semaphore_mem>>
        %dma_start3A_32 = tpu.memref_slice %arg4[%add3A_13] : memref<320000xi32, #tpu.memory_space<hbm>> -> memref<80xi32, #tpu.memory_space<hbm>>
        %dma_start3A_33 = tpu.memref_slice %arg4[%add3A_13] : memref<320000xi32, #tpu.memory_space<hbm>> -> memref<80xi32, #tpu.memory_space<hbm>>
        tpu.enqueue_dma source(%dma_start3A_33 : memref<80xi32, #tpu.memory_space<hbm>>) target(%arg7 : memref<80xi32, #tpu.memory_space<vmem>>) target_semaphore(%run_scoped3A : memref<!tpu.dma_semaphore, #tpu.memory_space<semaphore_mem>>)
        %dma_wait3A_34 = tpu.memref_slice %arg4[%add3A_13] : memref<320000xi32, #tpu.memory_space<hbm>> -> memref<80xi32, #tpu.memory_space<hbm>>
        %dma_wait3A_35 = tpu.memref_slice %arg4[%add3A_13] : memref<320000xi32, #tpu.memory_space<hbm>> -> memref<80xi32, #tpu.memory_space<hbm>>
        tpu.wait_dma2 semaphore(%run_scoped3A : memref<!tpu.dma_semaphore, #tpu.memory_space<semaphore_mem>>) src(%dma_wait3A_35 : memref<80xi32, #tpu.memory_space<hbm>>) dst(%arg7 : memref<80xi32, #tpu.memory_space<vmem>>)
        tpu.yield
      }) : () -> ()
      "tpu.region"() ({
        %run_scoped3A = tpu.sem_alloc : memref<!tpu.dma_semaphore, #tpu.memory_space<semaphore_mem>>
        %dma_start3A_32 = tpu.memref_slice %arg5[%add3A_13] : memref<320000xi32, #tpu.memory_space<hbm>> -> memref<80xi32, #tpu.memory_space<hbm>>
        %dma_start3A_33 = tpu.memref_slice %arg5[%add3A_13] : memref<320000xi32, #tpu.memory_space<hbm>> -> memref<80xi32, #tpu.memory_space<hbm>>
        tpu.enqueue_dma source(%dma_start3A_33 : memref<80xi32, #tpu.memory_space<hbm>>) target(%arg8 : memref<80xi32, #tpu.memory_space<vmem>>) target_semaphore(%run_scoped3A : memref<!tpu.dma_semaphore, #tpu.memory_space<semaphore_mem>>)
        %dma_wait3A_34 = tpu.memref_slice %arg5[%add3A_13] : memref<320000xi32, #tpu.memory_space<hbm>> -> memref<80xi32, #tpu.memory_space<hbm>>
        %dma_wait3A_35 = tpu.memref_slice %arg5[%add3A_13] : memref<320000xi32, #tpu.memory_space<hbm>> -> memref<80xi32, #tpu.memory_space<hbm>>
        tpu.wait_dma2 semaphore(%run_scoped3A : memref<!tpu.dma_semaphore, #tpu.memory_space<semaphore_mem>>) src(%dma_wait3A_35 : memref<80xi32, #tpu.memory_space<hbm>>) dst(%arg8 : memref<80xi32, #tpu.memory_space<vmem>>)
        tpu.yield
      }) : () -> ()
      %dma_start3A = arith.constant 0 : i32
      %dma_start3A_14 = arith.constant 0 : i32
      %dma_start3A_15 = tpu.memref_slice %arg2[%dma_start3A, %dma_start3A_14] : memref<10112x128xf32, #tpu.memory_space<hbm>> -> memref<10112x128xf32, #tpu.memory_space<hbm>>
      tpu.enqueue_indirect_dma source(%dma_start3A_15 : memref<10112x128xf32, #tpu.memory_space<hbm>>) target(%arg9 : memref<80x128xf32, #tpu.memory_space<vmem>>) offsets(%arg7 : memref<80xi32, #tpu.memory_space<vmem>>) semaphore(%arg11 : memref<!tpu.dma_semaphore, #tpu.memory_space<semaphore_mem>>)
      %dma_start3A_16 = arith.constant 0 : i32
      %dma_start3A_17 = arith.constant 0 : i32
      %dma_start3A_18 = tpu.memref_slice %arg3[%dma_start3A_16, %dma_start3A_17] : memref<10112x128xf32, #tpu.memory_space<hbm>> -> memref<10112x128xf32, #tpu.memory_space<hbm>>
      tpu.enqueue_indirect_dma source(%dma_start3A_18 : memref<10112x128xf32, #tpu.memory_space<hbm>>) target(%arg10 : memref<80x128xf32, #tpu.memory_space<vmem>>) offsets(%arg8 : memref<80xi32, #tpu.memory_space<vmem>>) semaphore(%arg12 : memref<!tpu.dma_semaphore, #tpu.memory_space<semaphore_mem>>)
      %dma_wait3A = arith.constant 0 : i32
      %dma_wait3A_19 = arith.constant 0 : i32
      %dma_wait3A_20 = tpu.memref_slice %arg2[%dma_wait3A, %dma_wait3A_19] : memref<10112x128xf32, #tpu.memory_space<hbm>> -> memref<10112x128xf32, #tpu.memory_space<hbm>>
      tpu.wait_indirect_dma semaphore(%arg11 : memref<!tpu.dma_semaphore, #tpu.memory_space<semaphore_mem>>) src(%dma_wait3A_20 : memref<10112x128xf32, #tpu.memory_space<hbm>>) dst(%arg9 : memref<80x128xf32, #tpu.memory_space<vmem>>)
      %dma_wait3A_21 = arith.constant 0 : i32
      %dma_wait3A_22 = arith.constant 0 : i32
      %dma_wait3A_23 = tpu.memref_slice %arg3[%dma_wait3A_21, %dma_wait3A_22] : memref<10112x128xf32, #tpu.memory_space<hbm>> -> memref<10112x128xf32, #tpu.memory_space<hbm>>
      tpu.wait_indirect_dma semaphore(%arg12 : memref<!tpu.dma_semaphore, #tpu.memory_space<semaphore_mem>>) src(%dma_wait3A_23 : memref<10112x128xf32, #tpu.memory_space<hbm>>) dst(%arg10 : memref<80x128xf32, #tpu.memory_space<vmem>>)
      %scan3A_24 = arith.constant 0 : i32
      %scan3A_25 = arith.constant 0 : i32
      %scan3A_26 = arith.constant 80 : i32
      %scan3A_27 = arith.addi %scan3A_25, %scan3A_26 : i32
      %scan3A_28 = arith.constant 1 : i32
      %scan3A_29 = scf.for %scan3A_32 = %scan3A_25 to %scan3A_27 step %scan3A_28 iter_args(%scan3A_33 = %scan3A_24) -> (i32)  : i32 {
        %get3A = arith.index_cast %scan3A_32 : i32 to index
        %get3A_34 = arith.constant 0 : index
        %get3A_35 = tpu.vector_load %arg9[%get3A, %get3A_34] {strides = array<i32>} : memref<80x128xf32, #tpu.memory_space<vmem>>, vector<1x16xf32>,
        %get3A_36 = vector.shape_cast %get3A_35 : vector<1x16xf32> to vector<16xf32>
        %get3A_37 = arith.index_cast %scan3A_32 : i32 to index
        %get3A_38 = arith.constant 0 : index
        %get3A_39 = tpu.vector_load %arg10[%get3A_37, %get3A_38] {strides = array<i32>} : memref<80x128xf32, #tpu.memory_space<vmem>>, vector<1x16xf32>,
        %get3A_40 = vector.shape_cast %get3A_39 : vector<1x16xf32> to vector<16xf32>
        %add3A_41 = arith.addf %get3A_36, %get3A_40 : vector<16xf32>
        %swap3A = arith.index_cast %scan3A_32 : i32 to index
        %swap3A_42 = arith.constant 0 : index
        %swap3A_43 = tpu.vector_load %arg9[%swap3A, %swap3A_42] {strides = array<i32>} : memref<80x128xf32, #tpu.memory_space<vmem>>, vector<1x16xf32>,
        %swap3A_44 = vector.shape_cast %swap3A_43 : vector<1x16xf32> to vector<16xf32>
        %swap3A_45 = vector.shape_cast %add3A_41 : vector<16xf32> to vector<1x16xf32>
        tpu.vector_store %arg9[%swap3A, %swap3A_42], %swap3A_45 {strides = array<i32>} : memref<80x128xf32, #tpu.memory_space<vmem>>, vector<1x16xf32>,
        %get3A_46 = arith.index_cast %scan3A_32 : i32 to index
        %get3A_47 = arith.constant 16 : index
        %get3A_48 = tpu.vector_load %arg9[%get3A_46, %get3A_47] {strides = array<i32>} : memref<80x128xf32, #tpu.memory_space<vmem>>, vector<1x16xf32>,
        %get3A_49 = vector.shape_cast %get3A_48 : vector<1x16xf32> to vector<16xf32>
        %get3A_50 = arith.index_cast %scan3A_32 : i32 to index
        %get3A_51 = arith.constant 16 : index
        %get3A_52 = tpu.vector_load %arg10[%get3A_50, %get3A_51] {strides = array<i32>} : memref<80x128xf32, #tpu.memory_space<vmem>>, vector<1x16xf32>,
        %get3A_53 = vector.shape_cast %get3A_52 : vector<1x16xf32> to vector<16xf32>
        %add3A_54 = arith.addf %get3A_49, %get3A_53 : vector<16xf32>
        %swap3A_55 = arith.index_cast %scan3A_32 : i32 to index
        %swap3A_56 = arith.constant 16 : index
        %swap3A_57 = tpu.vector_load %arg9[%swap3A_55, %swap3A_56] {strides = array<i32>} : memref<80x128xf32, #tpu.memory_space<vmem>>, vector<1x16xf32>,
        %swap3A_58 = vector.shape_cast %swap3A_57 : vector<1x16xf32> to vector<16xf32>
        %swap3A_59 = vector.shape_cast %add3A_54 : vector<16xf32> to vector<1x16xf32>
        tpu.vector_store %arg9[%swap3A_55, %swap3A_56], %swap3A_59 {strides = array<i32>} : memref<80x128xf32, #tpu.memory_space<vmem>>, vector<1x16xf32>,
        %get3A_60 = arith.index_cast %scan3A_32 : i32 to index
        %get3A_61 = arith.constant 32 : index
        %get3A_62 = tpu.vector_load %arg9[%get3A_60, %get3A_61] {strides = array<i32>} : memref<80x128xf32, #tpu.memory_space<vmem>>, vector<1x16xf32>,
        %get3A_63 = vector.shape_cast %get3A_62 : vector<1x16xf32> to vector<16xf32>
        %get3A_64 = arith.index_cast %scan3A_32 : i32 to index
        %get3A_65 = arith.constant 32 : index
        %get3A_66 = tpu.vector_load %arg10[%get3A_64, %get3A_65] {strides = array<i32>} : memref<80x128xf32, #tpu.memory_space<vmem>>, vector<1x16xf32>,
        %get3A_67 = vector.shape_cast %get3A_66 : vector<1x16xf32> to vector<16xf32>
        %add3A_68 = arith.addf %get3A_63, %get3A_67 : vector<16xf32>
        %swap3A_69 = arith.index_cast %scan3A_32 : i32 to index
        %swap3A_70 = arith.constant 32 : index
        %swap3A_71 = tpu.vector_load %arg9[%swap3A_69, %swap3A_70] {strides = array<i32>} : memref<80x128xf32, #tpu.memory_space<vmem>>, vector<1x16xf32>,
        %swap3A_72 = vector.shape_cast %swap3A_71 : vector<1x16xf32> to vector<16xf32>
        %swap3A_73 = vector.shape_cast %add3A_68 : vector<16xf32> to vector<1x16xf32>
        tpu.vector_store %arg9[%swap3A_69, %swap3A_70], %swap3A_73 {strides = array<i32>} : memref<80x128xf32, #tpu.memory_space<vmem>>, vector<1x16xf32>,
        %get3A_74 = arith.index_cast %scan3A_32 : i32 to index
        %get3A_75 = arith.constant 48 : index
        %get3A_76 = tpu.vector_load %arg9[%get3A_74, %get3A_75] {strides = array<i32>} : memref<80x128xf32, #tpu.memory_space<vmem>>, vector<1x16xf32>,
        %get3A_77 = vector.shape_cast %get3A_76 : vector<1x16xf32> to vector<16xf32>
        %get3A_78 = arith.index_cast %scan3A_32 : i32 to index
        %get3A_79 = arith.constant 48 : index
        %get3A_80 = tpu.vector_load %arg10[%get3A_78, %get3A_79] {strides = array<i32>} : memref<80x128xf32, #tpu.memory_space<vmem>>, vector<1x16xf32>,
        %get3A_81 = vector.shape_cast %get3A_80 : vector<1x16xf32> to vector<16xf32>
        %add3A_82 = arith.addf %get3A_77, %get3A_81 : vector<16xf32>
        %swap3A_83 = arith.index_cast %scan3A_32 : i32 to index
        %swap3A_84 = arith.constant 48 : index
        %swap3A_85 = tpu.vector_load %arg9[%swap3A_83, %swap3A_84] {strides = array<i32>} : memref<80x128xf32, #tpu.memory_space<vmem>>, vector<1x16xf32>,
        %swap3A_86 = vector.shape_cast %swap3A_85 : vector<1x16xf32> to vector<16xf32>
        %swap3A_87 = vector.shape_cast %add3A_82 : vector<16xf32> to vector<1x16xf32>
        tpu.vector_store %arg9[%swap3A_83, %swap3A_84], %swap3A_87 {strides = array<i32>} : memref<80x128xf32, #tpu.memory_space<vmem>>, vector<1x16xf32>,
        %get3A_88 = arith.index_cast %scan3A_32 : i32 to index
        %get3A_89 = arith.constant 64 : index
        %get3A_90 = tpu.vector_load %arg9[%get3A_88, %get3A_89] {strides = array<i32>} : memref<80x128xf32, #tpu.memory_space<vmem>>, vector<1x16xf32>,
        %get3A_91 = vector.shape_cast %get3A_90 : vector<1x16xf32> to vector<16xf32>
        %get3A_92 = arith.index_cast %scan3A_32 : i32 to index
        %get3A_93 = arith.constant 64 : index
        %get3A_94 = tpu.vector_load %arg10[%get3A_92, %get3A_93] {strides = array<i32>} : memref<80x128xf32, #tpu.memory_space<vmem>>, vector<1x16xf32>,
        %get3A_95 = vector.shape_cast %get3A_94 : vector<1x16xf32> to vector<16xf32>
        %add3A_96 = arith.addf %get3A_91, %get3A_95 : vector<16xf32>
        %swap3A_97 = arith.index_cast %scan3A_32 : i32 to index
        %swap3A_98 = arith.constant 64 : index
        %swap3A_99 = tpu.vector_load %arg9[%swap3A_97, %swap3A_98] {strides = array<i32>} : memref<80x128xf32, #tpu.memory_space<vmem>>, vector<1x16xf32>,
        %swap3A_100 = vector.shape_cast %swap3A_99 : vector<1x16xf32> to vector<16xf32>
        %swap3A_101 = vector.shape_cast %add3A_96 : vector<16xf32> to vector<1x16xf32>
        tpu.vector_store %arg9[%swap3A_97, %swap3A_98], %swap3A_101 {strides = array<i32>} : memref<80x128xf32, #tpu.memory_space<vmem>>, vector<1x16xf32>,
        %get3A_102 = arith.index_cast %scan3A_32 : i32 to index
        %get3A_103 = arith.constant 80 : index
        %get3A_104 = tpu.vector_load %arg9[%get3A_102, %get3A_103] {strides = array<i32>} : memref<80x128xf32, #tpu.memory_space<vmem>>, vector<1x16xf32>,
        %get3A_105 = vector.shape_cast %get3A_104 : vector<1x16xf32> to vector<16xf32>
        %get3A_106 = arith.index_cast %scan3A_32 : i32 to index
        %get3A_107 = arith.constant 80 : index
        %get3A_108 = tpu.vector_load %arg10[%get3A_106, %get3A_107] {strides = array<i32>} : memref<80x128xf32, #tpu.memory_space<vmem>>, vector<1x16xf32>,
        %get3A_109 = vector.shape_cast %get3A_108 : vector<1x16xf32> to vector<16xf32>
        %add3A_110 = arith.addf %get3A_105, %get3A_109 : vector<16xf32>
        %swap3A_111 = arith.index_cast %scan3A_32 : i32 to index
        %swap3A_112 = arith.constant 80 : index
        %swap3A_113 = tpu.vector_load %arg9[%swap3A_111, %swap3A_112] {strides = array<i32>} : memref<80x128xf32, #tpu.memory_space<vmem>>, vector<1x16xf32>,
        %swap3A_114 = vector.shape_cast %swap3A_113 : vector<1x16xf32> to vector<16xf32>
        %swap3A_115 = vector.shape_cast %add3A_110 : vector<16xf32> to vector<1x16xf32>
        tpu.vector_store %arg9[%swap3A_111, %swap3A_112], %swap3A_115 {strides = array<i32>} : memref<80x128xf32, #tpu.memory_space<vmem>>, vector<1x16xf32>,
        %get3A_116 = arith.index_cast %scan3A_32 : i32 to index
        %get3A_117 = arith.constant 96 : index
        %get3A_118 = tpu.vector_load %arg9[%get3A_116, %get3A_117] {strides = array<i32>} : memref<80x128xf32, #tpu.memory_space<vmem>>, vector<1x16xf32>,
        %get3A_119 = vector.shape_cast %get3A_118 : vector<1x16xf32> to vector<16xf32>
        %get3A_120 = arith.index_cast %scan3A_32 : i32 to index
        %get3A_121 = arith.constant 96 : index
        %get3A_122 = tpu.vector_load %arg10[%get3A_120, %get3A_121] {strides = array<i32>} : memref<80x128xf32, #tpu.memory_space<vmem>>, vector<1x16xf32>,
        %get3A_123 = vector.shape_cast %get3A_122 : vector<1x16xf32> to vector<16xf32>
        %add3A_124 = arith.addf %get3A_119, %get3A_123 : vector<16xf32>
        %swap3A_125 = arith.index_cast %scan3A_32 : i32 to index
        %swap3A_126 = arith.constant 96 : index
        %swap3A_127 = tpu.vector_load %arg9[%swap3A_125, %swap3A_126] {strides = array<i32>} : memref<80x128xf32, #tpu.memory_space<vmem>>, vector<1x16xf32>,
        %swap3A_128 = vector.shape_cast %swap3A_127 : vector<1x16xf32> to vector<16xf32>
        %swap3A_129 = vector.shape_cast %add3A_124 : vector<16xf32> to vector<1x16xf32>
        tpu.vector_store %arg9[%swap3A_125, %swap3A_126], %swap3A_129 {strides = array<i32>} : memref<80x128xf32, #tpu.memory_space<vmem>>, vector<1x16xf32>,
        %get3A_130 = arith.index_cast %scan3A_32 : i32 to index
        %get3A_131 = arith.constant 112 : index
        %get3A_132 = tpu.vector_load %arg9[%get3A_130, %get3A_131] {strides = array<i32>} : memref<80x128xf32, #tpu.memory_space<vmem>>, vector<1x16xf32>,
        %get3A_133 = vector.shape_cast %get3A_132 : vector<1x16xf32> to vector<16xf32>
        %get3A_134 = arith.index_cast %scan3A_32 : i32 to index
        %get3A_135 = arith.constant 112 : index
        %get3A_136 = tpu.vector_load %arg10[%get3A_134, %get3A_135] {strides = array<i32>} : memref<80x128xf32, #tpu.memory_space<vmem>>, vector<1x16xf32>,
        %get3A_137 = vector.shape_cast %get3A_136 : vector<1x16xf32> to vector<16xf32>
        %add3A_138 = arith.addf %get3A_133, %get3A_137 : vector<16xf32>
        %swap3A_139 = arith.index_cast %scan3A_32 : i32 to index
        %swap3A_140 = arith.constant 112 : index
        %swap3A_141 = tpu.vector_load %arg9[%swap3A_139, %swap3A_140] {strides = array<i32>} : memref<80x128xf32, #tpu.memory_space<vmem>>, vector<1x16xf32>,
        %swap3A_142 = vector.shape_cast %swap3A_141 : vector<1x16xf32> to vector<16xf32>
        %swap3A_143 = vector.shape_cast %add3A_138 : vector<16xf32> to vector<1x16xf32>
        tpu.vector_store %arg9[%swap3A_139, %swap3A_140], %swap3A_143 {strides = array<i32>} : memref<80x128xf32, #tpu.memory_space<vmem>>, vector<1x16xf32>,
        %scan3A_144 = arith.constant 0 : i32
        scf.yield %scan3A_144 : i32
      }
      %scan3A_30 = arith.constant 80 : i32
      "tpu.region"() ({
        %run_scoped3A = tpu.sem_alloc : memref<!tpu.dma_semaphore, #tpu.memory_space<semaphore_mem>>
        %dma_start3A_32 = arith.constant 0 : i32
        %dma_start3A_33 = tpu.memref_slice %arg6[%add3A_13, %dma_start3A_32] : memref<320000x128xf32, #tpu.memory_space<hbm>> -> memref<80x128xf32, #tpu.memory_space<hbm>>
        %dma_start3A_34 = arith.constant 0 : i32
        %dma_start3A_35 = tpu.memref_slice %arg6[%add3A_13, %dma_start3A_34] : memref<320000x128xf32, #tpu.memory_space<hbm>> -> memref<80x128xf32, #tpu.memory_space<hbm>>
        tpu.enqueue_dma source(%arg9 : memref<80x128xf32, #tpu.memory_space<vmem>>) target(%dma_start3A_35 : memref<80x128xf32, #tpu.memory_space<hbm>>) target_semaphore(%run_scoped3A : memref<!tpu.dma_semaphore, #tpu.memory_space<semaphore_mem>>)
        %dma_wait3A_36 = arith.constant 0 : i32
        %dma_wait3A_37 = tpu.memref_slice %arg6[%add3A_13, %dma_wait3A_36] : memref<320000x128xf32, #tpu.memory_space<hbm>> -> memref<80x128xf32, #tpu.memory_space<hbm>>
        %dma_wait3A_38 = arith.constant 0 : i32
        %dma_wait3A_39 = tpu.memref_slice %arg6[%add3A_13, %dma_wait3A_38] : memref<320000x128xf32, #tpu.memory_space<hbm>> -> memref<80x128xf32, #tpu.memory_space<hbm>>
        tpu.wait_dma2 semaphore(%run_scoped3A : memref<!tpu.dma_semaphore, #tpu.memory_space<semaphore_mem>>) src(%arg9 : memref<80x128xf32, #tpu.memory_space<vmem>>) dst(%dma_wait3A_39 : memref<80x128xf32, #tpu.memory_space<hbm>>)
        tpu.yield
      }) : () -> ()
      %scan3A_31 = arith.constant 0 : i32
      scf.yield %scan3A_31 : i32
    }
    %scan3A_6 = arith.constant 125 : i32
    return
  }
}

module attributes {stable_mosaic.version = 14 : i64} {
  func.func @body(%arg0: i32, %arg1: memref<1264x128xf32, #tpu.memory_space<vmem>>, %arg2: memref<128x128xf32, #tpu.memory_space<vmem>>, %arg3: memref<1264x128xf32, #tpu.memory_space<vmem>>) attributes {dimension_semantics = [#tpu.dimension_semantics<arbitrary>], iteration_bounds = array<i64: 8>, scalar_prefetch = 0 : i64, scratch_operands = 0 : i64, tpu.core_type = #tpu.core_type<tc>, window_params = [{transform_indices = @transform_0, window_bounds = array<i64: 1264, 128>}, {pipeline_mode = #tpu.pipeline_mode<synchronous>, transform_indices = @transform_1, window_bounds = array<i64: 128, 128>}, {transform_indices = @transform_2, window_bounds = array<i64: 1264, 128>}]} {
    %get3A = arith.constant 0 : index
    %get3A_0 = arith.constant 0 : index
    %get3A_1 = vector.load %arg1[%get3A, %get3A_0] : memref<1264x128xf32, #tpu.memory_space<vmem>>, vector<1264x128xf32>
    %get3A_2 = arith.constant 0 : index
    %get3A_3 = arith.constant 0 : index
    %get3A_4 = vector.load %arg2[%get3A_2, %get3A_3] : memref<128x128xf32, #tpu.memory_space<vmem>>, vector<128x128xf32>
    %dot_general3A = arith.constant dense<0.000000e+00> : vector<1264x128xf32>
    %dot_general3A_5 = tpu.matmul %get3A_1, %get3A_4, %dot_general3A {dimension_numbers = #tpu.dot_dimension_numbers<[1], [0], [0], [1], [0, 0, 1, 1], [], []>, transpose_lhs_hint = false} : vector<1264x128xf32>, vector<128x128xf32>, vector<1264x128xf32> -> vector<1264x128xf32>
    %swap3A = arith.constant 0 : index
    %swap3A_6 = arith.constant 0 : index
    %swap3A_7 = vector.load %arg3[%swap3A, %swap3A_6] : memref<1264x128xf32, #tpu.memory_space<vmem>>, vector<1264x128xf32>
    tpu.vector_store %arg3[%swap3A, %swap3A_6], %dot_general3A_5 {strides = array<i32>} : memref<1264x128xf32, #tpu.memory_space<vmem>>, vector<1264x128xf32>,
    return
  }
  func.func @transform_0(%arg0: i32) -> (i32, i32) {
    %c0_i32 = arith.constant 0 : i32
    %c0_i32_0 = arith.constant 0 : i32
    return %arg0, %c0_i32 : i32, i32
  }
  func.func @transform_1(%arg0: i32) -> (i32, i32) {
    %c0_i32 = arith.constant 0 : i32
    %c0_i32_0 = arith.constant 0 : i32
    %c0_i32_1 = arith.constant 0 : i32
    return %c0_i32, %c0_i32_0 : i32, i32
  }
  func.func @transform_2(%arg0: i32) -> (i32, i32) {
    %c0_i32 = arith.constant 0 : i32
    %c0_i32_0 = arith.constant 0 : i32
    return %arg0, %c0_i32 : i32, i32
  }
}

module attributes {stable_mosaic.version = 14 : i64} {
  func.func @body(%arg0: i32, %arg1: memref<3200x16xf32, #tpu.memory_space<vmem>>, %arg2: memref<16x128xf32, #tpu.memory_space<vmem>>, %arg3: memref<8x128xf32, #tpu.memory_space<vmem>>, %arg4: memref<128x128xf32, #tpu.memory_space<vmem>>, %arg5: memref<8x128xf32, #tpu.memory_space<vmem>>, %arg6: memref<16x128xf32, #tpu.memory_space<vmem>>, %arg7: memref<8x128xf32, #tpu.memory_space<vmem>>, %arg8: memref<128x128xf32, #tpu.memory_space<vmem>>, %arg9: memref<8x128xf32, #tpu.memory_space<vmem>>, %arg10: memref<16x128xf32, #tpu.memory_space<vmem>>, %arg11: memref<8x128xf32, #tpu.memory_space<vmem>>, %arg12: memref<128x128xf32, #tpu.memory_space<vmem>>, %arg13: memref<8x128xf32, #tpu.memory_space<vmem>>, %arg14: memref<3200x128xf32, #tpu.memory_space<vmem>>, %arg15: memref<3200x128xf32, #tpu.memory_space<vmem>>, %arg16: memref<3200x128xf32, #tpu.memory_space<vmem>>) attributes {dimension_semantics = [#tpu.dimension_semantics<arbitrary>], iteration_bounds = array<i64: 100>, scalar_prefetch = 0 : i64, scratch_operands = 0 : i64, tpu.core_type = #tpu.core_type<tc>, window_params = [{transform_indices = @transform_0, window_bounds = array<i64: 3200, 16>}, {pipeline_mode = #tpu.pipeline_mode<synchronous>, transform_indices = @transform_1, window_bounds = array<i64: 16, 128>}, {pipeline_mode = #tpu.pipeline_mode<synchronous>, transform_indices = @transform_2, window_bounds = array<i64: 8, 128>}, {pipeline_mode = #tpu.pipeline_mode<synchronous>, transform_indices = @transform_3, window_bounds = array<i64: 128, 128>}, {pipeline_mode = #tpu.pipeline_mode<synchronous>, transform_indices = @transform_4, window_bounds = array<i64: 8, 128>}, {pipeline_mode = #tpu.pipeline_mode<synchronous>, transform_indices = @transform_5, window_bounds = array<i64: 16, 128>}, {pipeline_mode = #tpu.pipeline_mode<synchronous>, transform_indices = @transform_6, window_bounds = array<i64: 8, 128>}, {pipeline_mode = #tpu.pipeline_mode<synchronous>, transform_indices = @transform_7, window_bounds = array<i64: 128, 128>}, {pipeline_mode = #tpu.pipeline_mode<synchronous>, transform_indices = @transform_8, window_bounds = array<i64: 8, 128>}, {pipeline_mode = #tpu.pipeline_mode<synchronous>, transform_indices = @transform_9, window_bounds = array<i64: 16, 128>}, {pipeline_mode = #tpu.pipeline_mode<synchronous>, transform_indices = @transform_10, window_bounds = array<i64: 8, 128>}, {pipeline_mode = #tpu.pipeline_mode<synchronous>, transform_indices = @transform_11, window_bounds = array<i64: 128, 128>}, {pipeline_mode = #tpu.pipeline_mode<synchronous>, transform_indices = @transform_12, window_bounds = array<i64: 8, 128>}, {transform_indices = @transform_13, window_bounds = array<i64: 3200, 128>}, {transform_indices = @transform_14, window_bounds = array<i64: 3200, 128>}, {transform_indices = @transform_15, window_bounds = array<i64: 3200, 128>}]} {
    %get3A = arith.constant 0 : index
    %get3A_0 = arith.constant 0 : index
    %get3A_1 = vector.load %arg1[%get3A, %get3A_0] : memref<3200x16xf32, #tpu.memory_space<vmem>>, vector<3200x16xf32>
    %get3A_2 = arith.constant 0 : index
    %get3A_3 = arith.constant 0 : index
    %get3A_4 = vector.load %arg2[%get3A_2, %get3A_3] : memref<16x128xf32, #tpu.memory_space<vmem>>, vector<16x128xf32>
    %dot_general3A = arith.constant dense<0.000000e+00> : vector<3200x128xf32>
    %dot_general3A_5 = tpu.matmul %get3A_1, %get3A_4, %dot_general3A {dimension_numbers = #tpu.dot_dimension_numbers<[1], [0], [0], [1], [0, 0, 1, 1], [], []>, transpose_lhs_hint = false} : vector<3200x16xf32>, vector<16x128xf32>, vector<3200x128xf32> -> vector<3200x128xf32>
    %get3A_6 = arith.constant 0 : index
    %get3A_7 = arith.constant 0 : index
    %get3A_8 = vector.load %arg3[%get3A_6, %get3A_7] : memref<8x128xf32, #tpu.memory_space<vmem>>, vector<1x128xf32>
    %add3A = vector.broadcast %get3A_8 : vector<1x128xf32> to vector<3200x128xf32>
    %add3A_9 = arith.addf %dot_general3A_5, %add3A : vector<3200x128xf32>
    %max3A = arith.constant 0.000000e+00 : f32
    %max3A_10 = vector.broadcast %max3A : f32 to vector<3200x128xf32>
    %max3A_11 = arith.maximumf %add3A_9, %max3A_10 : vector<3200x128xf32>
    %get3A_12 = arith.constant 0 : index
    %get3A_13 = arith.constant 0 : index
    %get3A_14 = vector.load %arg4[%get3A_12, %get3A_13] : memref<128x128xf32, #tpu.memory_space<vmem>>, vector<128x128xf32>
    %dot_general3A_15 = arith.constant dense<0.000000e+00> : vector<3200x128xf32>
    %dot_general3A_16 = tpu.matmul %max3A_11, %get3A_14, %dot_general3A_15 {dimension_numbers = #tpu.dot_dimension_numbers<[1], [0], [0], [1], [0, 0, 1, 1], [], []>, transpose_lhs_hint = false} : vector<3200x128xf32>, vector<128x128xf32>, vector<3200x128xf32> -> vector<3200x128xf32>
    %get3A_17 = arith.constant 0 : index
    %get3A_18 = arith.constant 0 : index
    %get3A_19 = vector.load %arg5[%get3A_17, %get3A_18] : memref<8x128xf32, #tpu.memory_space<vmem>>, vector<1x128xf32>
    %add3A_20 = vector.broadcast %get3A_19 : vector<1x128xf32> to vector<3200x128xf32>
    %add3A_21 = arith.addf %dot_general3A_16, %add3A_20 : vector<3200x128xf32>
    %swap3A = arith.constant 0 : index
    %swap3A_22 = arith.constant 0 : index
    %swap3A_23 = vector.load %arg14[%swap3A, %swap3A_22] : memref<3200x128xf32, #tpu.memory_space<vmem>>, vector<3200x128xf32>
    tpu.vector_store %arg14[%swap3A, %swap3A_22], %add3A_21 {strides = array<i32>} : memref<3200x128xf32, #tpu.memory_space<vmem>>, vector<3200x128xf32>,
    %get3A_24 = arith.constant 0 : index
    %get3A_25 = arith.constant 0 : index
    %get3A_26 = vector.load %arg6[%get3A_24, %get3A_25] : memref<16x128xf32, #tpu.memory_space<vmem>>, vector<16x128xf32>
    %dot_general3A_27 = arith.constant dense<0.000000e+00> : vector<3200x128xf32>
    %dot_general3A_28 = tpu.matmul %get3A_1, %get3A_26, %dot_general3A_27 {dimension_numbers = #tpu.dot_dimension_numbers<[1], [0], [0], [1], [0, 0, 1, 1], [], []>, transpose_lhs_hint = false} : vector<3200x16xf32>, vector<16x128xf32>, vector<3200x128xf32> -> vector<3200x128xf32>
    %get3A_29 = arith.constant 0 : index
    %get3A_30 = arith.constant 0 : index
    %get3A_31 = vector.load %arg7[%get3A_29, %get3A_30] : memref<8x128xf32, #tpu.memory_space<vmem>>, vector<1x128xf32>
    %add3A_32 = vector.broadcast %get3A_31 : vector<1x128xf32> to vector<3200x128xf32>
    %add3A_33 = arith.addf %dot_general3A_28, %add3A_32 : vector<3200x128xf32>
    %max3A_34 = arith.constant 0.000000e+00 : f32
    %max3A_35 = vector.broadcast %max3A_34 : f32 to vector<3200x128xf32>
    %max3A_36 = arith.maximumf %add3A_33, %max3A_35 : vector<3200x128xf32>
    %get3A_37 = arith.constant 0 : index
    %get3A_38 = arith.constant 0 : index
    %get3A_39 = vector.load %arg8[%get3A_37, %get3A_38] : memref<128x128xf32, #tpu.memory_space<vmem>>, vector<128x128xf32>
    %dot_general3A_40 = arith.constant dense<0.000000e+00> : vector<3200x128xf32>
    %dot_general3A_41 = tpu.matmul %max3A_36, %get3A_39, %dot_general3A_40 {dimension_numbers = #tpu.dot_dimension_numbers<[1], [0], [0], [1], [0, 0, 1, 1], [], []>, transpose_lhs_hint = false} : vector<3200x128xf32>, vector<128x128xf32>, vector<3200x128xf32> -> vector<3200x128xf32>
    %get3A_42 = arith.constant 0 : index
    %get3A_43 = arith.constant 0 : index
    %get3A_44 = vector.load %arg9[%get3A_42, %get3A_43] : memref<8x128xf32, #tpu.memory_space<vmem>>, vector<1x128xf32>
    %add3A_45 = vector.broadcast %get3A_44 : vector<1x128xf32> to vector<3200x128xf32>
    %add3A_46 = arith.addf %dot_general3A_41, %add3A_45 : vector<3200x128xf32>
    %swap3A_47 = arith.constant 0 : index
    %swap3A_48 = arith.constant 0 : index
    %swap3A_49 = vector.load %arg15[%swap3A_47, %swap3A_48] : memref<3200x128xf32, #tpu.memory_space<vmem>>, vector<3200x128xf32>
    tpu.vector_store %arg15[%swap3A_47, %swap3A_48], %add3A_46 {strides = array<i32>} : memref<3200x128xf32, #tpu.memory_space<vmem>>, vector<3200x128xf32>,
    %get3A_50 = arith.constant 0 : index
    %get3A_51 = arith.constant 0 : index
    %get3A_52 = vector.load %arg10[%get3A_50, %get3A_51] : memref<16x128xf32, #tpu.memory_space<vmem>>, vector<16x128xf32>
    %dot_general3A_53 = arith.constant dense<0.000000e+00> : vector<3200x128xf32>
    %dot_general3A_54 = tpu.matmul %get3A_1, %get3A_52, %dot_general3A_53 {dimension_numbers = #tpu.dot_dimension_numbers<[1], [0], [0], [1], [0, 0, 1, 1], [], []>, transpose_lhs_hint = false} : vector<3200x16xf32>, vector<16x128xf32>, vector<3200x128xf32> -> vector<3200x128xf32>
    %get3A_55 = arith.constant 0 : index
    %get3A_56 = arith.constant 0 : index
    %get3A_57 = vector.load %arg11[%get3A_55, %get3A_56] : memref<8x128xf32, #tpu.memory_space<vmem>>, vector<1x128xf32>
    %add3A_58 = vector.broadcast %get3A_57 : vector<1x128xf32> to vector<3200x128xf32>
    %add3A_59 = arith.addf %dot_general3A_54, %add3A_58 : vector<3200x128xf32>
    %max3A_60 = arith.constant 0.000000e+00 : f32
    %max3A_61 = vector.broadcast %max3A_60 : f32 to vector<3200x128xf32>
    %max3A_62 = arith.maximumf %add3A_59, %max3A_61 : vector<3200x128xf32>
    %get3A_63 = arith.constant 0 : index
    %get3A_64 = arith.constant 0 : index
    %get3A_65 = vector.load %arg12[%get3A_63, %get3A_64] : memref<128x128xf32, #tpu.memory_space<vmem>>, vector<128x128xf32>
    %dot_general3A_66 = arith.constant dense<0.000000e+00> : vector<3200x128xf32>
    %dot_general3A_67 = tpu.matmul %max3A_62, %get3A_65, %dot_general3A_66 {dimension_numbers = #tpu.dot_dimension_numbers<[1], [0], [0], [1], [0, 0, 1, 1], [], []>, transpose_lhs_hint = false} : vector<3200x128xf32>, vector<128x128xf32>, vector<3200x128xf32> -> vector<3200x128xf32>
    %get3A_68 = arith.constant 0 : index
    %get3A_69 = arith.constant 0 : index
    %get3A_70 = vector.load %arg13[%get3A_68, %get3A_69] : memref<8x128xf32, #tpu.memory_space<vmem>>, vector<1x128xf32>
    %add3A_71 = vector.broadcast %get3A_70 : vector<1x128xf32> to vector<3200x128xf32>
    %add3A_72 = arith.addf %dot_general3A_67, %add3A_71 : vector<3200x128xf32>
    %swap3A_73 = arith.constant 0 : index
    %swap3A_74 = arith.constant 0 : index
    %swap3A_75 = vector.load %arg16[%swap3A_73, %swap3A_74] : memref<3200x128xf32, #tpu.memory_space<vmem>>, vector<3200x128xf32>
    tpu.vector_store %arg16[%swap3A_73, %swap3A_74], %add3A_72 {strides = array<i32>} : memref<3200x128xf32, #tpu.memory_space<vmem>>, vector<3200x128xf32>,
    return
  }
  func.func @transform_0(%arg0: i32) -> (i32, i32) {
    %c0_i32 = arith.constant 0 : i32
    %c0_i32_0 = arith.constant 0 : i32
    return %arg0, %c0_i32 : i32, i32
  }
  func.func @transform_1(%arg0: i32) -> (i32, i32) {
    %c0_i32 = arith.constant 0 : i32
    %c0_i32_0 = arith.constant 0 : i32
    %c0_i32_1 = arith.constant 0 : i32
    return %c0_i32, %c0_i32_0 : i32, i32
  }
  func.func @transform_2(%arg0: i32) -> (i32, i32) {
    %c0_i32 = arith.constant 0 : i32
    %c0_i32_0 = arith.constant 0 : i32
    %c0_i32_1 = arith.constant 0 : i32
    return %c0_i32, %c0_i32_0 : i32, i32
  }
  func.func @transform_3(%arg0: i32) -> (i32, i32) {
    %c0_i32 = arith.constant 0 : i32
    %c0_i32_0 = arith.constant 0 : i32
    %c0_i32_1 = arith.constant 0 : i32
    return %c0_i32, %c0_i32_0 : i32, i32
  }
  func.func @transform_4(%arg0: i32) -> (i32, i32) {
    %c0_i32 = arith.constant 0 : i32
    %c0_i32_0 = arith.constant 0 : i32
    %c0_i32_1 = arith.constant 0 : i32
    return %c0_i32, %c0_i32_0 : i32, i32
  }
  func.func @transform_5(%arg0: i32) -> (i32, i32) {
    %c0_i32 = arith.constant 0 : i32
    %c0_i32_0 = arith.constant 0 : i32
    %c0_i32_1 = arith.constant 0 : i32
    return %c0_i32, %c0_i32_0 : i32, i32
  }
  func.func @transform_6(%arg0: i32) -> (i32, i32) {
    %c0_i32 = arith.constant 0 : i32
    %c0_i32_0 = arith.constant 0 : i32
    %c0_i32_1 = arith.constant 0 : i32
    return %c0_i32, %c0_i32_0 : i32, i32
  }
  func.func @transform_7(%arg0: i32) -> (i32, i32) {
    %c0_i32 = arith.constant 0 : i32
    %c0_i32_0 = arith.constant 0 : i32
    %c0_i32_1 = arith.constant 0 : i32
    return %c0_i32, %c0_i32_0 : i32, i32
  }
  func.func @transform_8(%arg0: i32) -> (i32, i32) {
    %c0_i32 = arith.constant 0 : i32
    %c0_i32_0 = arith.constant 0 : i32
    %c0_i32_1 = arith.constant 0 : i32
    return %c0_i32, %c0_i32_0 : i32, i32
  }
  func.func @transform_9(%arg0: i32) -> (i32, i32) {
    %c0_i32 = arith.constant 0 : i32
    %c0_i32_0 = arith.constant 0 : i32
    %c0_i32_1 = arith.constant 0 : i32
    return %c0_i32, %c0_i32_0 : i32, i32
  }
  func.func @transform_10(%arg0: i32) -> (i32, i32) {
    %c0_i32 = arith.constant 0 : i32
    %c0_i32_0 = arith.constant 0 : i32
    %c0_i32_1 = arith.constant 0 : i32
    return %c0_i32, %c0_i32_0 : i32, i32
  }
  func.func @transform_11(%arg0: i32) -> (i32, i32) {
    %c0_i32 = arith.constant 0 : i32
    %c0_i32_0 = arith.constant 0 : i32
    %c0_i32_1 = arith.constant 0 : i32
    return %c0_i32, %c0_i32_0 : i32, i32
  }
  func.func @transform_12(%arg0: i32) -> (i32, i32) {
    %c0_i32 = arith.constant 0 : i32
    %c0_i32_0 = arith.constant 0 : i32
    %c0_i32_1 = arith.constant 0 : i32
    return %c0_i32, %c0_i32_0 : i32, i32
  }
  func.func @transform_13(%arg0: i32) -> (i32, i32) {
    %c0_i32 = arith.constant 0 : i32
    %c0_i32_0 = arith.constant 0 : i32
    return %arg0, %c0_i32 : i32, i32
  }
  func.func @transform_14(%arg0: i32) -> (i32, i32) {
    %c0_i32 = arith.constant 0 : i32
    %c0_i32_0 = arith.constant 0 : i32
    return %arg0, %c0_i32 : i32, i32
  }
  func.func @transform_15(%arg0: i32) -> (i32, i32) {
    %c0_i32 = arith.constant 0 : i32
    %c0_i32_0 = arith.constant 0 : i32
    return %arg0, %c0_i32 : i32, i32
  }
}

module attributes {stable_mosaic.version = 14 : i64} {
  func.func @body(%arg0: i32, %arg1: memref<1264x128xf32, #tpu.memory_space<vmem>>, %arg2: memref<1264x128xf32, #tpu.memory_space<vmem>>, %arg3: memref<1264x128xf32, #tpu.memory_space<vmem>>, %arg4: memref<1264x128xf32, #tpu.memory_space<vmem>>, %arg5: memref<1264x128xf32, #tpu.memory_space<vmem>>, %arg6: memref<8x128xf32, #tpu.memory_space<vmem>>, %arg7: memref<128x128xf32, #tpu.memory_space<vmem>>, %arg8: memref<8x128xf32, #tpu.memory_space<vmem>>, %arg9: memref<1264x128xf32, #tpu.memory_space<vmem>>) attributes {dimension_semantics = [#tpu.dimension_semantics<arbitrary>], iteration_bounds = array<i64: 8>, scalar_prefetch = 0 : i64, scratch_operands = 0 : i64, tpu.core_type = #tpu.core_type<tc>, window_params = [{transform_indices = @transform_0, window_bounds = array<i64: 1264, 128>}, {transform_indices = @transform_1, window_bounds = array<i64: 1264, 128>}, {transform_indices = @transform_2, window_bounds = array<i64: 1264, 128>}, {transform_indices = @transform_3, window_bounds = array<i64: 1264, 128>}, {transform_indices = @transform_4, window_bounds = array<i64: 1264, 128>}, {pipeline_mode = #tpu.pipeline_mode<synchronous>, transform_indices = @transform_5, window_bounds = array<i64: 8, 128>}, {pipeline_mode = #tpu.pipeline_mode<synchronous>, transform_indices = @transform_6, window_bounds = array<i64: 128, 128>}, {pipeline_mode = #tpu.pipeline_mode<synchronous>, transform_indices = @transform_7, window_bounds = array<i64: 8, 128>}, {transform_indices = @transform_8, window_bounds = array<i64: 1264, 128>}]} {
    %get3A = arith.constant 0 : index
    %get3A_0 = arith.constant 0 : index
    %get3A_1 = vector.load %arg3[%get3A, %get3A_0] : memref<1264x128xf32, #tpu.memory_space<vmem>>, vector<1264x1xf32>
    %get3A_2 = arith.constant 0 : index
    %get3A_3 = arith.constant 0 : index
    %get3A_4 = vector.load %arg4[%get3A_2, %get3A_3] : memref<1264x128xf32, #tpu.memory_space<vmem>>, vector<1264x1xf32>
    %add3A = arith.addf %get3A_1, %get3A_4 : vector<1264x1xf32>
    %max3A = arith.constant 1.000000e+00 : f32
    %max3A_5 = vector.broadcast %max3A : f32 to vector<1264x1xf32>
    %max3A_6 = arith.maximumf %add3A, %max3A_5 : vector<1264x1xf32>
    %div3A = arith.constant 1.000000e+00 : f32
    %div3A_7 = vector.broadcast %div3A : f32 to vector<1264x1xf32>
    %div3A_8 = arith.divf %div3A_7, %max3A_6 : vector<1264x1xf32>
    %get3A_9 = arith.constant 0 : index
    %get3A_10 = arith.constant 0 : index
    %get3A_11 = vector.load %arg1[%get3A_9, %get3A_10] : memref<1264x128xf32, #tpu.memory_space<vmem>>, vector<1264x128xf32>
    %get3A_12 = arith.constant 0 : index
    %get3A_13 = arith.constant 0 : index
    %get3A_14 = vector.load %arg2[%get3A_12, %get3A_13] : memref<1264x128xf32, #tpu.memory_space<vmem>>, vector<1264x128xf32>
    %add3A_15 = arith.addf %get3A_11, %get3A_14 : vector<1264x128xf32>
    %mul3A = vector.broadcast %div3A_8 : vector<1264x1xf32> to vector<1264x128xf32>
    %mul3A_16 = arith.mulf %add3A_15, %mul3A : vector<1264x128xf32>
    %get3A_17 = arith.constant 0 : index
    %get3A_18 = arith.constant 0 : index
    %get3A_19 = vector.load %arg5[%get3A_17, %get3A_18] : memref<1264x128xf32, #tpu.memory_space<vmem>>, vector<1264x128xf32>
    %add3A_20 = arith.addf %mul3A_16, %get3A_19 : vector<1264x128xf32>
    %get3A_21 = arith.constant 0 : index
    %get3A_22 = arith.constant 0 : index
    %get3A_23 = vector.load %arg6[%get3A_21, %get3A_22] : memref<8x128xf32, #tpu.memory_space<vmem>>, vector<1x128xf32>
    %add3A_24 = vector.broadcast %get3A_23 : vector<1x128xf32> to vector<1264x128xf32>
    %add3A_25 = arith.addf %add3A_20, %add3A_24 : vector<1264x128xf32>
    %max3A_26 = arith.constant 0.000000e+00 : f32
    %max3A_27 = vector.broadcast %max3A_26 : f32 to vector<1264x128xf32>
    %max3A_28 = arith.maximumf %add3A_25, %max3A_27 : vector<1264x128xf32>
    %get3A_29 = arith.constant 0 : index
    %get3A_30 = arith.constant 0 : index
    %get3A_31 = vector.load %arg7[%get3A_29, %get3A_30] : memref<128x128xf32, #tpu.memory_space<vmem>>, vector<128x128xf32>
    %dot_general3A = arith.constant dense<0.000000e+00> : vector<1264x128xf32>
    %dot_general3A_32 = tpu.matmul %max3A_28, %get3A_31, %dot_general3A {dimension_numbers = #tpu.dot_dimension_numbers<[1], [0], [0], [1], [0, 0, 1, 1], [], []>, transpose_lhs_hint = false} : vector<1264x128xf32>, vector<128x128xf32>, vector<1264x128xf32> -> vector<1264x128xf32>
    %get3A_33 = arith.constant 0 : index
    %get3A_34 = arith.constant 0 : index
    %get3A_35 = vector.load %arg8[%get3A_33, %get3A_34] : memref<8x128xf32, #tpu.memory_space<vmem>>, vector<1x128xf32>
    %add3A_36 = vector.broadcast %get3A_35 : vector<1x128xf32> to vector<1264x128xf32>
    %add3A_37 = arith.addf %dot_general3A_32, %add3A_36 : vector<1264x128xf32>
    %swap3A = arith.constant 0 : index
    %swap3A_38 = arith.constant 0 : index
    %swap3A_39 = vector.load %arg9[%swap3A, %swap3A_38] : memref<1264x128xf32, #tpu.memory_space<vmem>>, vector<1264x128xf32>
    tpu.vector_store %arg9[%swap3A, %swap3A_38], %add3A_37 {strides = array<i32>} : memref<1264x128xf32, #tpu.memory_space<vmem>>, vector<1264x128xf32>,
    return
  }
  func.func @transform_0(%arg0: i32) -> (i32, i32) {
    %c0_i32 = arith.constant 0 : i32
    %c0_i32_0 = arith.constant 0 : i32
    return %arg0, %c0_i32 : i32, i32
  }
  func.func @transform_1(%arg0: i32) -> (i32, i32) {
    %c0_i32 = arith.constant 0 : i32
    %c0_i32_0 = arith.constant 0 : i32
    return %arg0, %c0_i32 : i32, i32
  }
  func.func @transform_2(%arg0: i32) -> (i32, i32) {
    %c0_i32 = arith.constant 0 : i32
    %c0_i32_0 = arith.constant 0 : i32
    return %arg0, %c0_i32 : i32, i32
  }
  func.func @transform_3(%arg0: i32) -> (i32, i32) {
    %c0_i32 = arith.constant 0 : i32
    %c0_i32_0 = arith.constant 0 : i32
    return %arg0, %c0_i32 : i32, i32
  }
  func.func @transform_4(%arg0: i32) -> (i32, i32) {
    %c0_i32 = arith.constant 0 : i32
    %c0_i32_0 = arith.constant 0 : i32
    return %arg0, %c0_i32 : i32, i32
  }
  func.func @transform_5(%arg0: i32) -> (i32, i32) {
    %c0_i32 = arith.constant 0 : i32
    %c0_i32_0 = arith.constant 0 : i32
    %c0_i32_1 = arith.constant 0 : i32
    return %c0_i32, %c0_i32_0 : i32, i32
  }
  func.func @transform_6(%arg0: i32) -> (i32, i32) {
    %c0_i32 = arith.constant 0 : i32
    %c0_i32_0 = arith.constant 0 : i32
    %c0_i32_1 = arith.constant 0 : i32
    return %c0_i32, %c0_i32_0 : i32, i32
  }
  func.func @transform_7(%arg0: i32) -> (i32, i32) {
    %c0_i32 = arith.constant 0 : i32
    %c0_i32_0 = arith.constant 0 : i32
    %c0_i32_1 = arith.constant 0 : i32
    return %c0_i32, %c0_i32_0 : i32, i32
  }
  func.func @transform_8(%arg0: i32) -> (i32, i32) {
    %c0_i32 = arith.constant 0 : i32
    %c0_i32_0 = arith.constant 0 : i32
    return %arg0, %c0_i32 : i32, i32
  }
}

module attributes {stable_mosaic.version = 14 : i64} {
  func.func @body(%arg0: i32, %arg1: memref<1264x128xf32, #tpu.memory_space<vmem>>, %arg2: memref<1264x128xf32, #tpu.memory_space<vmem>>, %arg3: memref<1264x128xf32, #tpu.memory_space<vmem>>, %arg4: memref<1264x128xf32, #tpu.memory_space<vmem>>, %arg5: memref<1264x128xf32, #tpu.memory_space<vmem>>, %arg6: memref<8x128xf32, #tpu.memory_space<vmem>>, %arg7: memref<128x128xf32, #tpu.memory_space<vmem>>, %arg8: memref<128x128xf32, #tpu.memory_space<vmem>>, %arg9: memref<8x128xf32, #tpu.memory_space<vmem>>, %arg10: memref<8x128xf32, #tpu.memory_space<vmem>>, %arg11: memref<1264x128xf32, #tpu.memory_space<vmem>>, %arg12: memref<1264x128xf32, #tpu.memory_space<vmem>>) attributes {dimension_semantics = [#tpu.dimension_semantics<arbitrary>], iteration_bounds = array<i64: 8>, scalar_prefetch = 0 : i64, scratch_operands = 0 : i64, tpu.core_type = #tpu.core_type<tc>, window_params = [{transform_indices = @transform_0, window_bounds = array<i64: 1264, 128>}, {transform_indices = @transform_1, window_bounds = array<i64: 1264, 128>}, {transform_indices = @transform_2, window_bounds = array<i64: 1264, 128>}, {transform_indices = @transform_3, window_bounds = array<i64: 1264, 128>}, {transform_indices = @transform_4, window_bounds = array<i64: 1264, 128>}, {pipeline_mode = #tpu.pipeline_mode<synchronous>, transform_indices = @transform_5, window_bounds = array<i64: 8, 128>}, {pipeline_mode = #tpu.pipeline_mode<synchronous>, transform_indices = @transform_6, window_bounds = array<i64: 128, 128>}, {pipeline_mode = #tpu.pipeline_mode<synchronous>, transform_indices = @transform_7, window_bounds = array<i64: 128, 128>}, {pipeline_mode = #tpu.pipeline_mode<synchronous>, transform_indices = @transform_8, window_bounds = array<i64: 8, 128>}, {pipeline_mode = #tpu.pipeline_mode<synchronous>, transform_indices = @transform_9, window_bounds = array<i64: 8, 128>}, {transform_indices = @transform_10, window_bounds = array<i64: 1264, 128>}, {transform_indices = @transform_11, window_bounds = array<i64: 1264, 128>}]} {
    %get3A = arith.constant 0 : index
    %get3A_0 = arith.constant 0 : index
    %get3A_1 = vector.load %arg3[%get3A, %get3A_0] : memref<1264x128xf32, #tpu.memory_space<vmem>>, vector<1264x1xf32>
    %get3A_2 = arith.constant 0 : index
    %get3A_3 = arith.constant 0 : index
    %get3A_4 = vector.load %arg4[%get3A_2, %get3A_3] : memref<1264x128xf32, #tpu.memory_space<vmem>>, vector<1264x1xf32>
    %add3A = arith.addf %get3A_1, %get3A_4 : vector<1264x1xf32>
    %max3A = arith.constant 1.000000e+00 : f32
    %max3A_5 = vector.broadcast %max3A : f32 to vector<1264x1xf32>
    %max3A_6 = arith.maximumf %add3A, %max3A_5 : vector<1264x1xf32>
    %div3A = arith.constant 1.000000e+00 : f32
    %div3A_7 = vector.broadcast %div3A : f32 to vector<1264x1xf32>
    %div3A_8 = arith.divf %div3A_7, %max3A_6 : vector<1264x1xf32>
    %get3A_9 = arith.constant 0 : index
    %get3A_10 = arith.constant 0 : index
    %get3A_11 = vector.load %arg1[%get3A_9, %get3A_10] : memref<1264x128xf32, #tpu.memory_space<vmem>>, vector<1264x128xf32>
    %get3A_12 = arith.constant 0 : index
    %get3A_13 = arith.constant 0 : index
    %get3A_14 = vector.load %arg2[%get3A_12, %get3A_13] : memref<1264x128xf32, #tpu.memory_space<vmem>>, vector<1264x128xf32>
    %add3A_15 = arith.addf %get3A_11, %get3A_14 : vector<1264x128xf32>
    %mul3A = vector.broadcast %div3A_8 : vector<1264x1xf32> to vector<1264x128xf32>
    %mul3A_16 = arith.mulf %add3A_15, %mul3A : vector<1264x128xf32>
    %get3A_17 = arith.constant 0 : index
    %get3A_18 = arith.constant 0 : index
    %get3A_19 = vector.load %arg5[%get3A_17, %get3A_18] : memref<1264x128xf32, #tpu.memory_space<vmem>>, vector<1264x128xf32>
    %add3A_20 = arith.addf %mul3A_16, %get3A_19 : vector<1264x128xf32>
    %get3A_21 = arith.constant 0 : index
    %get3A_22 = arith.constant 0 : index
    %get3A_23 = vector.load %arg6[%get3A_21, %get3A_22] : memref<8x128xf32, #tpu.memory_space<vmem>>, vector<1x128xf32>
    %add3A_24 = vector.broadcast %get3A_23 : vector<1x128xf32> to vector<1264x128xf32>
    %add3A_25 = arith.addf %add3A_20, %add3A_24 : vector<1264x128xf32>
    %max3A_26 = arith.constant 0.000000e+00 : f32
    %max3A_27 = vector.broadcast %max3A_26 : f32 to vector<1264x128xf32>
    %max3A_28 = arith.maximumf %add3A_25, %max3A_27 : vector<1264x128xf32>
    %get3A_29 = arith.constant 0 : index
    %get3A_30 = arith.constant 0 : index
    %get3A_31 = vector.load %arg7[%get3A_29, %get3A_30] : memref<128x128xf32, #tpu.memory_space<vmem>>, vector<128x128xf32>
    %dot_general3A = arith.constant dense<0.000000e+00> : vector<1264x128xf32>
    %dot_general3A_32 = tpu.matmul %max3A_28, %get3A_31, %dot_general3A {dimension_numbers = #tpu.dot_dimension_numbers<[1], [0], [0], [1], [0, 0, 1, 1], [], []>, transpose_lhs_hint = false} : vector<1264x128xf32>, vector<128x128xf32>, vector<1264x128xf32> -> vector<1264x128xf32>
    %get3A_33 = arith.constant 0 : index
    %get3A_34 = arith.constant 0 : index
    %get3A_35 = vector.load %arg9[%get3A_33, %get3A_34] : memref<8x128xf32, #tpu.memory_space<vmem>>, vector<1x128xf32>
    %add3A_36 = vector.broadcast %get3A_35 : vector<1x128xf32> to vector<1264x128xf32>
    %add3A_37 = arith.addf %dot_general3A_32, %add3A_36 : vector<1264x128xf32>
    %swap3A = arith.constant 0 : index
    %swap3A_38 = arith.constant 0 : index
    %swap3A_39 = vector.load %arg11[%swap3A, %swap3A_38] : memref<1264x128xf32, #tpu.memory_space<vmem>>, vector<1264x128xf32>
    tpu.vector_store %arg11[%swap3A, %swap3A_38], %add3A_37 {strides = array<i32>} : memref<1264x128xf32, #tpu.memory_space<vmem>>, vector<1264x128xf32>,
    %get3A_40 = arith.constant 0 : index
    %get3A_41 = arith.constant 0 : index
    %get3A_42 = vector.load %arg8[%get3A_40, %get3A_41] : memref<128x128xf32, #tpu.memory_space<vmem>>, vector<128x128xf32>
    %dot_general3A_43 = arith.constant dense<0.000000e+00> : vector<1264x128xf32>
    %dot_general3A_44 = tpu.matmul %max3A_28, %get3A_42, %dot_general3A_43 {dimension_numbers = #tpu.dot_dimension_numbers<[1], [0], [0], [1], [0, 0, 1, 1], [], []>, transpose_lhs_hint = false} : vector<1264x128xf32>, vector<128x128xf32>, vector<1264x128xf32> -> vector<1264x128xf32>
    %get3A_45 = arith.constant 0 : index
    %get3A_46 = arith.constant 0 : index
    %get3A_47 = vector.load %arg10[%get3A_45, %get3A_46] : memref<8x128xf32, #tpu.memory_space<vmem>>, vector<1x128xf32>
    %add3A_48 = vector.broadcast %get3A_47 : vector<1x128xf32> to vector<1264x128xf32>
    %add3A_49 = arith.addf %dot_general3A_44, %add3A_48 : vector<1264x128xf32>
    %swap3A_50 = arith.constant 0 : index
    %swap3A_51 = arith.constant 0 : index
    %swap3A_52 = vector.load %arg12[%swap3A_50, %swap3A_51] : memref<1264x128xf32, #tpu.memory_space<vmem>>, vector<1264x128xf32>
    tpu.vector_store %arg12[%swap3A_50, %swap3A_51], %add3A_49 {strides = array<i32>} : memref<1264x128xf32, #tpu.memory_space<vmem>>, vector<1264x128xf32>,
    return
  }
  func.func @transform_0(%arg0: i32) -> (i32, i32) {
    %c0_i32 = arith.constant 0 : i32
    %c0_i32_0 = arith.constant 0 : i32
    return %arg0, %c0_i32 : i32, i32
  }
  func.func @transform_1(%arg0: i32) -> (i32, i32) {
    %c0_i32 = arith.constant 0 : i32
    %c0_i32_0 = arith.constant 0 : i32
    return %arg0, %c0_i32 : i32, i32
  }
  func.func @transform_2(%arg0: i32) -> (i32, i32) {
    %c0_i32 = arith.constant 0 : i32
    %c0_i32_0 = arith.constant 0 : i32
    return %arg0, %c0_i32 : i32, i32
  }
  func.func @transform_3(%arg0: i32) -> (i32, i32) {
    %c0_i32 = arith.constant 0 : i32
    %c0_i32_0 = arith.constant 0 : i32
    return %arg0, %c0_i32 : i32, i32
  }
  func.func @transform_4(%arg0: i32) -> (i32, i32) {
    %c0_i32 = arith.constant 0 : i32
    %c0_i32_0 = arith.constant 0 : i32
    return %arg0, %c0_i32 : i32, i32
  }
  func.func @transform_5(%arg0: i32) -> (i32, i32) {
    %c0_i32 = arith.constant 0 : i32
    %c0_i32_0 = arith.constant 0 : i32
    %c0_i32_1 = arith.constant 0 : i32
    return %c0_i32, %c0_i32_0 : i32, i32
  }
  func.func @transform_6(%arg0: i32) -> (i32, i32) {
    %c0_i32 = arith.constant 0 : i32
    %c0_i32_0 = arith.constant 0 : i32
    %c0_i32_1 = arith.constant 0 : i32
    return %c0_i32, %c0_i32_0 : i32, i32
  }
  func.func @transform_7(%arg0: i32) -> (i32, i32) {
    %c0_i32 = arith.constant 0 : i32
    %c0_i32_0 = arith.constant 0 : i32
    %c0_i32_1 = arith.constant 0 : i32
    return %c0_i32, %c0_i32_0 : i32, i32
  }
  func.func @transform_8(%arg0: i32) -> (i32, i32) {
    %c0_i32 = arith.constant 0 : i32
    %c0_i32_0 = arith.constant 0 : i32
    %c0_i32_1 = arith.constant 0 : i32
    return %c0_i32, %c0_i32_0 : i32, i32
  }
  func.func @transform_9(%arg0: i32) -> (i32, i32) {
    %c0_i32 = arith.constant 0 : i32
    %c0_i32_0 = arith.constant 0 : i32
    %c0_i32_1 = arith.constant 0 : i32
    return %c0_i32, %c0_i32_0 : i32, i32
  }
  func.func @transform_10(%arg0: i32) -> (i32, i32) {
    %c0_i32 = arith.constant 0 : i32
    %c0_i32_0 = arith.constant 0 : i32
    return %arg0, %c0_i32 : i32, i32
  }
  func.func @transform_11(%arg0: i32) -> (i32, i32) {
    %c0_i32 = arith.constant 0 : i32
    %c0_i32_0 = arith.constant 0 : i32
    return %arg0, %c0_i32 : i32, i32
  }
}

module attributes {stable_mosaic.version = 14 : i64} {
  func.func @body(%arg0: i32, %arg1: memref<3200x128xf32, #tpu.memory_space<vmem>>, %arg2: memref<128x128xf32, #tpu.memory_space<vmem>>, %arg3: memref<8x128xf32, #tpu.memory_space<vmem>>, %arg4: memref<8x128xf32, #tpu.memory_space<vmem>>, %arg5: memref<8x8xf32, #tpu.memory_space<vmem>>, %arg6: memref<3200x1xf32, #tpu.memory_space<vmem>>) attributes {dimension_semantics = [#tpu.dimension_semantics<arbitrary>], iteration_bounds = array<i64: 100>, scalar_prefetch = 0 : i64, scratch_operands = 0 : i64, tpu.core_type = #tpu.core_type<tc>, window_params = [{transform_indices = @transform_0, window_bounds = array<i64: 3200, 128>}, {pipeline_mode = #tpu.pipeline_mode<synchronous>, transform_indices = @transform_1, window_bounds = array<i64: 128, 128>}, {pipeline_mode = #tpu.pipeline_mode<synchronous>, transform_indices = @transform_2, window_bounds = array<i64: 8, 128>}, {pipeline_mode = #tpu.pipeline_mode<synchronous>, transform_indices = @transform_3, window_bounds = array<i64: 8, 128>}, {pipeline_mode = #tpu.pipeline_mode<synchronous>, transform_indices = @transform_4, window_bounds = array<i64: 8, 8>}, {transform_indices = @transform_5, window_bounds = array<i64: 3200, 1>}]} {
    %get3A = arith.constant 0 : index
    %get3A_0 = arith.constant 0 : index
    %get3A_1 = vector.load %arg1[%get3A, %get3A_0] : memref<3200x128xf32, #tpu.memory_space<vmem>>, vector<3200x128xf32>
    %max3A = arith.constant 0.000000e+00 : f32
    %max3A_2 = vector.broadcast %max3A : f32 to vector<3200x128xf32>
    %max3A_3 = arith.maximumf %get3A_1, %max3A_2 : vector<3200x128xf32>
    %get3A_4 = arith.constant 0 : index
    %get3A_5 = arith.constant 0 : index
    %get3A_6 = vector.load %arg2[%get3A_4, %get3A_5] : memref<128x128xf32, #tpu.memory_space<vmem>>, vector<128x128xf32>
    %dot_general3A = arith.constant dense<0.000000e+00> : vector<3200x128xf32>
    %dot_general3A_7 = tpu.matmul %max3A_3, %get3A_6, %dot_general3A {dimension_numbers = #tpu.dot_dimension_numbers<[1], [0], [0], [1], [0, 0, 1, 1], [], []>, transpose_lhs_hint = false} : vector<3200x128xf32>, vector<128x128xf32>, vector<3200x128xf32> -> vector<3200x128xf32>
    %get3A_8 = arith.constant 0 : index
    %get3A_9 = arith.constant 0 : index
    %get3A_10 = vector.load %arg3[%get3A_8, %get3A_9] : memref<8x128xf32, #tpu.memory_space<vmem>>, vector<1x128xf32>
    %add3A = vector.broadcast %get3A_10 : vector<1x128xf32> to vector<3200x128xf32>
    %add3A_11 = arith.addf %dot_general3A_7, %add3A : vector<3200x128xf32>
    %max3A_12 = arith.constant 0.000000e+00 : f32
    %max3A_13 = vector.broadcast %max3A_12 : f32 to vector<3200x128xf32>
    %max3A_14 = arith.maximumf %add3A_11, %max3A_13 : vector<3200x128xf32>
    %get3A_15 = arith.constant 0 : index
    %get3A_16 = arith.constant 0 : index
    %get3A_17 = vector.load %arg4[%get3A_15, %get3A_16] : memref<8x128xf32, #tpu.memory_space<vmem>>, vector<1x128xf32>
    %mul3A = vector.broadcast %get3A_17 : vector<1x128xf32> to vector<3200x128xf32>
    %mul3A_18 = arith.mulf %max3A_14, %mul3A : vector<3200x128xf32>
    %reduce_sum3A = arith.constant dense<0.000000e+00> : vector<3200xf32>
    %reduce_sum3A_19 = vector.multi_reduction <add>, %mul3A_18, %reduce_sum3A [1] : vector<3200x128xf32> to vector<3200xf32>
    %broadcast_in_dim3A = vector.shape_cast %reduce_sum3A_19 : vector<3200xf32> to vector<3200x1xf32>
    %get3A_20 = arith.constant 0 : index
    %get3A_21 = arith.constant 0 : index
    %get3A_22 = vector.load %arg5[%get3A_20, %get3A_21] : memref<8x8xf32, #tpu.memory_space<vmem>>, vector<1x1xf32>
    %add3A_23 = vector.broadcast %get3A_22 : vector<1x1xf32> to vector<3200x1xf32>
    %add3A_24 = arith.addf %broadcast_in_dim3A, %add3A_23 : vector<3200x1xf32>
    %logistic3A = arith.negf %add3A_24 : vector<3200x1xf32>
    %logistic3A_25 = math.exp %logistic3A : vector<3200x1xf32>
    %logistic3A_26 = arith.constant 1.000000e+00 : f32
    %logistic3A_27 = vector.broadcast %logistic3A_26 : f32 to vector<3200x1xf32>
    %logistic3A_28 = arith.addf %logistic3A_27, %logistic3A_25 : vector<3200x1xf32>
    %logistic3A_29 = arith.divf %logistic3A_27, %logistic3A_28 : vector<3200x1xf32>
    %swap3A = arith.constant 0 : index
    %swap3A_30 = arith.constant 0 : index
    %swap3A_31 = vector.load %arg6[%swap3A, %swap3A_30] : memref<3200x1xf32, #tpu.memory_space<vmem>>, vector<3200x1xf32>
    tpu.vector_store %arg6[%swap3A, %swap3A_30], %logistic3A_29 {strides = array<i32>} : memref<3200x1xf32, #tpu.memory_space<vmem>>, vector<3200x1xf32>,
    return
  }
  func.func @transform_0(%arg0: i32) -> (i32, i32) {
    %c0_i32 = arith.constant 0 : i32
    %c0_i32_0 = arith.constant 0 : i32
    return %arg0, %c0_i32 : i32, i32
  }
  func.func @transform_1(%arg0: i32) -> (i32, i32) {
    %c0_i32 = arith.constant 0 : i32
    %c0_i32_0 = arith.constant 0 : i32
    %c0_i32_1 = arith.constant 0 : i32
    return %c0_i32, %c0_i32_0 : i32, i32
  }
  func.func @transform_2(%arg0: i32) -> (i32, i32) {
    %c0_i32 = arith.constant 0 : i32
    %c0_i32_0 = arith.constant 0 : i32
    %c0_i32_1 = arith.constant 0 : i32
    return %c0_i32, %c0_i32_0 : i32, i32
  }
  func.func @transform_3(%arg0: i32) -> (i32, i32) {
    %c0_i32 = arith.constant 0 : i32
    %c0_i32_0 = arith.constant 0 : i32
    %c0_i32_1 = arith.constant 0 : i32
    return %c0_i32, %c0_i32_0 : i32, i32
  }
  func.func @transform_4(%arg0: i32) -> (i32, i32) {
    %c0_i32 = arith.constant 0 : i32
    %c0_i32_0 = arith.constant 0 : i32
    %c0_i32_1 = arith.constant 0 : i32
    return %c0_i32, %c0_i32_0 : i32, i32
  }
  func.func @transform_5(%arg0: i32) -> (i32, i32) {
    %c0_i32 = arith.constant 0 : i32
    %c0_i32_0 = arith.constant 0 : i32
    return %arg0, %c0_i32 : i32, i32
  }
}

</mosaic_0001>

<sc_bundles>
// kernel: kernel.13.cloned.1.call-start
scs
__scs_entry_jumppad:
0x0: {  	(pc) =	sbr.rel $0x88, $3  }
0x1: {  	(tag) =	ssettag $0x0;
	lr =	simm.s32 $0x1  }
0x2: {  	[smem:$0x3F83] =	sst lr;
	_ =	strace $0xD0000000  }
0x3: {  	_ = 	snop  }
0x4: {  	_ = 	snop  }
0x5: {  	_ = 	snop  }
0x6: {  	_ = 	snop  }
0x7: {  	_ = 	snop  }
__scs_overlays_trampoline_lowered:
0x8: {  	[smem:$0x3F92] =	sst s0  }
0x9: {  	[smem:$0x3F93] =	sst s1  }
0xa: {  	[smem:$0x3F94] =	sst s2  }
0xb: {  	[smem:$0x3F95] =	sst s3  }
0xc: {  	[smem:$0x3F96] =	sst s4  }
0xd: {  	[smem:$0x3F97] =	sst s5  }
0xe: {  	[smem:$0x3F98] =	sst s6  }
0xf: {  	[smem:$0x3F99] =	sst s7  }
0x10: {  	[smem:$0x3F9A] =	sst s8  }
0x11: {  	[smem:$0x3F9B] =	sst s9;
	s0 =	simm.s32 @!p0 $0x0  }
0x12: {  	s1 =	sld [smem:$0x3F81];
	s0 =	simm.s32 @p0 $0x1  }
0x13: {  	[smem:$0x3F9C] =	sst s0;
	s0 =	simm.s32 @!p1 $0x0  }
0x14: {  	s2 =	sld [smem:$0x3F80];
	s0 =	simm.s32 @p1 $0x1  }
0x15: {  	[smem:$0x3F9D] =	sst s0;
	s0 =	simm.s32 @!p2 $0x0  }
0x16: {  	s3 =	sld [smem:$0x3FDB];
	s0 =	simm.s32 @p2 $0x1  }
0x17: {  	s4 =	simm.s32 $0x1BF5;
	[smem:$0x3F9F] =	sst s0  }
0x18: {  	s0 =	sld [smem:$0x3F82];
	_ =	swait.ge [sflag:s4], $0x0  }
0x19: {  	s7 =	sld [smem:$0x3F83]  }
0x1a: {  	s8 =	sadd.s32 $0xFFFFE003, lr  }
0x1b: {  	s9 =	sadd.s32 $0xFFFFFEF7, lr;
	s5 =	simm.s32 $0xFFFFFFFF;
	p2 =	slt.u32 s8, $0xFFFFF086  }
0x1c: {  	p1 =	slt.u32 s9, $0xF7A;
	s5 =	simm.s32 @!p2 $0x0  }
0x1d: {  	s5 =	simm.s32 @p1 $0x1;
	p0 =	seq.s32 s7, s2  }
0x1e: {  	s7 =	smul.u32 @!p0 $0xF7A, s2;
	p2 =	seq.s32 @!p0 s5, $0x0  }
0x1f: {  	s9 =	smul.u32 $0xF7A, s1;
	s8 =	simm.s32 @!p0 $0x1BF5;
	p2 =	por !p2, p0  }
0x20: {  	[sflag:s8] =	ssyncset.s32 @!p0 $0xFFFFF086;
	s6 =	sadd.s32 @!p0 s3, s7;
	s7 =	simm.s32 @!p0 $0x108  }
0x21: {  	s3 =	sadd.s32 s3, s9;
	s6 =	sadd.s32 @!p0 $0x88, s6;
	s7 =	simm.s32 @p2 $0x1082  }
0x22: {  	[simem:s7], [sflag:s8] =	dma.local @!p0 [hbm:s6], $0xF7A  }
0x23: {  	s9 =	sor.u32 $0xD0000000, s2;
	s6 =	simm.s32 $0x108;
	_ =	swait.ge @!p0 [sflag:s8], $0x0  }
0x24: {  	s3 =	sadd.s32 $0x88, s3;
	s6 =	simm.s32 @!p1 $0x1082;
	[sflag:s4] =	ssyncset.s32 $0xFFFFF086  }
0x25: {  	[simem:s6], [sflag:s4] =	dma.local [hbm:s3], $0xF7A  }
0x26: {  	[smem:$0x3F83] =	sst s1;
	(tag) =	ssettag s2;
	_ =	strace s9  }
0x27: {  	s1 =	sld [smem:$0x3F93]  }
0x28: {  	s2 =	sld [smem:$0x3F94]  }
0x29: {  	s4 =	sld [smem:$0x3F96]  }
0x2a: {  	p0 =	seq.s32 s5, $0x0;
	s5 =	sld [smem:$0x3F97]  }
0x2b: {  	s6 =	sld [smem:$0x3F98]  }
0x2c: {  	s7 =	sld [smem:$0x3F99]  }
0x2d: {  	s3 =	simm.s32 $0x108;
	s8 =	sld [smem:$0x3F9A]  }
0x2e: {  	s3 =	simm.s32 @!p0 $0x1082;
	s9 =	sld [smem:$0x3F9B]  }
0x2f: {  	lr =	sadd.s32 s0, s3;
	s0 =	sld [smem:$0x3F92]  }
0x30: {  	s3 =	sld [smem:$0x3F95]  }
0x31: {  	[smem:$0x3F9E] =	sst s10  }
0x32: {  	s10 =	sld [smem:$0x3F9C];
	_ =	sdelay $0x3  }
0x33: {  	p0 =	seq.s32 s10, $0x1;
	s10 =	sld [smem:$0x3F9E];
	_ =	sdelay $0x3  }
0x34: {  	[smem:$0x3F9E] =	sst s10  }
0x35: {  	s10 =	sld [smem:$0x3F9D];
	_ =	sdelay $0x3  }
0x36: {  	p1 =	seq.s32 s10, $0x1;
	s10 =	sld [smem:$0x3F9E];
	_ =	sdelay $0x3  }
0x37: {  	[smem:$0x3F9E] =	sst s10  }
0x38: {  	s10 =	sld [smem:$0x3F9F]  }
0x39: {  	_ = 	snop;
	(pc) =	sbr.ind lr, $3  }
0x3a: {  	_ = 	snop  }
0x3b: {  	_ = 	snop  }
0x3c: {  	p2 =	seq.s32 s10, $0x1;
	s10 =	sld [smem:$0x3F9E]  }
0x3d: {  	_ =	shalt  }
0x3e: {  	_ =	shalt  }
0x3f: {  	_ =	shalt  }
0x40: {  	_ =	shalt  }
0x41: {  	_ =	shalt  }
0x42: {  	_ =	shalt  }
0x43: {  	_ =	shalt  }
0x44: {  	_ =	shalt  }
0x45: {  	_ =	shalt  }
0x46: {  	_ =	shalt  }
0x47: {  	_ =	shalt  }
0x48: {  	_ =	shalt  }
0x49: {  	_ =	shalt  }
0x4a: {  	_ =	shalt  }
0x4b: {  	_ =	shalt  }
0x4c: {  	_ =	shalt  }
0x4d: {  	_ =	shalt  }
0x4e: {  	_ =	shalt  }
0x4f: {  	_ =	shalt  }
0x50: {  	_ =	shalt  }
0x51: {  	_ =	shalt  }
0x52: {  	_ =	shalt  }
0x53: {  	_ =	shalt  }
0x54: {  	_ =	shalt  }
0x55: {  	_ =	shalt  }
0x56: {  	_ =	shalt  }
0x57: {  	_ =	shalt  }
0x58: {  	_ =	shalt  }
0x59: {  	_ =	shalt  }
0x5a: {  	_ =	shalt  }
0x5b: {  	_ =	shalt  }
0x5c: {  	_ =	shalt  }
0x5d: {  	_ =	shalt  }
0x5e: {  	_ =	shalt  }
0x5f: {  	_ =	shalt  }
0x60: {  	_ =	shalt  }
0x61: {  	_ =	shalt  }
0x62: {  	_ =	shalt  }
0x63: {  	_ =	shalt  }
0x64: {  	_ =	shalt  }
0x65: {  	_ =	shalt  }
0x66: {  	_ =	shalt  }
0x67: {  	_ =	shalt  }
0x68: {  	_ =	shalt  }
0x69: {  	_ =	shalt  }
0x6a: {  	_ =	shalt  }
0x6b: {  	_ =	shalt  }
0x6c: {  	_ =	shalt  }
0x6d: {  	_ =	shalt  }
0x6e: {  	_ =	shalt  }
0x6f: {  	_ =	shalt  }
0x70: {  	_ =	shalt  }
0x71: {  	_ =	shalt  }
0x72: {  	_ =	shalt  }
0x73: {  	_ =	shalt  }
0x74: {  	_ =	shalt  }
0x75: {  	_ =	shalt  }
0x76: {  	_ =	shalt  }
0x77: {  	_ =	shalt  }
0x78: {  	_ =	shalt  }
0x79: {  	_ =	shalt  }
0x7a: {  	_ =	shalt  }
0x7b: {  	_ =	shalt  }
0x7c: {  	_ =	shalt  }
0x7d: {  	_ =	shalt  }
0x7e: {  	_ =	shalt  }
0x7f: {  	_ =	shalt  }
0x80: {  	_ =	shalt  }
0x81: {  	_ =	shalt  }
0x82: {  	_ =	shalt  }
0x83: {  	_ =	shalt  }
0x84: {  	_ =	shalt  }
0x85: {  	_ =	shalt  }
0x86: {  	_ =	shalt  }
0x87: {  	_ =	shalt  }
.Lfunc_end0:
.L_simem_size_0:
called_computation_lowered:
.L_overlay_start_0:
0x88: {  	s2 =	sld [smem:$0x3FD9]  }
0x89: {  	s3 =	sld [smem:$0x3FFE];
	_ =	sdelay $0x1  }
0x8a: {  	s1 =	srdreg.scid  }
0x8b: {  	s0 =	sand.u32 $0x1, s1  }
0x8c: {  	s17 =	sshll.u32 s0, $0xA;
	s2 =	sadd.s32 s3, s2  }
0x8d: {  	s2 =	sadd.s32 s2, s17  }
0x8e: {  	[smem:$0x3FAA] =	sst s2  }
0x8f: {  	_ = 	snop  }
0x90: {  	s2 =	sld [smem:$0x3FC7]  }
0x91: {  	s18 =	sld [smem:$0x3FD0];
	(tm) =	ssettm $0x1  }
0x92: {  	s4 =	sld [smem:$0x3FFB];
	_ =	sdelay $0x3  }
0x93: {  	_ =	strace s4  }
0x94: {  	s4 =	sld [smem:$0x3FFC];
	_ =	sdelay $0x3  }
0x95: {  	_ =	strace s4  }
0x96: {  	s4 =	sld [smem:$0x3FFD];
	_ =	sdelay $0x3  }
0x97: {  	_ =	strace s4  }
0x98: {  	_ =	strace $0x8FFFFFFF  }
0x99: {  	s19 =	sld [smem:$0x3FDB];
	_ =	sdelay $0x1  }
0x9a: {  	s5 =	simm.s32 $_scs_section_size  }
0x9b: {  	s6 =	simm.s32 $_size__tile_overlayer_lowered;
	s7 =	simm.s32 $_tile_overlayer_lowered  }
0x9c: {  	s22 =	simm.s32 $0x1BFF;
	s21 =	sshll.u32 s7, $0x1;
	s4 =	sadd.s32 s5, s19  }
0x9d: {  	s8 =	simm.s32 $0x0;
	s20 =	sshll.u32 s6, $0x1;
	s6 =	sadd.s32 s21, s4  }
0x9e: {  	[timem:s8], [sflag:s22] =	dma.local [hbm:s6], s20  }
0x9f: {  	_ =	swait.ge [sflag:s22], s20  }
0xa0: {  	s5 =	ssub.s32 $0x0, s20;
	[sflag:s22] =	ssyncset.done $0x0  }
0xa1: {  	[sflag:s22] =	ssyncadd.s32 s5;
	_ =	sdelay $0x1  }
0xa2: {  	s23 =	simm.s32 $0x1B8B  }
0xa3: {  	_ =	swait.ge [sflag:s23], $0x1  }
0xa4: {  	[sflag:s23] =	ssyncset.done $0x0  }
0xa5: {  	s25 =	simm.s32 $0x1B8E;
	s24 =	sld [smem:$0x3FFE];
	[sflag:s23] =	ssyncadd.s32 $0xFFFFFFFF  }
0xa6: {  	s26 =	simm.s32 $execute0_lowered;
	[smem:$0x3FD2] =	sst s25  }
0xa7: {  	s6 =	sshll.u32 s26, $0x1;
	_ =	strace $0x80000046;
	[dreg:$0x1] =	wrdreg $0xFFFFFFFF  }
0xa8: {  	s28 =	simm.s32 $_size_execute0_lowered;
	s4 =	sadd.s32 s4, s6;
	[dreg:$0x0] =	wrdreg $0x0  }
0xa9: {  	s6 =	sshll.u32 s28, $0x1;
	[dreg:$0x2] =	wrdreg s4  }
0xaa: {  	[dreg:$0x3] =	wrdreg s6  }
0xab: {  	[dreg:$0x4] =	wrdreg $0xC0  }
0xac: {  	_ =	task [dreg:s8], $0x5FFFF  }
0xad: {  	[dreg:$0x1] =	wrdreg $0xFFFFFFFF  }
0xae: {  	[dreg:$0x0] =	wrdreg $0x60  }
0xaf: {  	[dreg:$0x2] =	wrdreg s24  }
0xb0: {  	[dreg:$0x3] =	wrdreg s2  }
0xb1: {  	[dreg:$0x4] =	wrdreg s18  }
0xb2: {  	[dreg:$0x5] =	wrdreg $0x0  }
0xb3: {  	[dreg:$0x6] =	wrdreg $0x9  }
0xb4: {  	_ =	task.clear_ibuf [dreg:s8], $0x7FFFF;
	_ =	strace $0x90000046  }
0xb5: {  	s29 =	simm.s32 $0x9;
	_ =	strace $0x80000048  }
0xb6: {  	_ =	swait.ge [sflag:s29], $0x1  }
0xb7: {  	[sflag:s29] =	ssyncadd.s32 $0xFFFFFFFF  }
0xb8: {  	_ =	strace $0x90000048  }
0xb9: {  	_ =	sfence  }
0xba: {  	s30 =	sld [smem:$0x0];
	_ =	sdelay $0x2  }
0xbb: {  	s31 =	sshll.u32 s1, $0xD;
	s1 =	sshrl.u32 s1, $0x2  }
0xbc: {  	s3 =	sand.u32 $0x4000, s31;
	s1 =	sadd.s32 s1, s30  }
0xbd: {  	s0 =	sor.u32 s3, s0;
	s1 =	sshll.u32 s1, $0x11  }
0xbe: {  	s0 =	sor.u32 s1, s0  }
0xbf: {  	s0 =	sadd.s32 $0x8F2B, s0  }
0xc0: {  	[sflag:s0] =	ssyncadd.remote.s32 $0x1  }
0xc1: {  	_ =	sfence.sel $0xFFFF  }
0xc2: {  	[dreg:$0x0] =	wrdreg $0xFFFFFFFF;
	(pc) =	sbr.abs _section_cstart, $3  }
0xc3: {  	[dreg:$0x1] =	wrdreg $0xFFFFFFFF  }
0xc4: {  	_ =	task.clear_ibuf [dreg:s8], $0x2FFFF;
	_ =	strace $0x9FFFFFFF  }
0xc5: {  	(tm) =	ssettm $0x7FFFFFFF  }
tec
execute0_lowered:
.L_overlay_start_1:
0x0: {  	(tag) =	ssettag $0x1  }
0x1: {  	s0 =	rddreg [dreg:$0x0]  }
0x2: {  	s1 =	rddreg [dreg:$0x1]  }
0x3: {  	s2 =	rddreg [dreg:$0x2]  }
0x4: {  	s3 =	rddreg [dreg:$0x3]  }
0x5: {  	s4 =	simm.s32 $0x0;
	s18 =	stileid.u32;
	s5 =	srdreg.scid  }
0x6: {  	s19 =	simm.s32 $0x3;
	s28 =	simm.s32 $0x16500;
	s29 =	simm.s32 $0x17900  }
0x7: {  	s31 =	simm.s32 $0x4;
	s30 =	simm.s32 $0x1C580;
	s8 =	smul.u32 $0x13C00, s18  }
0x8: {  	[smem:$0x7FF] =	sst s4;
	s11 =	sand.u32 $0x1, s5;
	s20 =	smul.u32 $0xF00, s18  }
0x9: {  	s5 =	sadd.s32 $0x1BA00, s0;
	s6 =	sadd.s32 $0x11C00, s0;
	s13 =	smul.u32 $0x4F000, s18  }
0xa: {  	s7 =	sadd.s32 $0x7E00, s0;
	s21 =	sshll.u32 s18, $0x1;
	s17 =	smul.u32 $0xA, s18  }
0xb: {  	s23 =	sshll.u32 s18, $0x6;
	s18 =	simm.s32 $0x1BD80;
	s9 =	smul.u32 $0x13C000, s11  }
0xc: {  	_ =	strace $0x80000047;
	s15 =	ssub.s32 $0x2, s11;
	s24 =	smul.u32 $0x780, s11  }
0xd: {  	s10 =	sshrl.u32 s8, $0x3;
	s16 =	sshrl.u32 s15, $0x1;
	s13 =	sshrl.u32 s13, $0x2  }
0xe: {  	s1 =	sadd.s32 s17, s1;
	s12 =	sadd.s32 s10, s0;
	s9 =	sadd.s32 s8, s9  }
0xf: {  	s8 =	sadd.s32 $0x6A400, s0;
	s15 =	ssub.s32 s15, s16;
	s22 =	sadd.s32 s13, s3  }
0x10: {  	s13 =	sadd.s32 $0x100, s2;
	s9 =	sshrl.u32 s9, $0x3;
	s12 =	sadd.s32 $0x42C00, s12  }
0x11: {  	s26 =	smax.u32 s15, $0x1;
	s14 =	sadd.s32 s9, s0;
	s0 =	sadd.s32 s20, s0  }
0x12: {  	s9 =	sor.u32 s11, s21;
	[dreg:$0x5] =	wrdreg s12;
	s12 =	sor.u32 $0x1C03, s23  }
0x13: {  	s11 =	smul.u32 $0x5, s11;
	[dreg:$0x8] =	wrdreg s26;
	s20 =	simm.s32 $0x13C00  }
0x14: {  	s21 =	simm.s32 $0x13C80;
	s23 =	simm.s32 $0x13D00;
	s26 =	simm.s32 $0x2  }
0x15: {  	s10 =	smul.u32 $0x2710, s9;
	[dreg:$0x6] =	wrdreg s12;
	s25 =	sadd.s32 $0x5C2C00, s14  }
.Ltmp0:
0x16: {  	s0 =	sadd.s32 s24, s0;
	s14 =	sshrl.u32 s22, $0x3;
	(pc) =	sbr.rel .LBB2_1-.Ltmp0, $4  }
0x17: {  	s22 =	simm.s32 $0x28;
	s24 =	simm.s32 $0x15100;
	[dreg:$0x7] =	wrdreg s25  }
0x18: {  	v3 =	vlaneseq.u32;
	v0 =	vimm.f32 $1.000000000e+00;
	s12 =	simm.s32 $0x1B980;
	s1 =	sadd.s32 s11, s1;
	[dreg:$0xb] =	wrdreg s14  }
0x19: {  	vm0 =	vmmov $0xffff;
	vm1 =	vmmov $0xff;
	v2 =	vshrl.u32 v3, $0x3;
	s0 =	sadd.s32 $0x54C400, s0;
	s25 =	simm.s32 $0x1;
	[dreg:$0x9] =	wrdreg s1  }
0x1a: {  	v1 =	vand.u32 $0x7, v3;
	v3 =	vor.u32 $0x8, v3;
	v2 =	vmul.u32 $0x8, v2;
	s11 =	simm.s32 $0x0;
	[dreg:$0xa] =	wrdreg s0;
	s0 =	simm.s32 $0x18D80  }
.LBB2_11:
0x1b: {  	[bflag:$0x0] =	sbarrier.arrive $0xFFFF  }
0x1c: {  	s1 =	rddreg [dreg:$0x6]  }
0x1d: {  	s11 =	rddreg [dreg:$0x7]  }
0x1e: {  	s14 =	rddreg [dreg:$0xb]  }
0x1f: {  	[hbm:s11], [sflag:s1] =	dma.local [spmem:s14], $0x2780  }
0x20: {  	_ =	swait.ge [sflag:s19], $0x2780  }
0x21: {  	s16 =	rddreg [dreg:$0xc]  }
0x22: {  	s17 =	rddreg [dreg:$0x8];
	s11 =	sadd.s32 $0x1, s16  }
0x23: {  	p0 =	sne.s32 s11, s17  }
.Ltmp1:
0x24: {  	_ = 	snop;
	(pc) =	sbr.rel @!p0 .LBB2_12-.Ltmp1, $3  }
0x25: {  	_ =	sdelay $0x1  }
0x26: {  	[sflag:s19] =	ssyncset.done $0x0  }
0x27: {  	[sflag:s19] =	ssyncadd.s32 $0xFFFFD880  }
.LBB2_1:
0x28: {  	[dreg:$0xc] =	wrdreg s11;
	s1 =	simm.s32 $0x0;
	s11 =	simm.s32 $0x200  }
.LBB2_2:
0x29: {  	p0 =	sne.s32 s11, $0x4E00;
	[tilespmem:s1+$0x17970] =	vst v0  }
0x2a: {  	[tilespmem:s1+$0x17900] =	vst v0  }
0x2b: {  	[tilespmem:s1+$0x17910] =	vst v0  }
.Ltmp2:
0x2c: {  	[tilespmem:s1+$0x17920] =	vst v0;
	(pc) =	sbr.rel @p0 .LBB2_2-.Ltmp2, $4  }
0x2d: {  	[tilespmem:s1+$0x17930] =	vst v0  }
0x2e: {  	[tilespmem:s1+$0x17940] =	vst v0  }
0x2f: {  	[tilespmem:s1+$0x17950] =	vst v0  }
0x30: {  	[tilespmem:s1+$0x17960] =	vst v0;
	s1 =	sshra.s32 s11, $0x2;
	s11 =	sadd.s32 $0x200, s11  }
0x31: {  	[tilespmem:s1+$0x17970] =	vst v0  }
0x32: {  	[tilespmem:s1+$0x17900] =	vst v0  }
0x33: {  	[tilespmem:s1+$0x17910] =	vst v0  }
0x34: {  	[tilespmem:s1+$0x17920] =	vst v0  }
0x35: {  	[tilespmem:s1+$0x17930] =	vst v0  }
0x36: {  	[tilespmem:s1+$0x17940] =	vst v0  }
0x37: {  	[tilespmem:s1+$0x17950] =	vst v0;
	s17 =	rddreg [dreg:$0x5]  }
0x38: {  	[tilespmem:s1+$0x17960] =	vst v0;
	s11 =	rddreg [dreg:$0x6]  }
0x39: {  	[spmem:s14], [sflag:s11] =	dma.local [hbm:s17], $0x2780  }
0x3a: {  	_ =	swait.ge [sflag:s19], $0x2780  }
0x3b: {  	[sflag:s19] =	ssyncset.done $0x0  }
0x3c: {  	[sflag:s19] =	ssyncadd.s32 $0xFFFFD880  }
0x3d: {  	s11 =	simm.s32 $0x0;
	s14 =	simm.s32 $0x0;
	[bflag:$0x0] =	sbarrier.arrive $0xFFFF  }
.LBB2_4:
0x3e: {  	s1 =	smul.u32 $0x28, s14;
	_ =	sdelay $0x1  }
0x3f: {  	s1 =	sadd.s32 s10, s1  }
0x40: {  	s15 =	sshrl.u32 s1, $0x3  }
0x41: {  	s16 =	sadd.s32 s6, s15  }
0x42: {  	[tilespmem:s20], [sflag:$0x3] =	stream.linear.gather [hbm4b:s16+s11], $0x28, $0x38;
	[tilespmem:$0x1C980] =	vst v63  }
0x43: {  	_ =	swait.ge [sflag:s19], $0x28  }
0x44: {  	[sflag:s19] =	ssyncset.done $0x0  }
0x45: {  	s15 =	sadd.s32 s7, s15;
	[sflag:s19] =	ssyncadd.s32 $0xFFFFFFD8  }
0x46: {  	[tilespmem:s21], [sflag:$0x3] =	stream.linear.gather [hbm4b:s15+s11], $0x28, $0x38;
	[tilespmem:$0x1C980] =	vst v63  }
0x47: {  	_ =	swait.ge [sflag:s19], $0x28  }
0x48: {  	[sflag:s19] =	ssyncset.done $0x0  }
0x49: {  	[sflag:s19] =	ssyncadd.s32 $0xFFFFFFD8  }
0x4a: {  	[tilespmem:s23], [sflag:$0x1] =	stream.indirect.gather [hbm4b:s5+s22], $0x80, s20, s22, $0xb8;
	[tilespmem:$0x1C980] =	vst v63  }
0x4b: {  	_ = 	snop  }
0x4c: {  	[tilespmem:s24], [sflag:$0x2] =	stream.indirect.gather [hbm4b:s5+s22], $0x80, s21, s22, $0xb8;
	[tilespmem:$0x1C980] =	vst v63  }
0x4d: {  	_ =	swait.ge [sflag:s25], $0x1400  }
0x4e: {  	[sflag:s25] =	ssyncset.done $0x0  }
0x4f: {  	[sflag:s25] =	ssyncadd.s32 $0xFFFFEC00  }
0x50: {  	_ =	swait.ge [sflag:s26], $0x1400  }
0x51: {  	[sflag:s26] =	ssyncset.done $0x0  }
0x52: {  	s15 =	simm.s32 $0x0;
	[sflag:s26] =	ssyncadd.s32 $0xFFFFEC00  }
0x53: {  	v4 =	vld [tilespmem:s15+$0x13D00]  }
0x54: {  	s16 =	simm.s32 $0x200;
	v5 =	vld [tilespmem:s15+$0x15100]  }
.LBB2_5:
0x55: {  	_ = 	snop  }
0x56: {  	p0 =	sne.s32 s16, $0x4E00  }
.Ltmp3:
0x57: {  	_ = 	snop;
	(pc) =	sbr.rel @p0 .LBB2_5-.Ltmp3, $4  }
0x58: {  	_ = 	snop  }
0x59: {  	s17 =	sshra.s32 s16, $0x2;
	v6 =	vsub.f32 v4, v5  }
0x5a: {  	v4 =	vld [tilespmem:s17+$0x13D00]  }
0x5b: {  	s16 =	sadd.s32 $0x200, s16;
	v5 =	vld [tilespmem:s17+$0x15100];
	[tilespmem:s15+$0x16500] =	vst v6;
	s15 =	smov.u32 s17  }
0x5c: {  	_ =	sdelay $0x3  }
0x5d: {  	v4 =	vsub.f32 v4, v5  }
0x5e: {  	s1 =	sshll.u32 s1, $0x4  }
0x5f: {  	s17 =	sadd.s32 s8, s1;
	s1 =	simm.s32 $0x0;
	[tilespmem:s15+$0x16500] =	vst v4  }
0x60: {  	[hbm4b:s17+s1] =	stream.linear.scatter [tilespmem:s28], [sflag:$0x3], $0x1400, $0x38;
	[tilespmem:$0x1C980] =	vst v63  }
0x61: {  	s14 =	sadd.s32 $0x1, s14;
	_ =	swait.ge [sflag:s19], $0x1400  }
0x62: {  	p0 =	sne.s32 s14, $0xFA;
	[sflag:s19] =	ssyncset.done $0x0  }
.Ltmp4:
0x63: {  	[sflag:s19] =	ssyncadd.s32 $0xFFFFEC00;
	(pc) =	sbr.rel @p0 .LBB2_4-.Ltmp4, $4  }
0x64: {  	[spmem:s3] =	stream.indirect.scatter.add.f32 [tilespmem:s29], [sflag:$0x3], $0x80, s21, s22, $0xb8;
	[tilespmem:$0x1C980] =	vst v63  }
0x65: {  	_ =	swait.ge [sflag:s19], $0x1400  }
0x66: {  	[sflag:s19] =	ssyncset.done $0x0  }
0x67: {  	[sflag:s19] =	ssyncadd.s32 $0xFFFFEC00  }
.Ltmp5:
0x68: {  	(pc) =	sbr.rel .LBB2_8-.Ltmp5, $3  }
0x69: {  	_ =	sdelay $0x1  }
0x6a: {  	s11 =	rddreg [dreg:$0xa]  }
0x6b: {  	s14 =	rddreg [dreg:$0x9];
	s16 =	simm.s32 $0x18D00;
	s17 =	simm.s32 $0x19580  }
.LBB2_10:
0x6c: {  	s1 =	sadd.s32 $0x20, s1  }
0x6d: {  	p0 =	sne.s32 s1, $0x100  }
.Ltmp6:
0x6e: {  	_ = 	snop;
	(pc) =	sbr.rel @!p0 .LBB2_11-.Ltmp6, $2  }
0x6f: {  	_ =	sdelay $0x2  }
0x70: {  	s14 =	sadd.s32 $0xA0, s14;
	s11 =	sadd.s32 $0xF000, s11  }
.LBB2_8:
0x71: {  	s15 =	sadd.s32 s1, s9  }
0x72: {  	p0 =	sgt.u32 s15, $0xF9  }
.Ltmp7:
0x73: {  	_ = 	snop;
	(pc) =	sbr.rel @p0 .LBB2_10-.Ltmp7, $1  }
0x74: {  	_ =	sdelay $0x3  }
0x75: {  	[tilespmem:s16], [sflag:$0x4] =	stream.linear.gather [hbm4b:s14+s4], $0x28, $0x38;
	[tilespmem:$0x1C980] =	vst v63  }
0x76: {  	_ =	swait.ge [sflag:s31], $0x28  }
0x77: {  	[sflag:s31] =	ssyncset.done $0x0  }
0x78: {  	[sflag:s31] =	ssyncadd.s32 $0xFFFFFFD8  }
0x79: {  	v4 =	vld [tilespmem:$0x18D00];
	_ =	sdelay $0x4  }
0x7a: {  	v5 =	vshrl.u32 v4, $0x3  }
0x7b: {  	v5 =	vmul.u32 $0x18, v5  }
0x7c: {  	v4 =	vand.u32 $0x7, v4  }
0x7d: {  	v4 =	vor.u32 v4, v5  }
0x7e: {  	v5 =	vperm.xlane v4, v1;
	_ =	sdelay $0x1  }
0x7f: {  	v5 =	vadd.s32 v2, v5;
	_ =	sdelay $0x1  }
0x80: {  	v4 =	vperm.xlane v4, v3;
	_ =	sdelay $0x1  }
0x81: {  	v4 =	vadd.s32 v2, v4  }
0x82: {  	[tilespmem:s0], [sflag:$0x1] =	stream.indirect_vreg.gather [hbm4b:s2+s4], $0x80, v5, vm0, $0xb8;
	[tilespmem:$0x1C980] =	vst v63  }
0x83: {  	_ = 	snop  }
0x84: {  	[tilespmem:s17], [sflag:$0x1] =	stream.indirect_vreg.gather [hbm4b:s13+s4], $0x80, v5, vm1, $0xb8;
	[tilespmem:$0x1C980] =	vst v63  }
0x85: {  	s15 =	simm.s32 $0x19980  }
0x86: {  	[tilespmem:s15], [sflag:$0x1] =	stream.indirect_vreg.gather [hbm4b:s2+s4], $0x80, v4, vm0, $0xb8;
	[tilespmem:$0x1C980] =	vst v63  }
0x87: {  	s15 =	simm.s32 $0x1A180  }
0x88: {  	[tilespmem:s15], [sflag:$0x1] =	stream.indirect_vreg.gather [hbm4b:s13+s4], $0x80, v4, vm1, $0xb8;
	[tilespmem:$0x1C980] =	vst v63  }
0x89: {  	v4 =	vld [tilespmem:$0x18D10];
	_ =	sdelay $0x4  }
0x8a: {  	v5 =	vshrl.u32 v4, $0x3  }
0x8b: {  	v5 =	vmul.u32 $0x18, v5  }
0x8c: {  	v4 =	vand.u32 $0x7, v4  }
0x8d: {  	v4 =	vor.u32 v4, v5  }
0x8e: {  	v5 =	vperm.xlane v4, v1;
	_ =	sdelay $0x1  }
0x8f: {  	v5 =	vadd.s32 v2, v5;
	_ =	sdelay $0x1  }
0x90: {  	v4 =	vperm.xlane v4, v3;
	_ =	sdelay $0x1  }
0x91: {  	s15 =	simm.s32 $0x1A580;
	v4 =	vadd.s32 v2, v4  }
0x92: {  	[tilespmem:s15], [sflag:$0x1] =	stream.indirect_vreg.gather [hbm4b:s2+s4], $0x80, v5, vm0, $0xb8;
	[tilespmem:$0x1C980] =	vst v63  }
0x93: {  	s15 =	simm.s32 $0x1AD80  }
0x94: {  	[tilespmem:s15], [sflag:$0x1] =	stream.indirect_vreg.gather [hbm4b:s13+s4], $0x80, v5, vm1, $0xb8;
	[tilespmem:$0x1C980] =	vst v63  }
0x95: {  	s15 =	simm.s32 $0x1B180  }
0x96: {  	[tilespmem:s15], [sflag:$0x1] =	stream.indirect_vreg.gather [hbm4b:s2+s4], $0x80, v4, vm0, $0xb8;
	[tilespmem:$0x1C980] =	vst v63  }
0x97: {  	_ = 	snop  }
0x98: {  	[tilespmem:s12], [sflag:$0x1] =	stream.indirect_vreg.gather [hbm4b:s13+s4], $0x80, v4, vm1, $0xb8;
	[tilespmem:$0x1C980] =	vst v63  }
0x99: {  	v4 =	vld.msk [tilespmem:$0x18D20], $0xff;
	_ =	sdelay $0x4  }
0x9a: {  	v5 =	vshrl.u32 v4, $0x3  }
0x9b: {  	v5 =	vmul.u32 $0x18, v5  }
0x9c: {  	v4 =	vand.u32 $0x7, v4  }
0x9d: {  	v4 =	vor.u32 v4, v5  }
0x9e: {  	v4 =	vperm.xlane v4, v1;
	_ =	sdelay $0x1  }
0x9f: {  	v4 =	vadd.s32 v2, v4;
	_ =	sdelay $0x4  }
0xa0: {  	[tilespmem:s18], [sflag:$0x1] =	stream.indirect_vreg.gather [hbm4b:s2+s4], $0x80, v4, vm0, $0xb8;
	[tilespmem:$0x1C980] =	vst v63  }
0xa1: {  	_ = 	snop  }
0xa2: {  	[tilespmem:s30], [sflag:$0x1] =	stream.indirect_vreg.gather [hbm4b:s13+s4], $0x80, v4, vm1, $0xb8;
	[tilespmem:$0x1C980] =	vst v63  }
0xa3: {  	_ =	swait.ge [sflag:s25], $0x3C00  }
0xa4: {  	[sflag:s25] =	ssyncset.done $0x0  }
.Ltmp8:
0xa5: {  	[sflag:s25] =	ssyncadd.s32 $0xFFFFC400;
	(pc) =	sbr.rel .LBB2_10-.Ltmp8, $4  }
0xa6: {  	[hbm4b:s11+s4] =	stream.linear.scatter [tilespmem:s0], [sflag:$0x3], $0x3C00, $0x38;
	[tilespmem:$0x1C980] =	vst v63  }
0xa7: {  	_ =	swait.ge [sflag:s19], $0x3C00  }
0xa8: {  	[sflag:s19] =	ssyncset.done $0x0  }
0xa9: {  	[sflag:s19] =	ssyncadd.s32 $0xFFFFC400  }
.LBB2_12:
0xaa: {  	_ =	sfence.sel $0x180000  }
0xab: {  	[bflag:$0x0] =	sbarrier.arrive $0xFFFF  }
0xac: {  	_ =	strace $0x90000047  }
0xad: {  	s0 =	stileid.u32;
	[bflag:$0x2] =	sbarrier.arrive $0xFFFF  }
0xae: {  	p0 =	sne.s32 s0, $0x0;
	s0 =	rddreg [dreg:$0x4]  }
0xaf: {  	s0 =	sadd.s32 @!p0 $0x100000, s0  }
0xb0: {  	[sflag:s0] =	ssyncadd.tile.s32 @!p0 $0x1;
	_ =	shalt  }
.Lfunc_end2:
_tile_overlayer_lowered:
.L_overlay_start_2:
0xb1: {  	(tag) =	ssettag $0x2  }
0xb2: {  	s0 =	rddreg [dreg:$0x0];
	s2 =	stileid.u32  }
0xb3: {  	s1 =	rddreg [dreg:$0x1];
	p0 =	sne.s32 s2, $0x0  }
0xb4: {  	s3 =	rddreg [dreg:$0x2];
	[bflag:$0x3] =	sbarrier.arrive $0xFFFF;
	s2 =	simm.s32 @!p0 $0x1C03  }
0xb5: {  	[timem:s3], [sflag:s2] =	dma.local @!p0 [hbm:s0], s1  }
0xb6: {  	s0 =	simm.s32 @!p0 $0x3  }
0xb7: {  	_ =	swait.ge @!p0 [sflag:s0], s1  }
0xb8: {  	s1 =	ssub.s32 @!p0 $0x0, s1;
	[sflag:s0] =	ssyncset.done @!p0 $0x0  }
0xb9: {  	[sflag:s0] =	ssyncadd.s32 @!p0 s1  }
0xba: {  	[bflag:$0x3] =	sbarrier.arrive $0xFFFF  }
0xbb: {  	_ =	shalt  }

// kernel: kernel.16.cloned.1.call-start
scs
__scs_entry_jumppad:
0x0: {  	(pc) =	sbr.rel $0x88, $3  }
0x1: {  	(tag) =	ssettag $0x0;
	lr =	simm.s32 $0x1  }
0x2: {  	[smem:$0x3F83] =	sst lr;
	_ =	strace $0xD0000000  }
0x3: {  	_ = 	snop  }
0x4: {  	_ = 	snop  }
0x5: {  	_ = 	snop  }
0x6: {  	_ = 	snop  }
0x7: {  	_ = 	snop  }
__scs_overlays_trampoline_lowered:
0x8: {  	[smem:$0x3F92] =	sst s0  }
0x9: {  	[smem:$0x3F93] =	sst s1  }
0xa: {  	[smem:$0x3F94] =	sst s2  }
0xb: {  	[smem:$0x3F95] =	sst s3  }
0xc: {  	[smem:$0x3F96] =	sst s4  }
0xd: {  	[smem:$0x3F97] =	sst s5  }
0xe: {  	[smem:$0x3F98] =	sst s6  }
0xf: {  	[smem:$0x3F99] =	sst s7  }
0x10: {  	[smem:$0x3F9A] =	sst s8  }
0x11: {  	[smem:$0x3F9B] =	sst s9;
	s0 =	simm.s32 @!p0 $0x0  }
0x12: {  	s1 =	sld [smem:$0x3F81];
	s0 =	simm.s32 @p0 $0x1  }
0x13: {  	[smem:$0x3F9C] =	sst s0;
	s0 =	simm.s32 @!p1 $0x0  }
0x14: {  	s2 =	sld [smem:$0x3F80];
	s0 =	simm.s32 @p1 $0x1  }
0x15: {  	[smem:$0x3F9D] =	sst s0;
	s0 =	simm.s32 @!p2 $0x0  }
0x16: {  	s3 =	sld [smem:$0x3FDB];
	s0 =	simm.s32 @p2 $0x1  }
0x17: {  	s4 =	simm.s32 $0x1BF5;
	[smem:$0x3F9F] =	sst s0  }
0x18: {  	s0 =	sld [smem:$0x3F82];
	_ =	swait.ge [sflag:s4], $0x0  }
0x19: {  	s7 =	sld [smem:$0x3F83]  }
0x1a: {  	s8 =	sadd.s32 $0xFFFFE003, lr  }
0x1b: {  	s9 =	sadd.s32 $0xFFFFFEF7, lr;
	s5 =	simm.s32 $0xFFFFFFFF;
	p2 =	slt.u32 s8, $0xFFFFF086  }
0x1c: {  	p1 =	slt.u32 s9, $0xF7A;
	s5 =	simm.s32 @!p2 $0x0  }
0x1d: {  	s5 =	simm.s32 @p1 $0x1;
	p0 =	seq.s32 s7, s2  }
0x1e: {  	s7 =	smul.u32 @!p0 $0xF7A, s2;
	p2 =	seq.s32 @!p0 s5, $0x0  }
0x1f: {  	s9 =	smul.u32 $0xF7A, s1;
	s8 =	simm.s32 @!p0 $0x1BF5;
	p2 =	por !p2, p0  }
0x20: {  	[sflag:s8] =	ssyncset.s32 @!p0 $0xFFFFF086;
	s6 =	sadd.s32 @!p0 s3, s7;
	s7 =	simm.s32 @!p0 $0x108  }
0x21: {  	s3 =	sadd.s32 s3, s9;
	s6 =	sadd.s32 @!p0 $0x88, s6;
	s7 =	simm.s32 @p2 $0x1082  }
0x22: {  	[simem:s7], [sflag:s8] =	dma.local @!p0 [hbm:s6], $0xF7A  }
0x23: {  	s9 =	sor.u32 $0xD0000000, s2;
	s6 =	simm.s32 $0x108;
	_ =	swait.ge @!p0 [sflag:s8], $0x0  }
0x24: {  	s3 =	sadd.s32 $0x88, s3;
	s6 =	simm.s32 @!p1 $0x1082;
	[sflag:s4] =	ssyncset.s32 $0xFFFFF086  }
0x25: {  	[simem:s6], [sflag:s4] =	dma.local [hbm:s3], $0xF7A  }
0x26: {  	[smem:$0x3F83] =	sst s1;
	(tag) =	ssettag s2;
	_ =	strace s9  }
0x27: {  	s1 =	sld [smem:$0x3F93]  }
0x28: {  	s2 =	sld [smem:$0x3F94]  }
0x29: {  	s4 =	sld [smem:$0x3F96]  }
0x2a: {  	p0 =	seq.s32 s5, $0x0;
	s5 =	sld [smem:$0x3F97]  }
0x2b: {  	s6 =	sld [smem:$0x3F98]  }
0x2c: {  	s7 =	sld [smem:$0x3F99]  }
0x2d: {  	s3 =	simm.s32 $0x108;
	s8 =	sld [smem:$0x3F9A]  }
0x2e: {  	s3 =	simm.s32 @!p0 $0x1082;
	s9 =	sld [smem:$0x3F9B]  }
0x2f: {  	lr =	sadd.s32 s0, s3;
	s0 =	sld [smem:$0x3F92]  }
0x30: {  	s3 =	sld [smem:$0x3F95]  }
0x31: {  	[smem:$0x3F9E] =	sst s10  }
0x32: {  	s10 =	sld [smem:$0x3F9C];
	_ =	sdelay $0x3  }
0x33: {  	p0 =	seq.s32 s10, $0x1;
	s10 =	sld [smem:$0x3F9E];
	_ =	sdelay $0x3  }
0x34: {  	[smem:$0x3F9E] =	sst s10  }
0x35: {  	s10 =	sld [smem:$0x3F9D];
	_ =	sdelay $0x3  }
0x36: {  	p1 =	seq.s32 s10, $0x1;
	s10 =	sld [smem:$0x3F9E];
	_ =	sdelay $0x3  }
0x37: {  	[smem:$0x3F9E] =	sst s10  }
0x38: {  	s10 =	sld [smem:$0x3F9F]  }
0x39: {  	_ = 	snop;
	(pc) =	sbr.ind lr, $3  }
0x3a: {  	_ = 	snop  }
0x3b: {  	_ = 	snop  }
0x3c: {  	p2 =	seq.s32 s10, $0x1;
	s10 =	sld [smem:$0x3F9E]  }
0x3d: {  	_ =	shalt  }
0x3e: {  	_ =	shalt  }
0x3f: {  	_ =	shalt  }
0x40: {  	_ =	shalt  }
0x41: {  	_ =	shalt  }
0x42: {  	_ =	shalt  }
0x43: {  	_ =	shalt  }
0x44: {  	_ =	shalt  }
0x45: {  	_ =	shalt  }
0x46: {  	_ =	shalt  }
0x47: {  	_ =	shalt  }
0x48: {  	_ =	shalt  }
0x49: {  	_ =	shalt  }
0x4a: {  	_ =	shalt  }
0x4b: {  	_ =	shalt  }
0x4c: {  	_ =	shalt  }
0x4d: {  	_ =	shalt  }
0x4e: {  	_ =	shalt  }
0x4f: {  	_ =	shalt  }
0x50: {  	_ =	shalt  }
0x51: {  	_ =	shalt  }
0x52: {  	_ =	shalt  }
0x53: {  	_ =	shalt  }
0x54: {  	_ =	shalt  }
0x55: {  	_ =	shalt  }
0x56: {  	_ =	shalt  }
0x57: {  	_ =	shalt  }
0x58: {  	_ =	shalt  }
0x59: {  	_ =	shalt  }
0x5a: {  	_ =	shalt  }
0x5b: {  	_ =	shalt  }
0x5c: {  	_ =	shalt  }
0x5d: {  	_ =	shalt  }
0x5e: {  	_ =	shalt  }
0x5f: {  	_ =	shalt  }
0x60: {  	_ =	shalt  }
0x61: {  	_ =	shalt  }
0x62: {  	_ =	shalt  }
0x63: {  	_ =	shalt  }
0x64: {  	_ =	shalt  }
0x65: {  	_ =	shalt  }
0x66: {  	_ =	shalt  }
0x67: {  	_ =	shalt  }
0x68: {  	_ =	shalt  }
0x69: {  	_ =	shalt  }
0x6a: {  	_ =	shalt  }
0x6b: {  	_ =	shalt  }
0x6c: {  	_ =	shalt  }
0x6d: {  	_ =	shalt  }
0x6e: {  	_ =	shalt  }
0x6f: {  	_ =	shalt  }
0x70: {  	_ =	shalt  }
0x71: {  	_ =	shalt  }
0x72: {  	_ =	shalt  }
0x73: {  	_ =	shalt  }
0x74: {  	_ =	shalt  }
0x75: {  	_ =	shalt  }
0x76: {  	_ =	shalt  }
0x77: {  	_ =	shalt  }
0x78: {  	_ =	shalt  }
0x79: {  	_ =	shalt  }
0x7a: {  	_ =	shalt  }
0x7b: {  	_ =	shalt  }
0x7c: {  	_ =	shalt  }
0x7d: {  	_ =	shalt  }
0x7e: {  	_ =	shalt  }
0x7f: {  	_ =	shalt  }
0x80: {  	_ =	shalt  }
0x81: {  	_ =	shalt  }
0x82: {  	_ =	shalt  }
0x83: {  	_ =	shalt  }
0x84: {  	_ =	shalt  }
0x85: {  	_ =	shalt  }
0x86: {  	_ =	shalt  }
0x87: {  	_ =	shalt  }
.Lfunc_end0:
.L_simem_size_0:
called_computation.1_lowered:
.L_overlay_start_0:
0x88: {  	s2 =	sld [smem:$0x3FD9]  }
0x89: {  	s3 =	sld [smem:$0x3FFE];
	_ =	sdelay $0x1  }
0x8a: {  	s1 =	srdreg.scid  }
0x8b: {  	s0 =	sand.u32 $0x1, s1  }
0x8c: {  	s16 =	sshll.u32 s0, $0xA;
	s2 =	sadd.s32 s3, s2  }
0x8d: {  	s2 =	sadd.s32 s2, s16  }
0x8e: {  	[smem:$0x3FAA] =	sst s2  }
0x8f: {  	_ = 	snop  }
0x90: {  	(tm) =	ssettm $0x1  }
0x91: {  	s17 =	sld [smem:$0x3FFB];
	_ =	sdelay $0x3  }
0x92: {  	_ =	strace s17  }
0x93: {  	s2 =	sld [smem:$0x3FFC];
	_ =	sdelay $0x3  }
0x94: {  	_ =	strace s2  }
0x95: {  	s2 =	sld [smem:$0x3FFD];
	_ =	sdelay $0x3  }
0x96: {  	_ =	strace s2  }
0x97: {  	_ =	strace $0x8FFFFFFF  }
0x98: {  	s18 =	sld [smem:$0x3FDB];
	_ =	sdelay $0x1  }
0x99: {  	s19 =	simm.s32 $_scs_section_size  }
0x9a: {  	s4 =	simm.s32 $_size__tile_overlayer_lowered;
	s5 =	simm.s32 $_tile_overlayer_lowered  }
0x9b: {  	s22 =	simm.s32 $0x1BFF;
	s21 =	sshll.u32 s5, $0x1;
	s2 =	sadd.s32 s19, s18  }
0x9c: {  	s6 =	simm.s32 $0x0;
	s20 =	sshll.u32 s4, $0x1;
	s4 =	sadd.s32 s21, s2  }
0x9d: {  	[timem:s6], [sflag:s22] =	dma.local [hbm:s4], s20  }
0x9e: {  	_ =	swait.ge [sflag:s22], s20  }
0x9f: {  	s3 =	ssub.s32 $0x0, s20;
	[sflag:s22] =	ssyncset.done $0x0  }
0xa0: {  	[sflag:s22] =	ssyncadd.s32 s3;
	_ =	sdelay $0x1  }
0xa1: {  	s23 =	simm.s32 $0x1B8B  }
0xa2: {  	_ =	swait.ge [sflag:s23], $0x1  }
0xa3: {  	[sflag:s23] =	ssyncset.done $0x0  }
0xa4: {  	s25 =	simm.s32 $0x1B8E;
	s24 =	sld [smem:$0x3FFE];
	[sflag:s23] =	ssyncadd.s32 $0xFFFFFFFF  }
0xa5: {  	s26 =	simm.s32 $execute0_lowered;
	[smem:$0x3FD2] =	sst s25  }
0xa6: {  	s4 =	sshll.u32 s26, $0x1;
	_ =	strace $0x80000049;
	[dreg:$0x1] =	wrdreg $0xFFFFFFFF  }
0xa7: {  	s28 =	simm.s32 $_size_execute0_lowered;
	s2 =	sadd.s32 s2, s4;
	[dreg:$0x0] =	wrdreg $0x0  }
0xa8: {  	s4 =	sshll.u32 s28, $0x1;
	[dreg:$0x2] =	wrdreg s2  }
0xa9: {  	[dreg:$0x3] =	wrdreg s4  }
0xaa: {  	[dreg:$0x4] =	wrdreg $0xC0  }
0xab: {  	_ =	task [dreg:s6], $0x5FFFF  }
0xac: {  	[dreg:$0x1] =	wrdreg $0xFFFFFFFF  }
0xad: {  	[dreg:$0x0] =	wrdreg $0x60  }
0xae: {  	[dreg:$0x2] =	wrdreg s24  }
0xaf: {  	[dreg:$0x3] =	wrdreg $0x0  }
0xb0: {  	[dreg:$0x4] =	wrdreg $0x9  }
0xb1: {  	_ =	task.clear_ibuf [dreg:s6], $0x5FFFF;
	_ =	strace $0x90000049  }
0xb2: {  	s29 =	simm.s32 $0x9;
	_ =	strace $0x8000004B  }
0xb3: {  	_ =	swait.ge [sflag:s29], $0x1  }
0xb4: {  	[sflag:s29] =	ssyncadd.s32 $0xFFFFFFFF  }
0xb5: {  	_ =	strace $0x9000004B  }
0xb6: {  	_ =	sfence  }
0xb7: {  	s30 =	sld [smem:$0x0];
	_ =	sdelay $0x2  }
0xb8: {  	s31 =	sshll.u32 s1, $0xD;
	s1 =	sshrl.u32 s1, $0x2  }
0xb9: {  	s3 =	sand.u32 $0x4000, s31;
	s1 =	sadd.s32 s1, s30  }
0xba: {  	s0 =	sor.u32 s3, s0;
	s1 =	sshll.u32 s1, $0x11  }
0xbb: {  	s0 =	sor.u32 s1, s0  }
0xbc: {  	s0 =	sadd.s32 $0x8F2B, s0  }
0xbd: {  	[sflag:s0] =	ssyncadd.remote.s32 $0x1  }
0xbe: {  	_ =	sfence.sel $0xFFFF  }
0xbf: {  	[dreg:$0x0] =	wrdreg $0xFFFFFFFF;
	(pc) =	sbr.abs _section_cstart, $3  }
0xc0: {  	[dreg:$0x1] =	wrdreg $0xFFFFFFFF  }
0xc1: {  	_ =	task.clear_ibuf [dreg:s6], $0x2FFFF;
	_ =	strace $0x9FFFFFFF  }
0xc2: {  	(tm) =	ssettm $0x7FFFFFFF  }
0xc3: {  	_ =	shalt  }
tec
execute0_lowered:
.L_overlay_start_1:
0x0: {  	(tag) =	ssettag $0x1  }
0x1: {  	s8 =	rddreg [dreg:$0x0]  }
0x2: {  	s1 =	rddreg [dreg:$0x1]  }
0x3: {  	s0 =	rddreg [dreg:$0x2];
	s3 =	simm.s32 $0x0;
	s2 =	stileid.u32  }
0x4: {  	s5 =	srdreg.scid;
	s16 =	simm.s32 $0x13C80;
	s17 =	simm.s32 $0x50  }
0x5: {  	s18 =	simm.s32 $0x13D00;
	s19 =	simm.s32 $0x16500;
	s20 =	simm.s32 $0x1  }
0x6: {  	s21 =	simm.s32 $0x2;
	s26 =	simm.s32 $0x0;
	[smem:$0x7FF] =	sst s3  }
0x7: {  	s4 =	sadd.s32 $0x611C00, s8;
	s9 =	smul.u32 $0x13C00, s2;
	s10 =	sand.u32 $0x1, s5  }
0x8: {  	s5 =	sadd.s32 $0x639400, s8;
	s6 =	sadd.s32 $0x11C00, s8;
	s7 =	sadd.s32 $0x7E00, s8  }
0x9: {  	s14 =	smul.u32 $0x4F000, s2;
	s29 =	sshll.u32 s2, $0x1;
	s31 =	sshll.u32 s2, $0x6  }
0xa: {  	_ =	strace $0x8000004A;
	s11 =	smul.u32 $0x13C000, s10;
	s28 =	ssub.s32 $0x2, s10  }
0xb: {  	s10 =	sor.u32 s10, s29;
	s12 =	sshrl.u32 s9, $0x3;
	s13 =	sshrl.u32 s28, $0x1  }
0xc: {  	s30 =	sshrl.u32 s14, $0x2;
	s10 =	smul.u32 $0x2710, s10;
	s9 =	sadd.s32 s9, s11  }
0xd: {  	s12 =	sadd.s32 s12, s8;
	s13 =	ssub.s32 s28, s13;
	s9 =	sshrl.u32 s9, $0x3  }
0xe: {  	s14 =	sadd.s32 s30, s1;
	s15 =	sadd.s32 s9, s8;
	s8 =	sadd.s32 $0x42C00, s12  }
0xf: {  	s9 =	sor.u32 $0x1C03, s31;
	s12 =	smax.u32 s13, $0x1;
	s13 =	sshrl.u32 s14, $0x3  }
0x10: {  	s14 =	simm.s32 $0x3;
	s11 =	sadd.s32 $0x6A400, s15;
	s15 =	simm.s32 $0x13C00  }
.LBB2_1:
0x11: {  	[spmem:s13], [sflag:s9] =	dma.local [hbm:s8], $0x2780  }
0x12: {  	_ =	swait.ge [sflag:s14], $0x2780  }
0x13: {  	[sflag:s14] =	ssyncset.done $0x0  }
0x14: {  	[sflag:s14] =	ssyncadd.s32 $0xFFFFD880  }
0x15: {  	s22 =	simm.s32 $0x0;
	[bflag:$0x0] =	sbarrier.arrive $0xFFFF  }
.LBB2_2:
0x16: {  	s23 =	smul.u32 $0x50, s22;
	_ =	sdelay $0x1  }
0x17: {  	s23 =	sadd.s32 s10, s23  }
0x18: {  	s24 =	sshrl.u32 s23, $0x3  }
0x19: {  	s25 =	sadd.s32 s6, s24  }
0x1a: {  	[tilespmem:s15], [sflag:$0x3] =	stream.linear.gather [hbm4b:s25+s26], $0x50, $0x38;
	[tilespmem:$0x18D00] =	vst v63  }
0x1b: {  	_ =	swait.ge [sflag:s14], $0x50  }
0x1c: {  	[sflag:s14] =	ssyncset.done $0x0  }
0x1d: {  	s24 =	sadd.s32 s7, s24;
	[sflag:s14] =	ssyncadd.s32 $0xFFFFFFB0  }
0x1e: {  	[tilespmem:s16], [sflag:$0x3] =	stream.linear.gather [hbm4b:s24+s26], $0x50, $0x38;
	[tilespmem:$0x18D00] =	vst v63  }
0x1f: {  	_ =	swait.ge [sflag:s14], $0x50  }
0x20: {  	[sflag:s14] =	ssyncset.done $0x0  }
0x21: {  	s23 =	sshll.u32 s23, $0x4;
	[sflag:s14] =	ssyncadd.s32 $0xFFFFFFB0  }
0x22: {  	[tilespmem:s18], [sflag:$0x1] =	stream.indirect.gather [hbm4b:s4+s17], $0x80, s15, s17, $0xb8;
	[tilespmem:$0x18D00] =	vst v63  }
0x23: {  	s23 =	sadd.s32 s5, s23  }
0x24: {  	[tilespmem:s19], [sflag:$0x2] =	stream.linear.gather [hbm4b:s23+s26], $0x2800, $0x38;
	[tilespmem:$0x18D00] =	vst v63  }
0x25: {  	_ =	swait.ge [sflag:s20], $0x2800  }
0x26: {  	[sflag:s20] =	ssyncset.done $0x0  }
0x27: {  	[sflag:s20] =	ssyncadd.s32 $0xFFFFD800  }
0x28: {  	_ =	swait.ge [sflag:s21], $0x2800  }
0x29: {  	[sflag:s21] =	ssyncset.done $0x0  }
0x2a: {  	s23 =	simm.s32 $0x0;
	[sflag:s21] =	ssyncadd.s32 $0xFFFFD800  }
0x2b: {  	v7 =	vld [tilespmem:s23+$0x16500]  }
0x2c: {  	v11 =	vld [tilespmem:s23+$0x16510]  }
0x2d: {  	v5 =	vld [tilespmem:s23+$0x16520]  }
0x2e: {  	v4 =	vld [tilespmem:s23+$0x16530]  }
0x2f: {  	v3 =	vld [tilespmem:s23+$0x16540]  }
0x30: {  	v2 =	vld [tilespmem:s23+$0x16550]  }
0x31: {  	v1 =	vld [tilespmem:s23+$0x16560]  }
0x32: {  	v0 =	vld [tilespmem:s23+$0x16570]  }
0x33: {  	v12 =	vld [tilespmem:s23+$0x13D00]  }
0x34: {  	v13 =	vld [tilespmem:s23+$0x13D10]  }
0x35: {  	v10 =	vld [tilespmem:s23+$0x13D20]  }
0x36: {  	v9 =	vld [tilespmem:s23+$0x13D30]  }
0x37: {  	v8 =	vld [tilespmem:s23+$0x13D40]  }
0x38: {  	v6 =	vld [tilespmem:s23+$0x13D50];
	v12 =	vmul.f32 v7, v12  }
0x39: {  	s24 =	simm.s32 $0x200;
	v11 =	vmul.f32 v11, v13;
	v7 =	vld [tilespmem:s23+$0x13D60]  }
.LBB2_3:
0x3a: {  	s25 =	sshra.s32 s24, $0x2;
	p0 =	sne.s32 s24, $0x9E00;
	[tilespmem:s23+$0x13D00] =	vst v12;
	v5 =	vmul.f32 v5, v10;
	v10 =	vld [tilespmem:s23+$0x13D70]  }
0x3b: {  	v12 =	vld [tilespmem:s25+$0x16500];
	[tilespmem:s23+$0x13D10] =	vst v11;
	v4 =	vmul.f32 v4, v9  }
0x3c: {  	v11 =	vld [tilespmem:s25+$0x16510];
	[tilespmem:s23+$0x13D20] =	vst v5;
	v3 =	vmul.f32 v3, v8  }
0x3d: {  	v5 =	vld [tilespmem:s25+$0x16520];
	[tilespmem:s23+$0x13D30] =	vst v4;
	v2 =	vmul.f32 v2, v6  }
0x3e: {  	v4 =	vld [tilespmem:s25+$0x16530];
	[tilespmem:s23+$0x13D40] =	vst v3;
	v1 =	vmul.f32 v1, v7  }
0x3f: {  	v3 =	vld [tilespmem:s25+$0x16540];
	[tilespmem:s23+$0x13D50] =	vst v2;
	v0 =	vmul.f32 v0, v10  }
0x40: {  	v2 =	vld [tilespmem:s25+$0x16550];
	[tilespmem:s23+$0x13D60] =	vst v1  }
0x41: {  	v1 =	vld [tilespmem:s25+$0x16560];
	[tilespmem:s23+$0x13D70] =	vst v0;
	s23 =	smov.u32 s25  }
0x42: {  	v0 =	vld [tilespmem:s23+$0x16570]  }
0x43: {  	v6 =	vld [tilespmem:s23+$0x13D00]  }
0x44: {  	v7 =	vld [tilespmem:s23+$0x13D10]  }
.Ltmp0:
0x45: {  	v10 =	vld [tilespmem:s23+$0x13D20];
	(pc) =	sbr.rel @p0 .LBB2_3-.Ltmp0, $4  }
0x46: {  	v9 =	vld [tilespmem:s23+$0x13D30]  }
0x47: {  	v8 =	vld [tilespmem:s23+$0x13D40]  }
0x48: {  	v12 =	vmul.f32 v12, v6;
	v6 =	vld [tilespmem:s23+$0x13D50]  }
0x49: {  	s24 =	sadd.s32 $0x200, s24;
	v11 =	vmul.f32 v11, v7;
	v7 =	vld [tilespmem:s23+$0x13D60]  }
0x4a: {  	[tilespmem:s23+$0x13D00] =	vst v12;
	v5 =	vmul.f32 v5, v10;
	v63 =	vld [tilespmem:s23+$0x13D70]  }
0x4b: {  	[tilespmem:s23+$0x13D10] =	vst v11;
	v4 =	vmul.f32 v4, v9  }
0x4c: {  	[tilespmem:s23+$0x13D20] =	vst v5;
	v3 =	vmul.f32 v3, v8  }
0x4d: {  	[tilespmem:s23+$0x13D30] =	vst v4;
	v2 =	vmul.f32 v2, v6  }
0x4e: {  	[tilespmem:s23+$0x13D40] =	vst v3;
	v1 =	vmul.f32 v1, v7  }
0x4f: {  	s22 =	sadd.s32 $0x1, s22;
	[tilespmem:s23+$0x13D50] =	vst v2;
	v0 =	vmul.f32 v0, v63  }
0x50: {  	p0 =	sne.s32 s22, $0x7D;
	[tilespmem:s23+$0x13D60] =	vst v1  }
.Ltmp1:
0x51: {  	[tilespmem:s23+$0x13D70] =	vst v0;
	(pc) =	sbr.rel @p0 .LBB2_2-.Ltmp1, $4  }
0x52: {  	[spmem:s1] =	stream.indirect.scatter.add.f32 [tilespmem:s18], [sflag:$0x3], $0x80, s16, s17, $0xb8;
	[tilespmem:$0x18D00] =	vst v63  }
0x53: {  	_ =	swait.ge [sflag:s14], $0x2800  }
0x54: {  	[sflag:s14] =	ssyncset.done $0x0  }
0x55: {  	[sflag:s14] =	ssyncadd.s32 $0xFFFFD800  }
0x56: {  	s3 =	sadd.s32 $0x1, s3  }
0x57: {  	p0 =	sne.s32 s3, s12  }
.Ltmp2:
0x58: {  	[bflag:$0x0] =	sbarrier.arrive $0xFFFF;
	(pc) =	sbr.rel @p0 .LBB2_1-.Ltmp2, $4  }
0x59: {  	[hbm:s11], [sflag:s9] =	dma.local [spmem:s13], $0x2780  }
0x5a: {  	_ =	swait.ge [sflag:s14], $0x2780  }
0x5b: {  	[sflag:s14] =	ssyncset.done $0x0  }
0x5c: {  	[sflag:s14] =	ssyncadd.s32 $0xFFFFD880  }
0x5d: {  	_ =	sfence.sel $0x180000  }
0x5e: {  	[bflag:$0x0] =	sbarrier.arrive $0xFFFF  }
0x5f: {  	p0 =	sne.s32 s2, $0x0;
	_ =	strace $0x9000004A  }
0x60: {  	s0 =	sadd.s32 @!p0 $0x100000, s0;
	[bflag:$0x2] =	sbarrier.arrive $0xFFFF  }
0x61: {  	[sflag:s0] =	ssyncadd.tile.s32 @!p0 $0x1;
	_ =	shalt  }
.Lfunc_end2:
_tile_overlayer_lowered:
.L_overlay_start_2:
0x62: {  	(tag) =	ssettag $0x2  }
0x63: {  	s0 =	rddreg [dreg:$0x0];
	s2 =	stileid.u32  }
0x64: {  	s1 =	rddreg [dreg:$0x1];
	p0 =	sne.s32 s2, $0x0  }
0x65: {  	s3 =	rddreg [dreg:$0x2];
	[bflag:$0x3] =	sbarrier.arrive $0xFFFF;
	s2 =	simm.s32 @!p0 $0x1C03  }
0x66: {  	[timem:s3], [sflag:s2] =	dma.local @!p0 [hbm:s0], s1  }
0x67: {  	s0 =	simm.s32 @!p0 $0x3  }
0x68: {  	_ =	swait.ge @!p0 [sflag:s0], s1  }
0x69: {  	s1 =	ssub.s32 @!p0 $0x0, s1;
	[sflag:s0] =	ssyncset.done @!p0 $0x0  }
0x6a: {  	[sflag:s0] =	ssyncadd.s32 @!p0 s1  }
0x6b: {  	[bflag:$0x3] =	sbarrier.arrive $0xFFFF  }
0x6c: {  	_ =	shalt  }

// kernel: kernel.19.cloned.1.call-start
scs
__scs_entry_jumppad:
0x0: {  	(pc) =	sbr.rel $0x88, $3  }
0x1: {  	(tag) =	ssettag $0x0;
	lr =	simm.s32 $0x1  }
0x2: {  	[smem:$0x3F83] =	sst lr;
	_ =	strace $0xD0000000  }
0x3: {  	_ = 	snop  }
0x4: {  	_ = 	snop  }
0x5: {  	_ = 	snop  }
0x6: {  	_ = 	snop  }
0x7: {  	_ = 	snop  }
__scs_overlays_trampoline_lowered:
0x8: {  	[smem:$0x3F92] =	sst s0  }
0x9: {  	[smem:$0x3F93] =	sst s1  }
0xa: {  	[smem:$0x3F94] =	sst s2  }
0xb: {  	[smem:$0x3F95] =	sst s3  }
0xc: {  	[smem:$0x3F96] =	sst s4  }
0xd: {  	[smem:$0x3F97] =	sst s5  }
0xe: {  	[smem:$0x3F98] =	sst s6  }
0xf: {  	[smem:$0x3F99] =	sst s7  }
0x10: {  	[smem:$0x3F9A] =	sst s8  }
0x11: {  	[smem:$0x3F9B] =	sst s9;
	s0 =	simm.s32 @!p0 $0x0  }
0x12: {  	s1 =	sld [smem:$0x3F81];
	s0 =	simm.s32 @p0 $0x1  }
0x13: {  	[smem:$0x3F9C] =	sst s0;
	s0 =	simm.s32 @!p1 $0x0  }
0x14: {  	s2 =	sld [smem:$0x3F80];
	s0 =	simm.s32 @p1 $0x1  }
0x15: {  	[smem:$0x3F9D] =	sst s0;
	s0 =	simm.s32 @!p2 $0x0  }
0x16: {  	s3 =	sld [smem:$0x3FDB];
	s0 =	simm.s32 @p2 $0x1  }
0x17: {  	s4 =	simm.s32 $0x1BF5;
	[smem:$0x3F9F] =	sst s0  }
0x18: {  	s0 =	sld [smem:$0x3F82];
	_ =	swait.ge [sflag:s4], $0x0  }
0x19: {  	s7 =	sld [smem:$0x3F83]  }
0x1a: {  	s8 =	sadd.s32 $0xFFFFE003, lr  }
0x1b: {  	s9 =	sadd.s32 $0xFFFFFEF7, lr;
	s5 =	simm.s32 $0xFFFFFFFF;
	p2 =	slt.u32 s8, $0xFFFFF086  }
0x1c: {  	p1 =	slt.u32 s9, $0xF7A;
	s5 =	simm.s32 @!p2 $0x0  }
0x1d: {  	s5 =	simm.s32 @p1 $0x1;
	p0 =	seq.s32 s7, s2  }
0x1e: {  	s7 =	smul.u32 @!p0 $0xF7A, s2;
	p2 =	seq.s32 @!p0 s5, $0x0  }
0x1f: {  	s9 =	smul.u32 $0xF7A, s1;
	s8 =	simm.s32 @!p0 $0x1BF5;
	p2 =	por !p2, p0  }
0x20: {  	[sflag:s8] =	ssyncset.s32 @!p0 $0xFFFFF086;
	s6 =	sadd.s32 @!p0 s3, s7;
	s7 =	simm.s32 @!p0 $0x108  }
0x21: {  	s3 =	sadd.s32 s3, s9;
	s6 =	sadd.s32 @!p0 $0x88, s6;
	s7 =	simm.s32 @p2 $0x1082  }
0x22: {  	[simem:s7], [sflag:s8] =	dma.local @!p0 [hbm:s6], $0xF7A  }
0x23: {  	s9 =	sor.u32 $0xD0000000, s2;
	s6 =	simm.s32 $0x108;
	_ =	swait.ge @!p0 [sflag:s8], $0x0  }
0x24: {  	s3 =	sadd.s32 $0x88, s3;
	s6 =	simm.s32 @!p1 $0x1082;
	[sflag:s4] =	ssyncset.s32 $0xFFFFF086  }
0x25: {  	[simem:s6], [sflag:s4] =	dma.local [hbm:s3], $0xF7A  }
0x26: {  	[smem:$0x3F83] =	sst s1;
	(tag) =	ssettag s2;
	_ =	strace s9  }
0x27: {  	s1 =	sld [smem:$0x3F93]  }
0x28: {  	s2 =	sld [smem:$0x3F94]  }
0x29: {  	s4 =	sld [smem:$0x3F96]  }
0x2a: {  	p0 =	seq.s32 s5, $0x0;
	s5 =	sld [smem:$0x3F97]  }
0x2b: {  	s6 =	sld [smem:$0x3F98]  }
0x2c: {  	s7 =	sld [smem:$0x3F99]  }
0x2d: {  	s3 =	simm.s32 $0x108;
	s8 =	sld [smem:$0x3F9A]  }
0x2e: {  	s3 =	simm.s32 @!p0 $0x1082;
	s9 =	sld [smem:$0x3F9B]  }
0x2f: {  	lr =	sadd.s32 s0, s3;
	s0 =	sld [smem:$0x3F92]  }
0x30: {  	s3 =	sld [smem:$0x3F95]  }
0x31: {  	[smem:$0x3F9E] =	sst s10  }
0x32: {  	s10 =	sld [smem:$0x3F9C];
	_ =	sdelay $0x3  }
0x33: {  	p0 =	seq.s32 s10, $0x1;
	s10 =	sld [smem:$0x3F9E];
	_ =	sdelay $0x3  }
0x34: {  	[smem:$0x3F9E] =	sst s10  }
0x35: {  	s10 =	sld [smem:$0x3F9D];
	_ =	sdelay $0x3  }
0x36: {  	p1 =	seq.s32 s10, $0x1;
	s10 =	sld [smem:$0x3F9E];
	_ =	sdelay $0x3  }
0x37: {  	[smem:$0x3F9E] =	sst s10  }
0x38: {  	s10 =	sld [smem:$0x3F9F]  }
0x39: {  	_ = 	snop;
	(pc) =	sbr.ind lr, $3  }
0x3a: {  	_ = 	snop  }
0x3b: {  	_ = 	snop  }
0x3c: {  	p2 =	seq.s32 s10, $0x1;
	s10 =	sld [smem:$0x3F9E]  }
0x3d: {  	_ =	shalt  }
0x3e: {  	_ =	shalt  }
0x3f: {  	_ =	shalt  }
0x40: {  	_ =	shalt  }
0x41: {  	_ =	shalt  }
0x42: {  	_ =	shalt  }
0x43: {  	_ =	shalt  }
0x44: {  	_ =	shalt  }
0x45: {  	_ =	shalt  }
0x46: {  	_ =	shalt  }
0x47: {  	_ =	shalt  }
0x48: {  	_ =	shalt  }
0x49: {  	_ =	shalt  }
0x4a: {  	_ =	shalt  }
0x4b: {  	_ =	shalt  }
0x4c: {  	_ =	shalt  }
0x4d: {  	_ =	shalt  }
0x4e: {  	_ =	shalt  }
0x4f: {  	_ =	shalt  }
0x50: {  	_ =	shalt  }
0x51: {  	_ =	shalt  }
0x52: {  	_ =	shalt  }
0x53: {  	_ =	shalt  }
0x54: {  	_ =	shalt  }
0x55: {  	_ =	shalt  }
0x56: {  	_ =	shalt  }
0x57: {  	_ =	shalt  }
0x58: {  	_ =	shalt  }
0x59: {  	_ =	shalt  }
0x5a: {  	_ =	shalt  }
0x5b: {  	_ =	shalt  }
0x5c: {  	_ =	shalt  }
0x5d: {  	_ =	shalt  }
0x5e: {  	_ =	shalt  }
0x5f: {  	_ =	shalt  }
0x60: {  	_ =	shalt  }
0x61: {  	_ =	shalt  }
0x62: {  	_ =	shalt  }
0x63: {  	_ =	shalt  }
0x64: {  	_ =	shalt  }
0x65: {  	_ =	shalt  }
0x66: {  	_ =	shalt  }
0x67: {  	_ =	shalt  }
0x68: {  	_ =	shalt  }
0x69: {  	_ =	shalt  }
0x6a: {  	_ =	shalt  }
0x6b: {  	_ =	shalt  }
0x6c: {  	_ =	shalt  }
0x6d: {  	_ =	shalt  }
0x6e: {  	_ =	shalt  }
0x6f: {  	_ =	shalt  }
0x70: {  	_ =	shalt  }
0x71: {  	_ =	shalt  }
0x72: {  	_ =	shalt  }
0x73: {  	_ =	shalt  }
0x74: {  	_ =	shalt  }
0x75: {  	_ =	shalt  }
0x76: {  	_ =	shalt  }
0x77: {  	_ =	shalt  }
0x78: {  	_ =	shalt  }
0x79: {  	_ =	shalt  }
0x7a: {  	_ =	shalt  }
0x7b: {  	_ =	shalt  }
0x7c: {  	_ =	shalt  }
0x7d: {  	_ =	shalt  }
0x7e: {  	_ =	shalt  }
0x7f: {  	_ =	shalt  }
0x80: {  	_ =	shalt  }
0x81: {  	_ =	shalt  }
0x82: {  	_ =	shalt  }
0x83: {  	_ =	shalt  }
0x84: {  	_ =	shalt  }
0x85: {  	_ =	shalt  }
0x86: {  	_ =	shalt  }
0x87: {  	_ =	shalt  }
.Lfunc_end0:
.L_simem_size_0:
called_computation.2_lowered:
.L_overlay_start_0:
0x88: {  	s2 =	sld [smem:$0x3FD9]  }
0x89: {  	s3 =	sld [smem:$0x3FFE];
	_ =	sdelay $0x1  }
0x8a: {  	s1 =	srdreg.scid  }
0x8b: {  	s0 =	sand.u32 $0x1, s1  }
0x8c: {  	s16 =	sshll.u32 s0, $0xA;
	s2 =	sadd.s32 s3, s2  }
0x8d: {  	s2 =	sadd.s32 s2, s16  }
0x8e: {  	[smem:$0x3FAA] =	sst s2  }
0x8f: {  	_ = 	snop  }
0x90: {  	(tm) =	ssettm $0x1  }
0x91: {  	s17 =	sld [smem:$0x3FFB];
	_ =	sdelay $0x3  }
0x92: {  	_ =	strace s17  }
0x93: {  	s2 =	sld [smem:$0x3FFC];
	_ =	sdelay $0x3  }
0x94: {  	_ =	strace s2  }
0x95: {  	s2 =	sld [smem:$0x3FFD];
	_ =	sdelay $0x3  }
0x96: {  	_ =	strace s2  }
0x97: {  	_ =	strace $0x8FFFFFFF  }
0x98: {  	s18 =	sld [smem:$0x3FDB];
	_ =	sdelay $0x1  }
0x99: {  	s19 =	simm.s32 $_scs_section_size  }
0x9a: {  	s4 =	simm.s32 $_size__tile_overlayer_lowered;
	s5 =	simm.s32 $_tile_overlayer_lowered  }
0x9b: {  	s22 =	simm.s32 $0x1BFF;
	s21 =	sshll.u32 s5, $0x1;
	s2 =	sadd.s32 s19, s18  }
0x9c: {  	s6 =	simm.s32 $0x0;
	s20 =	sshll.u32 s4, $0x1;
	s4 =	sadd.s32 s21, s2  }
0x9d: {  	[timem:s6], [sflag:s22] =	dma.local [hbm:s4], s20  }
0x9e: {  	_ =	swait.ge [sflag:s22], s20  }
0x9f: {  	s3 =	ssub.s32 $0x0, s20;
	[sflag:s22] =	ssyncset.done $0x0  }
0xa0: {  	[sflag:s22] =	ssyncadd.s32 s3;
	_ =	sdelay $0x1  }
0xa1: {  	s23 =	simm.s32 $0x1B8B  }
0xa2: {  	_ =	swait.ge [sflag:s23], $0x1  }
0xa3: {  	[sflag:s23] =	ssyncset.done $0x0  }
0xa4: {  	s25 =	simm.s32 $0x1B8E;
	s24 =	sld [smem:$0x3FFE];
	[sflag:s23] =	ssyncadd.s32 $0xFFFFFFFF  }
0xa5: {  	s26 =	simm.s32 $execute0_lowered;
	[smem:$0x3FD2] =	sst s25  }
0xa6: {  	s4 =	sshll.u32 s26, $0x1;
	_ =	strace $0x8000004C;
	[dreg:$0x1] =	wrdreg $0xFFFFFFFF  }
0xa7: {  	s28 =	simm.s32 $_size_execute0_lowered;
	s2 =	sadd.s32 s2, s4;
	[dreg:$0x0] =	wrdreg $0x0  }
0xa8: {  	s4 =	sshll.u32 s28, $0x1;
	[dreg:$0x2] =	wrdreg s2  }
0xa9: {  	[dreg:$0x3] =	wrdreg s4  }
0xaa: {  	[dreg:$0x4] =	wrdreg $0xC0  }
0xab: {  	_ =	task [dreg:s6], $0x5FFFF  }
0xac: {  	[dreg:$0x1] =	wrdreg $0xFFFFFFFF  }
0xad: {  	[dreg:$0x0] =	wrdreg $0x60  }
0xae: {  	[dreg:$0x2] =	wrdreg s24  }
0xaf: {  	[dreg:$0x3] =	wrdreg $0x0  }
0xb0: {  	[dreg:$0x4] =	wrdreg $0x9  }
0xb1: {  	_ =	task.clear_ibuf [dreg:s6], $0x5FFFF;
	_ =	strace $0x9000004C  }
0xb2: {  	s29 =	simm.s32 $0x9;
	_ =	strace $0x8000004E  }
0xb3: {  	_ =	swait.ge [sflag:s29], $0x1  }
0xb4: {  	[sflag:s29] =	ssyncadd.s32 $0xFFFFFFFF  }
0xb5: {  	_ =	strace $0x9000004E  }
0xb6: {  	_ =	sfence  }
0xb7: {  	s30 =	sld [smem:$0x0];
	_ =	sdelay $0x2  }
0xb8: {  	s31 =	sshll.u32 s1, $0xD;
	s1 =	sshrl.u32 s1, $0x2  }
0xb9: {  	s3 =	sand.u32 $0x4000, s31;
	s1 =	sadd.s32 s1, s30  }
0xba: {  	s0 =	sor.u32 s3, s0;
	s1 =	sshll.u32 s1, $0x11  }
0xbb: {  	s0 =	sor.u32 s1, s0  }
0xbc: {  	s0 =	sadd.s32 $0x8F2B, s0  }
0xbd: {  	[sflag:s0] =	ssyncadd.remote.s32 $0x1  }
0xbe: {  	_ =	sfence.sel $0xFFFF  }
0xbf: {  	[dreg:$0x0] =	wrdreg $0xFFFFFFFF;
	(pc) =	sbr.abs _section_cstart, $3  }
0xc0: {  	[dreg:$0x1] =	wrdreg $0xFFFFFFFF  }
0xc1: {  	_ =	task.clear_ibuf [dreg:s6], $0x2FFFF;
	_ =	strace $0x9FFFFFFF  }
0xc2: {  	(tm) =	ssettm $0x7FFFFFFF  }
0xc3: {  	_ =	shalt  }
tec
execute0_lowered:
.L_overlay_start_1:
0x0: {  	(tag) =	ssettag $0x1  }
0x1: {  	s8 =	rddreg [dreg:$0x0]  }
0x2: {  	s2 =	rddreg [dreg:$0x1]  }
0x3: {  	s0 =	rddreg [dreg:$0x2];
	s3 =	simm.s32 $0x0;
	s1 =	stileid.u32  }
0x4: {  	s4 =	srdreg.scid;
	s16 =	simm.s32 $0x13C80;
	s17 =	simm.s32 $0x50  }
0x5: {  	s18 =	simm.s32 $0x13D00;
	s19 =	simm.s32 $0x16500;
	s20 =	simm.s32 $0x1  }
0x6: {  	s21 =	simm.s32 $0x2;
	s26 =	simm.s32 $0x0;
	[smem:$0x7FF] =	sst s3  }
0x7: {  	s9 =	smul.u32 $0x13C00, s1;
	s10 =	sand.u32 $0x1, s4;
	s4 =	sadd.s32 $0x91C00, s8  }
0x8: {  	s5 =	sadd.s32 $0xB1B400, s8;
	s6 =	sadd.s32 $0x11C00, s8;
	s7 =	sadd.s32 $0x7E00, s8  }
0x9: {  	s14 =	smul.u32 $0x4F000, s1;
	s29 =	sshll.u32 s1, $0x1;
	s31 =	sshll.u32 s1, $0x6  }
0xa: {  	_ =	strace $0x8000004D;
	s11 =	smul.u32 $0x13C000, s10;
	s28 =	ssub.s32 $0x2, s10  }
0xb: {  	s10 =	sor.u32 s10, s29;
	s12 =	sshrl.u32 s9, $0x3;
	s13 =	sshrl.u32 s28, $0x1  }
0xc: {  	s30 =	sshrl.u32 s14, $0x2;
	s10 =	smul.u32 $0x2710, s10;
	s9 =	sadd.s32 s9, s11  }
0xd: {  	s12 =	sadd.s32 s12, s8;
	s13 =	ssub.s32 s28, s13;
	s9 =	sshrl.u32 s9, $0x3  }
0xe: {  	s14 =	sadd.s32 s30, s2;
	s15 =	sadd.s32 s9, s8;
	s8 =	sadd.s32 $0x42C00, s12  }
0xf: {  	s9 =	sor.u32 $0x1C03, s31;
	s12 =	smax.u32 s13, $0x1;
	s13 =	sshrl.u32 s14, $0x3  }
0x10: {  	s14 =	simm.s32 $0x3;
	s11 =	sadd.s32 $0x157400, s15;
	s15 =	simm.s32 $0x13C00  }
.LBB2_1:
0x11: {  	[spmem:s13], [sflag:s9] =	dma.local [hbm:s8], $0x2780  }
0x12: {  	_ =	swait.ge [sflag:s14], $0x2780  }
0x13: {  	[sflag:s14] =	ssyncset.done $0x0  }
0x14: {  	[sflag:s14] =	ssyncadd.s32 $0xFFFFD880  }
0x15: {  	s22 =	simm.s32 $0x0;
	[bflag:$0x0] =	sbarrier.arrive $0xFFFF  }
.LBB2_2:
0x16: {  	s23 =	smul.u32 $0x50, s22;
	_ =	sdelay $0x1  }
0x17: {  	s23 =	sadd.s32 s10, s23  }
0x18: {  	s24 =	sshrl.u32 s23, $0x3  }
0x19: {  	s25 =	sadd.s32 s6, s24  }
0x1a: {  	[tilespmem:s15], [sflag:$0x3] =	stream.linear.gather [hbm4b:s25+s26], $0x50, $0x38;
	[tilespmem:$0x18D00] =	vst v63  }
0x1b: {  	_ =	swait.ge [sflag:s14], $0x50  }
0x1c: {  	[sflag:s14] =	ssyncset.done $0x0  }
0x1d: {  	s24 =	sadd.s32 s7, s24;
	[sflag:s14] =	ssyncadd.s32 $0xFFFFFFB0  }
0x1e: {  	[tilespmem:s16], [sflag:$0x3] =	stream.linear.gather [hbm4b:s24+s26], $0x50, $0x38;
	[tilespmem:$0x18D00] =	vst v63  }
0x1f: {  	_ =	swait.ge [sflag:s14], $0x50  }
0x20: {  	[sflag:s14] =	ssyncset.done $0x0  }
0x21: {  	s23 =	sshll.u32 s23, $0x4;
	[sflag:s14] =	ssyncadd.s32 $0xFFFFFFB0  }
0x22: {  	[tilespmem:s18], [sflag:$0x1] =	stream.indirect.gather [hbm4b:s4+s17], $0x80, s15, s17, $0xb8;
	[tilespmem:$0x18D00] =	vst v63  }
0x23: {  	s23 =	sadd.s32 s5, s23  }
0x24: {  	[tilespmem:s19], [sflag:$0x2] =	stream.linear.gather [hbm4b:s23+s26], $0x2800, $0x38;
	[tilespmem:$0x18D00] =	vst v63  }
0x25: {  	_ =	swait.ge [sflag:s20], $0x2800  }
0x26: {  	[sflag:s20] =	ssyncset.done $0x0  }
0x27: {  	[sflag:s20] =	ssyncadd.s32 $0xFFFFD800  }
0x28: {  	_ =	swait.ge [sflag:s21], $0x2800  }
0x29: {  	[sflag:s21] =	ssyncset.done $0x0  }
0x2a: {  	s23 =	simm.s32 $0x0;
	[sflag:s21] =	ssyncadd.s32 $0xFFFFD800  }
0x2b: {  	v7 =	vld [tilespmem:s23+$0x16500]  }
0x2c: {  	v11 =	vld [tilespmem:s23+$0x16510]  }
0x2d: {  	v5 =	vld [tilespmem:s23+$0x16520]  }
0x2e: {  	v4 =	vld [tilespmem:s23+$0x16530]  }
0x2f: {  	v3 =	vld [tilespmem:s23+$0x16540]  }
0x30: {  	v2 =	vld [tilespmem:s23+$0x16550]  }
0x31: {  	v1 =	vld [tilespmem:s23+$0x16560]  }
0x32: {  	v0 =	vld [tilespmem:s23+$0x16570]  }
0x33: {  	v12 =	vld [tilespmem:s23+$0x13D00]  }
0x34: {  	v13 =	vld [tilespmem:s23+$0x13D10]  }
0x35: {  	v10 =	vld [tilespmem:s23+$0x13D20]  }
0x36: {  	v9 =	vld [tilespmem:s23+$0x13D30]  }
0x37: {  	v8 =	vld [tilespmem:s23+$0x13D40]  }
0x38: {  	v6 =	vld [tilespmem:s23+$0x13D50];
	v12 =	vmul.f32 v7, v12  }
0x39: {  	s24 =	simm.s32 $0x200;
	v11 =	vmul.f32 v11, v13;
	v7 =	vld [tilespmem:s23+$0x13D60]  }
.LBB2_3:
0x3a: {  	s25 =	sshra.s32 s24, $0x2;
	p0 =	sne.s32 s24, $0x9E00;
	[tilespmem:s23+$0x13D00] =	vst v12;
	v5 =	vmul.f32 v5, v10;
	v10 =	vld [tilespmem:s23+$0x13D70]  }
0x3b: {  	v12 =	vld [tilespmem:s25+$0x16500];
	[tilespmem:s23+$0x13D10] =	vst v11;
	v4 =	vmul.f32 v4, v9  }
0x3c: {  	v11 =	vld [tilespmem:s25+$0x16510];
	[tilespmem:s23+$0x13D20] =	vst v5;
	v3 =	vmul.f32 v3, v8  }
0x3d: {  	v5 =	vld [tilespmem:s25+$0x16520];
	[tilespmem:s23+$0x13D30] =	vst v4;
	v2 =	vmul.f32 v2, v6  }
0x3e: {  	v4 =	vld [tilespmem:s25+$0x16530];
	[tilespmem:s23+$0x13D40] =	vst v3;
	v1 =	vmul.f32 v1, v7  }
0x3f: {  	v3 =	vld [tilespmem:s25+$0x16540];
	[tilespmem:s23+$0x13D50] =	vst v2;
	v0 =	vmul.f32 v0, v10  }
0x40: {  	v2 =	vld [tilespmem:s25+$0x16550];
	[tilespmem:s23+$0x13D60] =	vst v1  }
0x41: {  	v1 =	vld [tilespmem:s25+$0x16560];
	[tilespmem:s23+$0x13D70] =	vst v0;
	s23 =	smov.u32 s25  }
0x42: {  	v0 =	vld [tilespmem:s23+$0x16570]  }
0x43: {  	v6 =	vld [tilespmem:s23+$0x13D00]  }
0x44: {  	v7 =	vld [tilespmem:s23+$0x13D10]  }
.Ltmp0:
0x45: {  	v10 =	vld [tilespmem:s23+$0x13D20];
	(pc) =	sbr.rel @p0 .LBB2_3-.Ltmp0, $4  }
0x46: {  	v9 =	vld [tilespmem:s23+$0x13D30]  }
0x47: {  	v8 =	vld [tilespmem:s23+$0x13D40]  }
0x48: {  	v12 =	vmul.f32 v12, v6;
	v6 =	vld [tilespmem:s23+$0x13D50]  }
0x49: {  	s24 =	sadd.s32 $0x200, s24;
	v11 =	vmul.f32 v11, v7;
	v7 =	vld [tilespmem:s23+$0x13D60]  }
0x4a: {  	[tilespmem:s23+$0x13D00] =	vst v12;
	v5 =	vmul.f32 v5, v10;
	v63 =	vld [tilespmem:s23+$0x13D70]  }
0x4b: {  	[tilespmem:s23+$0x13D10] =	vst v11;
	v4 =	vmul.f32 v4, v9  }
0x4c: {  	[tilespmem:s23+$0x13D20] =	vst v5;
	v3 =	vmul.f32 v3, v8  }
0x4d: {  	[tilespmem:s23+$0x13D30] =	vst v4;
	v2 =	vmul.f32 v2, v6  }
0x4e: {  	[tilespmem:s23+$0x13D40] =	vst v3;
	v1 =	vmul.f32 v1, v7  }
0x4f: {  	s22 =	sadd.s32 $0x1, s22;
	[tilespmem:s23+$0x13D50] =	vst v2;
	v0 =	vmul.f32 v0, v63  }
0x50: {  	p0 =	sne.s32 s22, $0x7D;
	[tilespmem:s23+$0x13D60] =	vst v1  }
.Ltmp1:
0x51: {  	[tilespmem:s23+$0x13D70] =	vst v0;
	(pc) =	sbr.rel @p0 .LBB2_2-.Ltmp1, $4  }
0x52: {  	[spmem:s2] =	stream.indirect.scatter.add.f32 [tilespmem:s18], [sflag:$0x3], $0x80, s16, s17, $0xb8;
	[tilespmem:$0x18D00] =	vst v63  }
0x53: {  	_ =	swait.ge [sflag:s14], $0x2800  }
0x54: {  	[sflag:s14] =	ssyncset.done $0x0  }
0x55: {  	[sflag:s14] =	ssyncadd.s32 $0xFFFFD800  }
0x56: {  	s3 =	sadd.s32 $0x1, s3  }
0x57: {  	p0 =	sne.s32 s3, s12  }
.Ltmp2:
0x58: {  	[bflag:$0x0] =	sbarrier.arrive $0xFFFF;
	(pc) =	sbr.rel @p0 .LBB2_1-.Ltmp2, $4  }
0x59: {  	[hbm:s11], [sflag:s9] =	dma.local [spmem:s13], $0x2780  }
0x5a: {  	_ =	swait.ge [sflag:s14], $0x2780  }
0x5b: {  	[sflag:s14] =	ssyncset.done $0x0  }
0x5c: {  	[sflag:s14] =	ssyncadd.s32 $0xFFFFD880  }
0x5d: {  	_ =	sfence.sel $0x180000  }
0x5e: {  	[bflag:$0x0] =	sbarrier.arrive $0xFFFF  }
0x5f: {  	p0 =	sne.s32 s1, $0x0;
	_ =	strace $0x9000004D  }
0x60: {  	s0 =	sadd.s32 @!p0 $0x100000, s0;
	[bflag:$0x2] =	sbarrier.arrive $0xFFFF  }
0x61: {  	[sflag:s0] =	ssyncadd.tile.s32 @!p0 $0x1;
	_ =	shalt  }
.Lfunc_end2:
_tile_overlayer_lowered:
.L_overlay_start_2:
0x62: {  	(tag) =	ssettag $0x2  }
0x63: {  	s0 =	rddreg [dreg:$0x0];
	s2 =	stileid.u32  }
0x64: {  	s1 =	rddreg [dreg:$0x1];
	p0 =	sne.s32 s2, $0x0  }
0x65: {  	s3 =	rddreg [dreg:$0x2];
	[bflag:$0x3] =	sbarrier.arrive $0xFFFF;
	s2 =	simm.s32 @!p0 $0x1C03  }
0x66: {  	[timem:s3], [sflag:s2] =	dma.local @!p0 [hbm:s0], s1  }
0x67: {  	s0 =	simm.s32 @!p0 $0x3  }
0x68: {  	_ =	swait.ge @!p0 [sflag:s0], s1  }
0x69: {  	s1 =	ssub.s32 @!p0 $0x0, s1;
	[sflag:s0] =	ssyncset.done @!p0 $0x0  }
0x6a: {  	[sflag:s0] =	ssyncadd.s32 @!p0 s1  }
0x6b: {  	[bflag:$0x3] =	sbarrier.arrive $0xFFFF  }
0x6c: {  	_ =	shalt  }

// kernel: kernel.22.cloned.1.call-start
scs
__scs_entry_jumppad:
0x0: {  	(pc) =	sbr.rel $0x88, $3  }
0x1: {  	(tag) =	ssettag $0x0;
	lr =	simm.s32 $0x1  }
0x2: {  	[smem:$0x3F83] =	sst lr;
	_ =	strace $0xD0000000  }
0x3: {  	_ = 	snop  }
0x4: {  	_ = 	snop  }
0x5: {  	_ = 	snop  }
0x6: {  	_ = 	snop  }
0x7: {  	_ = 	snop  }
__scs_overlays_trampoline_lowered:
0x8: {  	[smem:$0x3F92] =	sst s0  }
0x9: {  	[smem:$0x3F93] =	sst s1  }
0xa: {  	[smem:$0x3F94] =	sst s2  }
0xb: {  	[smem:$0x3F95] =	sst s3  }
0xc: {  	[smem:$0x3F96] =	sst s4  }
0xd: {  	[smem:$0x3F97] =	sst s5  }
0xe: {  	[smem:$0x3F98] =	sst s6  }
0xf: {  	[smem:$0x3F99] =	sst s7  }
0x10: {  	[smem:$0x3F9A] =	sst s8  }
0x11: {  	[smem:$0x3F9B] =	sst s9;
	s0 =	simm.s32 @!p0 $0x0  }
0x12: {  	s1 =	sld [smem:$0x3F81];
	s0 =	simm.s32 @p0 $0x1  }
0x13: {  	[smem:$0x3F9C] =	sst s0;
	s0 =	simm.s32 @!p1 $0x0  }
0x14: {  	s2 =	sld [smem:$0x3F80];
	s0 =	simm.s32 @p1 $0x1  }
0x15: {  	[smem:$0x3F9D] =	sst s0;
	s0 =	simm.s32 @!p2 $0x0  }
0x16: {  	s3 =	sld [smem:$0x3FDB];
	s0 =	simm.s32 @p2 $0x1  }
0x17: {  	s4 =	simm.s32 $0x1BF5;
	[smem:$0x3F9F] =	sst s0  }
0x18: {  	s0 =	sld [smem:$0x3F82];
	_ =	swait.ge [sflag:s4], $0x0  }
0x19: {  	s7 =	sld [smem:$0x3F83]  }
0x1a: {  	s8 =	sadd.s32 $0xFFFFE003, lr  }
0x1b: {  	s9 =	sadd.s32 $0xFFFFFEF7, lr;
	s5 =	simm.s32 $0xFFFFFFFF;
	p2 =	slt.u32 s8, $0xFFFFF086  }
0x1c: {  	p1 =	slt.u32 s9, $0xF7A;
	s5 =	simm.s32 @!p2 $0x0  }
0x1d: {  	s5 =	simm.s32 @p1 $0x1;
	p0 =	seq.s32 s7, s2  }
0x1e: {  	s7 =	smul.u32 @!p0 $0xF7A, s2;
	p2 =	seq.s32 @!p0 s5, $0x0  }
0x1f: {  	s9 =	smul.u32 $0xF7A, s1;
	s8 =	simm.s32 @!p0 $0x1BF5;
	p2 =	por !p2, p0  }
0x20: {  	[sflag:s8] =	ssyncset.s32 @!p0 $0xFFFFF086;
	s6 =	sadd.s32 @!p0 s3, s7;
	s7 =	simm.s32 @!p0 $0x108  }
0x21: {  	s3 =	sadd.s32 s3, s9;
	s6 =	sadd.s32 @!p0 $0x88, s6;
	s7 =	simm.s32 @p2 $0x1082  }
0x22: {  	[simem:s7], [sflag:s8] =	dma.local @!p0 [hbm:s6], $0xF7A  }
0x23: {  	s9 =	sor.u32 $0xD0000000, s2;
	s6 =	simm.s32 $0x108;
	_ =	swait.ge @!p0 [sflag:s8], $0x0  }
0x24: {  	s3 =	sadd.s32 $0x88, s3;
	s6 =	simm.s32 @!p1 $0x1082;
	[sflag:s4] =	ssyncset.s32 $0xFFFFF086  }
0x25: {  	[simem:s6], [sflag:s4] =	dma.local [hbm:s3], $0xF7A  }
0x26: {  	[smem:$0x3F83] =	sst s1;
	(tag) =	ssettag s2;
	_ =	strace s9  }
0x27: {  	s1 =	sld [smem:$0x3F93]  }
0x28: {  	s2 =	sld [smem:$0x3F94]  }
0x29: {  	s4 =	sld [smem:$0x3F96]  }
0x2a: {  	p0 =	seq.s32 s5, $0x0;
	s5 =	sld [smem:$0x3F97]  }
0x2b: {  	s6 =	sld [smem:$0x3F98]  }
0x2c: {  	s7 =	sld [smem:$0x3F99]  }
0x2d: {  	s3 =	simm.s32 $0x108;
	s8 =	sld [smem:$0x3F9A]  }
0x2e: {  	s3 =	simm.s32 @!p0 $0x1082;
	s9 =	sld [smem:$0x3F9B]  }
0x2f: {  	lr =	sadd.s32 s0, s3;
	s0 =	sld [smem:$0x3F92]  }
0x30: {  	s3 =	sld [smem:$0x3F95]  }
0x31: {  	[smem:$0x3F9E] =	sst s10  }
0x32: {  	s10 =	sld [smem:$0x3F9C];
	_ =	sdelay $0x3  }
0x33: {  	p0 =	seq.s32 s10, $0x1;
	s10 =	sld [smem:$0x3F9E];
	_ =	sdelay $0x3  }
0x34: {  	[smem:$0x3F9E] =	sst s10  }
0x35: {  	s10 =	sld [smem:$0x3F9D];
	_ =	sdelay $0x3  }
0x36: {  	p1 =	seq.s32 s10, $0x1;
	s10 =	sld [smem:$0x3F9E];
	_ =	sdelay $0x3  }
0x37: {  	[smem:$0x3F9E] =	sst s10  }
0x38: {  	s10 =	sld [smem:$0x3F9F]  }
0x39: {  	_ = 	snop;
	(pc) =	sbr.ind lr, $3  }
0x3a: {  	_ = 	snop  }
0x3b: {  	_ = 	snop  }
0x3c: {  	p2 =	seq.s32 s10, $0x1;
	s10 =	sld [smem:$0x3F9E]  }
0x3d: {  	_ =	shalt  }
0x3e: {  	_ =	shalt  }
0x3f: {  	_ =	shalt  }
0x40: {  	_ =	shalt  }
0x41: {  	_ =	shalt  }
0x42: {  	_ =	shalt  }
0x43: {  	_ =	shalt  }
0x44: {  	_ =	shalt  }
0x45: {  	_ =	shalt  }
0x46: {  	_ =	shalt  }
0x47: {  	_ =	shalt  }
0x48: {  	_ =	shalt  }
0x49: {  	_ =	shalt  }
0x4a: {  	_ =	shalt  }
0x4b: {  	_ =	shalt  }
0x4c: {  	_ =	shalt  }
0x4d: {  	_ =	shalt  }
0x4e: {  	_ =	shalt  }
0x4f: {  	_ =	shalt  }
0x50: {  	_ =	shalt  }
0x51: {  	_ =	shalt  }
0x52: {  	_ =	shalt  }
0x53: {  	_ =	shalt  }
0x54: {  	_ =	shalt  }
0x55: {  	_ =	shalt  }
0x56: {  	_ =	shalt  }
0x57: {  	_ =	shalt  }
0x58: {  	_ =	shalt  }
0x59: {  	_ =	shalt  }
0x5a: {  	_ =	shalt  }
0x5b: {  	_ =	shalt  }
0x5c: {  	_ =	shalt  }
0x5d: {  	_ =	shalt  }
0x5e: {  	_ =	shalt  }
0x5f: {  	_ =	shalt  }
0x60: {  	_ =	shalt  }
0x61: {  	_ =	shalt  }
0x62: {  	_ =	shalt  }
0x63: {  	_ =	shalt  }
0x64: {  	_ =	shalt  }
0x65: {  	_ =	shalt  }
0x66: {  	_ =	shalt  }
0x67: {  	_ =	shalt  }
0x68: {  	_ =	shalt  }
0x69: {  	_ =	shalt  }
0x6a: {  	_ =	shalt  }
0x6b: {  	_ =	shalt  }
0x6c: {  	_ =	shalt  }
0x6d: {  	_ =	shalt  }
0x6e: {  	_ =	shalt  }
0x6f: {  	_ =	shalt  }
0x70: {  	_ =	shalt  }
0x71: {  	_ =	shalt  }
0x72: {  	_ =	shalt  }
0x73: {  	_ =	shalt  }
0x74: {  	_ =	shalt  }
0x75: {  	_ =	shalt  }
0x76: {  	_ =	shalt  }
0x77: {  	_ =	shalt  }
0x78: {  	_ =	shalt  }
0x79: {  	_ =	shalt  }
0x7a: {  	_ =	shalt  }
0x7b: {  	_ =	shalt  }
0x7c: {  	_ =	shalt  }
0x7d: {  	_ =	shalt  }
0x7e: {  	_ =	shalt  }
0x7f: {  	_ =	shalt  }
0x80: {  	_ =	shalt  }
0x81: {  	_ =	shalt  }
0x82: {  	_ =	shalt  }
0x83: {  	_ =	shalt  }
0x84: {  	_ =	shalt  }
0x85: {  	_ =	shalt  }
0x86: {  	_ =	shalt  }
0x87: {  	_ =	shalt  }
.Lfunc_end0:
.L_simem_size_0:
called_computation.3_lowered:
.L_overlay_start_0:
0x88: {  	s2 =	sld [smem:$0x3FD9]  }
0x89: {  	s3 =	sld [smem:$0x3FFE];
	_ =	sdelay $0x1  }
0x8a: {  	s1 =	srdreg.scid  }
0x8b: {  	s0 =	sand.u32 $0x1, s1  }
0x8c: {  	s16 =	sshll.u32 s0, $0xA;
	s2 =	sadd.s32 s3, s2  }
0x8d: {  	s2 =	sadd.s32 s2, s16  }
0x8e: {  	[smem:$0x3FAA] =	sst s2  }
0x8f: {  	_ = 	snop  }
0x90: {  	(tm) =	ssettm $0x1  }
0x91: {  	s17 =	sld [smem:$0x3FFB];
	_ =	sdelay $0x3  }
0x92: {  	_ =	strace s17  }
0x93: {  	s2 =	sld [smem:$0x3FFC];
	_ =	sdelay $0x3  }
0x94: {  	_ =	strace s2  }
0x95: {  	s2 =	sld [smem:$0x3FFD];
	_ =	sdelay $0x3  }
0x96: {  	_ =	strace s2  }
0x97: {  	_ =	strace $0x8FFFFFFF  }
0x98: {  	s18 =	sld [smem:$0x3FDB];
	_ =	sdelay $0x1  }
0x99: {  	s19 =	simm.s32 $_scs_section_size  }
0x9a: {  	s4 =	simm.s32 $_size__tile_overlayer_lowered;
	s5 =	simm.s32 $_tile_overlayer_lowered  }
0x9b: {  	s22 =	simm.s32 $0x1BFF;
	s21 =	sshll.u32 s5, $0x1;
	s2 =	sadd.s32 s19, s18  }
0x9c: {  	s6 =	simm.s32 $0x0;
	s20 =	sshll.u32 s4, $0x1;
	s4 =	sadd.s32 s21, s2  }
0x9d: {  	[timem:s6], [sflag:s22] =	dma.local [hbm:s4], s20  }
0x9e: {  	_ =	swait.ge [sflag:s22], s20  }
0x9f: {  	s3 =	ssub.s32 $0x0, s20;
	[sflag:s22] =	ssyncset.done $0x0  }
0xa0: {  	[sflag:s22] =	ssyncadd.s32 s3;
	_ =	sdelay $0x1  }
0xa1: {  	s23 =	simm.s32 $0x1B8B  }
0xa2: {  	_ =	swait.ge [sflag:s23], $0x1  }
0xa3: {  	[sflag:s23] =	ssyncset.done $0x0  }
0xa4: {  	s25 =	simm.s32 $0x1B8E;
	s24 =	sld [smem:$0x3FFE];
	[sflag:s23] =	ssyncadd.s32 $0xFFFFFFFF  }
0xa5: {  	s26 =	simm.s32 $execute0_lowered;
	[smem:$0x3FD2] =	sst s25  }
0xa6: {  	s4 =	sshll.u32 s26, $0x1;
	_ =	strace $0x8000004F;
	[dreg:$0x1] =	wrdreg $0xFFFFFFFF  }
0xa7: {  	s28 =	simm.s32 $_size_execute0_lowered;
	s2 =	sadd.s32 s2, s4;
	[dreg:$0x0] =	wrdreg $0x0  }
0xa8: {  	s4 =	sshll.u32 s28, $0x1;
	[dreg:$0x2] =	wrdreg s2  }
0xa9: {  	[dreg:$0x3] =	wrdreg s4  }
0xaa: {  	[dreg:$0x4] =	wrdreg $0xC0  }
0xab: {  	_ =	task [dreg:s6], $0x5FFFF  }
0xac: {  	[dreg:$0x1] =	wrdreg $0xFFFFFFFF  }
0xad: {  	[dreg:$0x0] =	wrdreg $0x60  }
0xae: {  	[dreg:$0x2] =	wrdreg s24  }
0xaf: {  	[dreg:$0x3] =	wrdreg $0x0  }
0xb0: {  	[dreg:$0x4] =	wrdreg $0x9  }
0xb1: {  	_ =	task.clear_ibuf [dreg:s6], $0x5FFFF;
	_ =	strace $0x9000004F  }
0xb2: {  	s29 =	simm.s32 $0x9;
	_ =	strace $0x80000051  }
0xb3: {  	_ =	swait.ge [sflag:s29], $0x1  }
0xb4: {  	[sflag:s29] =	ssyncadd.s32 $0xFFFFFFFF  }
0xb5: {  	_ =	strace $0x90000051  }
0xb6: {  	_ =	sfence  }
0xb7: {  	s30 =	sld [smem:$0x0];
	_ =	sdelay $0x2  }
0xb8: {  	s31 =	sshll.u32 s1, $0xD;
	s1 =	sshrl.u32 s1, $0x2  }
0xb9: {  	s3 =	sand.u32 $0x4000, s31;
	s1 =	sadd.s32 s1, s30  }
0xba: {  	s0 =	sor.u32 s3, s0;
	s1 =	sshll.u32 s1, $0x11  }
0xbb: {  	s0 =	sor.u32 s1, s0  }
0xbc: {  	s0 =	sadd.s32 $0x8F2B, s0  }
0xbd: {  	[sflag:s0] =	ssyncadd.remote.s32 $0x1  }
0xbe: {  	_ =	sfence.sel $0xFFFF  }
0xbf: {  	[dreg:$0x0] =	wrdreg $0xFFFFFFFF;
	(pc) =	sbr.abs _section_cstart, $3  }
0xc0: {  	[dreg:$0x1] =	wrdreg $0xFFFFFFFF  }
0xc1: {  	_ =	task.clear_ibuf [dreg:s6], $0x2FFFF;
	_ =	strace $0x9FFFFFFF  }
0xc2: {  	(tm) =	ssettm $0x7FFFFFFF  }
0xc3: {  	_ =	shalt  }
tec
execute0_lowered:
.L_overlay_start_1:
0x0: {  	(tag) =	ssettag $0x1  }
0x1: {  	s8 =	rddreg [dreg:$0x0]  }
0x2: {  	s2 =	rddreg [dreg:$0x1]  }
0x3: {  	s0 =	rddreg [dreg:$0x2];
	s3 =	simm.s32 $0x0;
	s1 =	stileid.u32  }
0x4: {  	s4 =	srdreg.scid;
	s16 =	simm.s32 $0x13C80;
	s17 =	simm.s32 $0x50  }
0x5: {  	s18 =	simm.s32 $0x13D00;
	s19 =	simm.s32 $0x16500;
	s20 =	simm.s32 $0x1  }
0x6: {  	s21 =	simm.s32 $0x2;
	s26 =	simm.s32 $0x0;
	[smem:$0x7FF] =	sst s3  }
0x7: {  	s9 =	smul.u32 $0x13C00, s1;
	s10 =	sand.u32 $0x1, s4;
	s4 =	sadd.s32 $0x91C00, s8  }
0x8: {  	s5 =	sadd.s32 $0xFFD400, s8;
	s6 =	sadd.s32 $0x11C00, s8;
	s7 =	sadd.s32 $0x7E00, s8  }
0x9: {  	s14 =	smul.u32 $0x4F000, s1;
	s29 =	sshll.u32 s1, $0x1;
	s31 =	sshll.u32 s1, $0x6  }
0xa: {  	_ =	strace $0x80000050;
	s11 =	smul.u32 $0x13C000, s10;
	s28 =	ssub.s32 $0x2, s10  }
0xb: {  	s10 =	sor.u32 s10, s29;
	s12 =	sshrl.u32 s9, $0x3;
	s13 =	sshrl.u32 s28, $0x1  }
0xc: {  	s30 =	sshrl.u32 s14, $0x2;
	s10 =	smul.u32 $0x2710, s10;
	s9 =	sadd.s32 s9, s11  }
0xd: {  	s12 =	sadd.s32 s12, s8;
	s13 =	ssub.s32 s28, s13;
	s9 =	sshrl.u32 s9, $0x3  }
0xe: {  	s14 =	sadd.s32 s30, s2;
	s15 =	sadd.s32 s9, s8;
	s8 =	sadd.s32 $0x42C00, s12  }
0xf: {  	s9 =	sor.u32 $0x1C03, s31;
	s12 =	smax.u32 s13, $0x1;
	s13 =	sshrl.u32 s14, $0x3  }
0x10: {  	s14 =	simm.s32 $0x3;
	s11 =	sadd.s32 $0xB9400, s15;
	s15 =	simm.s32 $0x13C00  }
.LBB2_1:
0x11: {  	[spmem:s13], [sflag:s9] =	dma.local [hbm:s8], $0x2780  }
0x12: {  	_ =	swait.ge [sflag:s14], $0x2780  }
0x13: {  	[sflag:s14] =	ssyncset.done $0x0  }
0x14: {  	[sflag:s14] =	ssyncadd.s32 $0xFFFFD880  }
0x15: {  	s22 =	simm.s32 $0x0;
	[bflag:$0x0] =	sbarrier.arrive $0xFFFF  }
.LBB2_2:
0x16: {  	s23 =	smul.u32 $0x50, s22;
	_ =	sdelay $0x1  }
0x17: {  	s23 =	sadd.s32 s10, s23  }
0x18: {  	s24 =	sshrl.u32 s23, $0x3  }
0x19: {  	s25 =	sadd.s32 s6, s24  }
0x1a: {  	[tilespmem:s15], [sflag:$0x3] =	stream.linear.gather [hbm4b:s25+s26], $0x50, $0x38;
	[tilespmem:$0x18D00] =	vst v63  }
0x1b: {  	_ =	swait.ge [sflag:s14], $0x50  }
0x1c: {  	[sflag:s14] =	ssyncset.done $0x0  }
0x1d: {  	s24 =	sadd.s32 s7, s24;
	[sflag:s14] =	ssyncadd.s32 $0xFFFFFFB0  }
0x1e: {  	[tilespmem:s16], [sflag:$0x3] =	stream.linear.gather [hbm4b:s24+s26], $0x50, $0x38;
	[tilespmem:$0x18D00] =	vst v63  }
0x1f: {  	_ =	swait.ge [sflag:s14], $0x50  }
0x20: {  	[sflag:s14] =	ssyncset.done $0x0  }
0x21: {  	s23 =	sshll.u32 s23, $0x4;
	[sflag:s14] =	ssyncadd.s32 $0xFFFFFFB0  }
0x22: {  	[tilespmem:s18], [sflag:$0x1] =	stream.indirect.gather [hbm4b:s4+s17], $0x80, s15, s17, $0xb8;
	[tilespmem:$0x18D00] =	vst v63  }
0x23: {  	s23 =	sadd.s32 s5, s23  }
0x24: {  	[tilespmem:s19], [sflag:$0x2] =	stream.linear.gather [hbm4b:s23+s26], $0x2800, $0x38;
	[tilespmem:$0x18D00] =	vst v63  }
0x25: {  	_ =	swait.ge [sflag:s20], $0x2800  }
0x26: {  	[sflag:s20] =	ssyncset.done $0x0  }
0x27: {  	[sflag:s20] =	ssyncadd.s32 $0xFFFFD800  }
0x28: {  	_ =	swait.ge [sflag:s21], $0x2800  }
0x29: {  	[sflag:s21] =	ssyncset.done $0x0  }
0x2a: {  	s23 =	simm.s32 $0x0;
	[sflag:s21] =	ssyncadd.s32 $0xFFFFD800  }
0x2b: {  	v7 =	vld [tilespmem:s23+$0x16500]  }
0x2c: {  	v11 =	vld [tilespmem:s23+$0x16510]  }
0x2d: {  	v5 =	vld [tilespmem:s23+$0x16520]  }
0x2e: {  	v4 =	vld [tilespmem:s23+$0x16530]  }
0x2f: {  	v3 =	vld [tilespmem:s23+$0x16540]  }
0x30: {  	v2 =	vld [tilespmem:s23+$0x16550]  }
0x31: {  	v1 =	vld [tilespmem:s23+$0x16560]  }
0x32: {  	v0 =	vld [tilespmem:s23+$0x16570]  }
0x33: {  	v12 =	vld [tilespmem:s23+$0x13D00]  }
0x34: {  	v13 =	vld [tilespmem:s23+$0x13D10]  }
0x35: {  	v10 =	vld [tilespmem:s23+$0x13D20]  }
0x36: {  	v9 =	vld [tilespmem:s23+$0x13D30]  }
0x37: {  	v8 =	vld [tilespmem:s23+$0x13D40]  }
0x38: {  	v6 =	vld [tilespmem:s23+$0x13D50];
	v12 =	vmul.f32 v7, v12  }
0x39: {  	s24 =	simm.s32 $0x200;
	v11 =	vmul.f32 v11, v13;
	v7 =	vld [tilespmem:s23+$0x13D60]  }
.LBB2_3:
0x3a: {  	s25 =	sshra.s32 s24, $0x2;
	p0 =	sne.s32 s24, $0x9E00;
	[tilespmem:s23+$0x13D00] =	vst v12;
	v5 =	vmul.f32 v5, v10;
	v10 =	vld [tilespmem:s23+$0x13D70]  }
0x3b: {  	v12 =	vld [tilespmem:s25+$0x16500];
	[tilespmem:s23+$0x13D10] =	vst v11;
	v4 =	vmul.f32 v4, v9  }
0x3c: {  	v11 =	vld [tilespmem:s25+$0x16510];
	[tilespmem:s23+$0x13D20] =	vst v5;
	v3 =	vmul.f32 v3, v8  }
0x3d: {  	v5 =	vld [tilespmem:s25+$0x16520];
	[tilespmem:s23+$0x13D30] =	vst v4;
	v2 =	vmul.f32 v2, v6  }
0x3e: {  	v4 =	vld [tilespmem:s25+$0x16530];
	[tilespmem:s23+$0x13D40] =	vst v3;
	v1 =	vmul.f32 v1, v7  }
0x3f: {  	v3 =	vld [tilespmem:s25+$0x16540];
	[tilespmem:s23+$0x13D50] =	vst v2;
	v0 =	vmul.f32 v0, v10  }
0x40: {  	v2 =	vld [tilespmem:s25+$0x16550];
	[tilespmem:s23+$0x13D60] =	vst v1  }
0x41: {  	v1 =	vld [tilespmem:s25+$0x16560];
	[tilespmem:s23+$0x13D70] =	vst v0;
	s23 =	smov.u32 s25  }
0x42: {  	v0 =	vld [tilespmem:s23+$0x16570]  }
0x43: {  	v6 =	vld [tilespmem:s23+$0x13D00]  }
0x44: {  	v7 =	vld [tilespmem:s23+$0x13D10]  }
.Ltmp0:
0x45: {  	v10 =	vld [tilespmem:s23+$0x13D20];
	(pc) =	sbr.rel @p0 .LBB2_3-.Ltmp0, $4  }
0x46: {  	v9 =	vld [tilespmem:s23+$0x13D30]  }
0x47: {  	v8 =	vld [tilespmem:s23+$0x13D40]  }
0x48: {  	v12 =	vmul.f32 v12, v6;
	v6 =	vld [tilespmem:s23+$0x13D50]  }
0x49: {  	s24 =	sadd.s32 $0x200, s24;
	v11 =	vmul.f32 v11, v7;
	v7 =	vld [tilespmem:s23+$0x13D60]  }
0x4a: {  	[tilespmem:s23+$0x13D00] =	vst v12;
	v5 =	vmul.f32 v5, v10;
	v63 =	vld [tilespmem:s23+$0x13D70]  }
0x4b: {  	[tilespmem:s23+$0x13D10] =	vst v11;
	v4 =	vmul.f32 v4, v9  }
0x4c: {  	[tilespmem:s23+$0x13D20] =	vst v5;
	v3 =	vmul.f32 v3, v8  }
0x4d: {  	[tilespmem:s23+$0x13D30] =	vst v4;
	v2 =	vmul.f32 v2, v6  }
0x4e: {  	[tilespmem:s23+$0x13D40] =	vst v3;
	v1 =	vmul.f32 v1, v7  }
0x4f: {  	s22 =	sadd.s32 $0x1, s22;
	[tilespmem:s23+$0x13D50] =	vst v2;
	v0 =	vmul.f32 v0, v63  }
0x50: {  	p0 =	sne.s32 s22, $0x7D;
	[tilespmem:s23+$0x13D60] =	vst v1  }
.Ltmp1:
0x51: {  	[tilespmem:s23+$0x13D70] =	vst v0;
	(pc) =	sbr.rel @p0 .LBB2_2-.Ltmp1, $4  }
0x52: {  	[spmem:s2] =	stream.indirect.scatter.add.f32 [tilespmem:s18], [sflag:$0x3], $0x80, s16, s17, $0xb8;
	[tilespmem:$0x18D00] =	vst v63  }
0x53: {  	_ =	swait.ge [sflag:s14], $0x2800  }
0x54: {  	[sflag:s14] =	ssyncset.done $0x0  }
0x55: {  	[sflag:s14] =	ssyncadd.s32 $0xFFFFD800  }
0x56: {  	s3 =	sadd.s32 $0x1, s3  }
0x57: {  	p0 =	sne.s32 s3, s12  }
.Ltmp2:
0x58: {  	[bflag:$0x0] =	sbarrier.arrive $0xFFFF;
	(pc) =	sbr.rel @p0 .LBB2_1-.Ltmp2, $4  }
0x59: {  	[hbm:s11], [sflag:s9] =	dma.local [spmem:s13], $0x2780  }
0x5a: {  	_ =	swait.ge [sflag:s14], $0x2780  }
0x5b: {  	[sflag:s14] =	ssyncset.done $0x0  }
0x5c: {  	[sflag:s14] =	ssyncadd.s32 $0xFFFFD880  }
0x5d: {  	_ =	sfence.sel $0x180000  }
0x5e: {  	[bflag:$0x0] =	sbarrier.arrive $0xFFFF  }
0x5f: {  	p0 =	sne.s32 s1, $0x0;
	_ =	strace $0x90000050  }
0x60: {  	s0 =	sadd.s32 @!p0 $0x100000, s0;
	[bflag:$0x2] =	sbarrier.arrive $0xFFFF  }
0x61: {  	[sflag:s0] =	ssyncadd.tile.s32 @!p0 $0x1;
	_ =	shalt  }
.Lfunc_end2:
_tile_overlayer_lowered:
.L_overlay_start_2:
0x62: {  	(tag) =	ssettag $0x2  }
0x63: {  	s0 =	rddreg [dreg:$0x0];
	s2 =	stileid.u32  }
0x64: {  	s1 =	rddreg [dreg:$0x1];
	p0 =	sne.s32 s2, $0x0  }
0x65: {  	s3 =	rddreg [dreg:$0x2];
	[bflag:$0x3] =	sbarrier.arrive $0xFFFF;
	s2 =	simm.s32 @!p0 $0x1C03  }
0x66: {  	[timem:s3], [sflag:s2] =	dma.local @!p0 [hbm:s0], s1  }
0x67: {  	s0 =	simm.s32 @!p0 $0x3  }
0x68: {  	_ =	swait.ge @!p0 [sflag:s0], s1  }
0x69: {  	s1 =	ssub.s32 @!p0 $0x0, s1;
	[sflag:s0] =	ssyncset.done @!p0 $0x0  }
0x6a: {  	[sflag:s0] =	ssyncadd.s32 @!p0 s1  }
0x6b: {  	[bflag:$0x3] =	sbarrier.arrive $0xFFFF  }
0x6c: {  	_ =	shalt  }

// kernel: kernel.25.cloned.1.call-start
scs
__scs_entry_jumppad:
0x0: {  	(pc) =	sbr.rel $0x88, $3  }
0x1: {  	(tag) =	ssettag $0x0;
	lr =	simm.s32 $0x1  }
0x2: {  	[smem:$0x3F83] =	sst lr;
	_ =	strace $0xD0000000  }
0x3: {  	_ = 	snop  }
0x4: {  	_ = 	snop  }
0x5: {  	_ = 	snop  }
0x6: {  	_ = 	snop  }
0x7: {  	_ = 	snop  }
__scs_overlays_trampoline_lowered:
0x8: {  	[smem:$0x3F92] =	sst s0  }
0x9: {  	[smem:$0x3F93] =	sst s1  }
0xa: {  	[smem:$0x3F94] =	sst s2  }
0xb: {  	[smem:$0x3F95] =	sst s3  }
0xc: {  	[smem:$0x3F96] =	sst s4  }
0xd: {  	[smem:$0x3F97] =	sst s5  }
0xe: {  	[smem:$0x3F98] =	sst s6  }
0xf: {  	[smem:$0x3F99] =	sst s7  }
0x10: {  	[smem:$0x3F9A] =	sst s8  }
0x11: {  	[smem:$0x3F9B] =	sst s9;
	s0 =	simm.s32 @!p0 $0x0  }
0x12: {  	s1 =	sld [smem:$0x3F81];
	s0 =	simm.s32 @p0 $0x1  }
0x13: {  	[smem:$0x3F9C] =	sst s0;
	s0 =	simm.s32 @!p1 $0x0  }
0x14: {  	s2 =	sld [smem:$0x3F80];
	s0 =	simm.s32 @p1 $0x1  }
0x15: {  	[smem:$0x3F9D] =	sst s0;
	s0 =	simm.s32 @!p2 $0x0  }
0x16: {  	s3 =	sld [smem:$0x3FDB];
	s0 =	simm.s32 @p2 $0x1  }
0x17: {  	s4 =	simm.s32 $0x1BF5;
	[smem:$0x3F9F] =	sst s0  }
0x18: {  	s0 =	sld [smem:$0x3F82];
	_ =	swait.ge [sflag:s4], $0x0  }
0x19: {  	s7 =	sld [smem:$0x3F83]  }
0x1a: {  	s8 =	sadd.s32 $0xFFFFE003, lr  }
0x1b: {  	s9 =	sadd.s32 $0xFFFFFEF7, lr;
	s5 =	simm.s32 $0xFFFFFFFF;
	p2 =	slt.u32 s8, $0xFFFFF086  }
0x1c: {  	p1 =	slt.u32 s9, $0xF7A;
	s5 =	simm.s32 @!p2 $0x0  }
0x1d: {  	s5 =	simm.s32 @p1 $0x1;
	p0 =	seq.s32 s7, s2  }
0x1e: {  	s7 =	smul.u32 @!p0 $0xF7A, s2;
	p2 =	seq.s32 @!p0 s5, $0x0  }
0x1f: {  	s9 =	smul.u32 $0xF7A, s1;
	s8 =	simm.s32 @!p0 $0x1BF5;
	p2 =	por !p2, p0  }
0x20: {  	[sflag:s8] =	ssyncset.s32 @!p0 $0xFFFFF086;
	s6 =	sadd.s32 @!p0 s3, s7;
	s7 =	simm.s32 @!p0 $0x108  }
0x21: {  	s3 =	sadd.s32 s3, s9;
	s6 =	sadd.s32 @!p0 $0x88, s6;
	s7 =	simm.s32 @p2 $0x1082  }
0x22: {  	[simem:s7], [sflag:s8] =	dma.local @!p0 [hbm:s6], $0xF7A  }
0x23: {  	s9 =	sor.u32 $0xD0000000, s2;
	s6 =	simm.s32 $0x108;
	_ =	swait.ge @!p0 [sflag:s8], $0x0  }
0x24: {  	s3 =	sadd.s32 $0x88, s3;
	s6 =	simm.s32 @!p1 $0x1082;
	[sflag:s4] =	ssyncset.s32 $0xFFFFF086  }
0x25: {  	[simem:s6], [sflag:s4] =	dma.local [hbm:s3], $0xF7A  }
0x26: {  	[smem:$0x3F83] =	sst s1;
	(tag) =	ssettag s2;
	_ =	strace s9  }
0x27: {  	s1 =	sld [smem:$0x3F93]  }
0x28: {  	s2 =	sld [smem:$0x3F94]  }
0x29: {  	s4 =	sld [smem:$0x3F96]  }
0x2a: {  	p0 =	seq.s32 s5, $0x0;
	s5 =	sld [smem:$0x3F97]  }
0x2b: {  	s6 =	sld [smem:$0x3F98]  }
0x2c: {  	s7 =	sld [smem:$0x3F99]  }
0x2d: {  	s3 =	simm.s32 $0x108;
	s8 =	sld [smem:$0x3F9A]  }
0x2e: {  	s3 =	simm.s32 @!p0 $0x1082;
	s9 =	sld [smem:$0x3F9B]  }
0x2f: {  	lr =	sadd.s32 s0, s3;
	s0 =	sld [smem:$0x3F92]  }
0x30: {  	s3 =	sld [smem:$0x3F95]  }
0x31: {  	[smem:$0x3F9E] =	sst s10  }
0x32: {  	s10 =	sld [smem:$0x3F9C];
	_ =	sdelay $0x3  }
0x33: {  	p0 =	seq.s32 s10, $0x1;
	s10 =	sld [smem:$0x3F9E];
	_ =	sdelay $0x3  }
0x34: {  	[smem:$0x3F9E] =	sst s10  }
0x35: {  	s10 =	sld [smem:$0x3F9D];
	_ =	sdelay $0x3  }
0x36: {  	p1 =	seq.s32 s10, $0x1;
	s10 =	sld [smem:$0x3F9E];
	_ =	sdelay $0x3  }
0x37: {  	[smem:$0x3F9E] =	sst s10  }
0x38: {  	s10 =	sld [smem:$0x3F9F]  }
0x39: {  	_ = 	snop;
	(pc) =	sbr.ind lr, $3  }
0x3a: {  	_ = 	snop  }
0x3b: {  	_ = 	snop  }
0x3c: {  	p2 =	seq.s32 s10, $0x1;
	s10 =	sld [smem:$0x3F9E]  }
0x3d: {  	_ =	shalt  }
0x3e: {  	_ =	shalt  }
0x3f: {  	_ =	shalt  }
0x40: {  	_ =	shalt  }
0x41: {  	_ =	shalt  }
0x42: {  	_ =	shalt  }
0x43: {  	_ =	shalt  }
0x44: {  	_ =	shalt  }
0x45: {  	_ =	shalt  }
0x46: {  	_ =	shalt  }
0x47: {  	_ =	shalt  }
0x48: {  	_ =	shalt  }
0x49: {  	_ =	shalt  }
0x4a: {  	_ =	shalt  }
0x4b: {  	_ =	shalt  }
0x4c: {  	_ =	shalt  }
0x4d: {  	_ =	shalt  }
0x4e: {  	_ =	shalt  }
0x4f: {  	_ =	shalt  }
0x50: {  	_ =	shalt  }
0x51: {  	_ =	shalt  }
0x52: {  	_ =	shalt  }
0x53: {  	_ =	shalt  }
0x54: {  	_ =	shalt  }
0x55: {  	_ =	shalt  }
0x56: {  	_ =	shalt  }
0x57: {  	_ =	shalt  }
0x58: {  	_ =	shalt  }
0x59: {  	_ =	shalt  }
0x5a: {  	_ =	shalt  }
0x5b: {  	_ =	shalt  }
0x5c: {  	_ =	shalt  }
0x5d: {  	_ =	shalt  }
0x5e: {  	_ =	shalt  }
0x5f: {  	_ =	shalt  }
0x60: {  	_ =	shalt  }
0x61: {  	_ =	shalt  }
0x62: {  	_ =	shalt  }
0x63: {  	_ =	shalt  }
0x64: {  	_ =	shalt  }
0x65: {  	_ =	shalt  }
0x66: {  	_ =	shalt  }
0x67: {  	_ =	shalt  }
0x68: {  	_ =	shalt  }
0x69: {  	_ =	shalt  }
0x6a: {  	_ =	shalt  }
0x6b: {  	_ =	shalt  }
0x6c: {  	_ =	shalt  }
0x6d: {  	_ =	shalt  }
0x6e: {  	_ =	shalt  }
0x6f: {  	_ =	shalt  }
0x70: {  	_ =	shalt  }
0x71: {  	_ =	shalt  }
0x72: {  	_ =	shalt  }
0x73: {  	_ =	shalt  }
0x74: {  	_ =	shalt  }
0x75: {  	_ =	shalt  }
0x76: {  	_ =	shalt  }
0x77: {  	_ =	shalt  }
0x78: {  	_ =	shalt  }
0x79: {  	_ =	shalt  }
0x7a: {  	_ =	shalt  }
0x7b: {  	_ =	shalt  }
0x7c: {  	_ =	shalt  }
0x7d: {  	_ =	shalt  }
0x7e: {  	_ =	shalt  }
0x7f: {  	_ =	shalt  }
0x80: {  	_ =	shalt  }
0x81: {  	_ =	shalt  }
0x82: {  	_ =	shalt  }
0x83: {  	_ =	shalt  }
0x84: {  	_ =	shalt  }
0x85: {  	_ =	shalt  }
0x86: {  	_ =	shalt  }
0x87: {  	_ =	shalt  }
.Lfunc_end0:
.L_simem_size_0:
called_computation.4_lowered:
.L_overlay_start_0:
0x88: {  	s2 =	sld [smem:$0x3FD9]  }
0x89: {  	s3 =	sld [smem:$0x3FFE];
	_ =	sdelay $0x1  }
0x8a: {  	s1 =	srdreg.scid  }
0x8b: {  	s0 =	sand.u32 $0x1, s1  }
0x8c: {  	s16 =	sshll.u32 s0, $0xA;
	s2 =	sadd.s32 s3, s2  }
0x8d: {  	s2 =	sadd.s32 s2, s16  }
0x8e: {  	[smem:$0x3FAA] =	sst s2  }
0x8f: {  	_ = 	snop  }
0x90: {  	(tm) =	ssettm $0x1  }
0x91: {  	s17 =	sld [smem:$0x3FFB];
	_ =	sdelay $0x3  }
0x92: {  	_ =	strace s17  }
0x93: {  	s2 =	sld [smem:$0x3FFC];
	_ =	sdelay $0x3  }
0x94: {  	_ =	strace s2  }
0x95: {  	s2 =	sld [smem:$0x3FFD];
	_ =	sdelay $0x3  }
0x96: {  	_ =	strace s2  }
0x97: {  	_ =	strace $0x8FFFFFFF  }
0x98: {  	s18 =	sld [smem:$0x3FDB];
	_ =	sdelay $0x1  }
0x99: {  	s19 =	simm.s32 $_scs_section_size  }
0x9a: {  	s4 =	simm.s32 $_size__tile_overlayer_lowered;
	s5 =	simm.s32 $_tile_overlayer_lowered  }
0x9b: {  	s22 =	simm.s32 $0x1BFF;
	s21 =	sshll.u32 s5, $0x1;
	s2 =	sadd.s32 s19, s18  }
0x9c: {  	s6 =	simm.s32 $0x0;
	s20 =	sshll.u32 s4, $0x1;
	s4 =	sadd.s32 s21, s2  }
0x9d: {  	[timem:s6], [sflag:s22] =	dma.local [hbm:s4], s20  }
0x9e: {  	_ =	swait.ge [sflag:s22], s20  }
0x9f: {  	s3 =	ssub.s32 $0x0, s20;
	[sflag:s22] =	ssyncset.done $0x0  }
0xa0: {  	[sflag:s22] =	ssyncadd.s32 s3;
	_ =	sdelay $0x1  }
0xa1: {  	s23 =	simm.s32 $0x1B8B  }
0xa2: {  	_ =	swait.ge [sflag:s23], $0x1  }
0xa3: {  	[sflag:s23] =	ssyncset.done $0x0  }
0xa4: {  	s25 =	simm.s32 $0x1B8E;
	s24 =	sld [smem:$0x3FFE];
	[sflag:s23] =	ssyncadd.s32 $0xFFFFFFFF  }
0xa5: {  	s26 =	simm.s32 $execute0_lowered;
	[smem:$0x3FD2] =	sst s25  }
0xa6: {  	s4 =	sshll.u32 s26, $0x1;
	_ =	strace $0x80000052;
	[dreg:$0x1] =	wrdreg $0xFFFFFFFF  }
0xa7: {  	s28 =	simm.s32 $_size_execute0_lowered;
	s2 =	sadd.s32 s2, s4;
	[dreg:$0x0] =	wrdreg $0x0  }
0xa8: {  	s4 =	sshll.u32 s28, $0x1;
	[dreg:$0x2] =	wrdreg s2  }
0xa9: {  	[dreg:$0x3] =	wrdreg s4  }
0xaa: {  	[dreg:$0x4] =	wrdreg $0xC0  }
0xab: {  	_ =	task [dreg:s6], $0x5FFFF  }
0xac: {  	[dreg:$0x1] =	wrdreg $0xFFFFFFFF  }
0xad: {  	[dreg:$0x0] =	wrdreg $0x60  }
0xae: {  	[dreg:$0x2] =	wrdreg s24  }
0xaf: {  	[dreg:$0x3] =	wrdreg $0x9  }
0xb0: {  	_ =	task.clear_ibuf [dreg:s6], $0x4FFFF;
	_ =	strace $0x90000052  }
0xb1: {  	s29 =	simm.s32 $0x9;
	_ =	strace $0x80000054  }
0xb2: {  	_ =	swait.ge [sflag:s29], $0x1  }
0xb3: {  	[sflag:s29] =	ssyncadd.s32 $0xFFFFFFFF  }
0xb4: {  	_ =	strace $0x90000054  }
0xb5: {  	_ =	sfence  }
0xb6: {  	s30 =	sld [smem:$0x0];
	_ =	sdelay $0x2  }
0xb7: {  	s31 =	sshll.u32 s1, $0xD;
	s1 =	sshrl.u32 s1, $0x2  }
0xb8: {  	s3 =	sand.u32 $0x4000, s31;
	s1 =	sadd.s32 s1, s30  }
0xb9: {  	s0 =	sor.u32 s3, s0;
	s1 =	sshll.u32 s1, $0x11  }
0xba: {  	s0 =	sor.u32 s1, s0  }
0xbb: {  	s0 =	sadd.s32 $0x8F2B, s0  }
0xbc: {  	[sflag:s0] =	ssyncadd.remote.s32 $0x1  }
0xbd: {  	_ =	sfence.sel $0xFFFF  }
0xbe: {  	[dreg:$0x0] =	wrdreg $0xFFFFFFFF;
	(pc) =	sbr.abs _section_cstart, $3  }
0xbf: {  	[dreg:$0x1] =	wrdreg $0xFFFFFFFF  }
0xc0: {  	_ =	task.clear_ibuf [dreg:s6], $0x2FFFF;
	_ =	strace $0x9FFFFFFF  }
0xc1: {  	(tm) =	ssettm $0x7FFFFFFF  }
tec
execute0_lowered:
.L_overlay_start_1:
0x0: {  	(tag) =	ssettag $0x1  }
0x1: {  	s7 =	rddreg [dreg:$0x0]  }
0x2: {  	s0 =	rddreg [dreg:$0x1];
	s1 =	simm.s32 $0x0;
	s5 =	srdreg.scid  }
0x3: {  	s2 =	stileid.u32;
	s12 =	simm.s32 $0x50;
	s13 =	simm.s32 $0x100  }
0x4: {  	s14 =	simm.s32 $0x2900;
	s15 =	simm.s32 $0x1;
	s16 =	simm.s32 $0x2  }
0x5: {  	s17 =	simm.s32 $0x0;
	[smem:$0x7FF] =	sst s1;
	s3 =	sadd.s32 $0x1BA00, s7  }
0x6: {  	s4 =	sadd.s32 $0x43200, s7;
	s8 =	sand.u32 $0x1, s5;
	s5 =	sadd.s32 $0x11C00, s7  }
0x7: {  	s10 =	sshll.u32 s2, $0x1;
	s6 =	sadd.s32 $0x7E00, s7;
	s9 =	ssub.s32 $0x2, s8  }
0x8: {  	s7 =	sadd.s32 $0x6AA00, s7;
	_ =	strace $0x80000053;
	s11 =	sshrl.u32 s9, $0x1  }
0x9: {  	s8 =	sor.u32 s8, s10;
	s10 =	simm.s32 $0x3;
	s9 =	ssub.s32 s9, s11  }
0xa: {  	s8 =	smul.u32 $0x2710, s8;
	s11 =	simm.s32 $0x80;
	s9 =	smax.u32 s9, $0x1  }
.LBB2_1:
0xb: {  	s18 =	simm.s32 $0x0  }
.LBB2_2:
0xc: {  	s19 =	smul.u32 $0x50, s18;
	_ =	sdelay $0x1  }
0xd: {  	s19 =	sadd.s32 s8, s19  }
0xe: {  	s20 =	sshrl.u32 s19, $0x3  }
0xf: {  	s22 =	simm.s32 $0x0;
	s21 =	sadd.s32 s5, s20  }
0x10: {  	[tilespmem:s22], [sflag:$0x3] =	stream.linear.gather [hbm4b:s21+s22], $0x50, $0x38;
	[tilespmem:$0x5100] =	vst v63  }
0x11: {  	_ =	swait.ge [sflag:s10], $0x50  }
0x12: {  	[sflag:s10] =	ssyncset.done $0x0  }
0x13: {  	s20 =	sadd.s32 s6, s20;
	[sflag:s10] =	ssyncadd.s32 $0xFFFFFFB0  }
0x14: {  	[tilespmem:s11], [sflag:$0x3] =	stream.linear.gather [hbm4b:s20+s22], $0x50, $0x38;
	[tilespmem:$0x5100] =	vst v63  }
0x15: {  	_ =	swait.ge [sflag:s10], $0x50  }
0x16: {  	[sflag:s10] =	ssyncset.done $0x0  }
0x17: {  	[sflag:s10] =	ssyncadd.s32 $0xFFFFFFB0  }
0x18: {  	[tilespmem:s13], [sflag:$0x1] =	stream.indirect.gather [hbm4b:s3+s12], $0x80, s22, s12, $0xb8;
	[tilespmem:$0x5100] =	vst v63  }
0x19: {  	_ = 	snop  }
0x1a: {  	[tilespmem:s14], [sflag:$0x2] =	stream.indirect.gather [hbm4b:s4+s12], $0x80, s11, s12, $0xb8;
	[tilespmem:$0x5100] =	vst v63  }
0x1b: {  	_ =	swait.ge [sflag:s15], $0x2800  }
0x1c: {  	[sflag:s15] =	ssyncset.done $0x0  }
0x1d: {  	[sflag:s15] =	ssyncadd.s32 $0xFFFFD800  }
0x1e: {  	_ =	swait.ge [sflag:s16], $0x2800  }
0x1f: {  	[sflag:s16] =	ssyncset.done $0x0  }
0x20: {  	s20 =	simm.s32 $0x0;
	[sflag:s16] =	ssyncadd.s32 $0xFFFFD800  }
0x21: {  	v7 =	vld [tilespmem:s20+$0x2900]  }
0x22: {  	v11 =	vld [tilespmem:s20+$0x2910]  }
0x23: {  	v5 =	vld [tilespmem:s20+$0x2920]  }
0x24: {  	v4 =	vld [tilespmem:s20+$0x2930]  }
0x25: {  	v3 =	vld [tilespmem:s20+$0x2940]  }
0x26: {  	v2 =	vld [tilespmem:s20+$0x2950]  }
0x27: {  	v1 =	vld [tilespmem:s20+$0x2960]  }
0x28: {  	v0 =	vld [tilespmem:s20+$0x2970]  }
0x29: {  	v12 =	vld [tilespmem:s20+$0x100]  }
0x2a: {  	v13 =	vld [tilespmem:s20+$0x110]  }
0x2b: {  	v10 =	vld [tilespmem:s20+$0x120]  }
0x2c: {  	v9 =	vld [tilespmem:s20+$0x130]  }
0x2d: {  	v8 =	vld [tilespmem:s20+$0x140]  }
0x2e: {  	v6 =	vld [tilespmem:s20+$0x150];
	v12 =	vadd.f32 v7, v12  }
0x2f: {  	s21 =	simm.s32 $0x200;
	v11 =	vadd.f32 v11, v13;
	v7 =	vld [tilespmem:s20+$0x160]  }
.LBB2_3:
0x30: {  	s22 =	sshra.s32 s21, $0x2;
	p0 =	sne.s32 s21, $0x9E00;
	[tilespmem:s20+$0x100] =	vst v12;
	v5 =	vadd.f32 v5, v10;
	v10 =	vld [tilespmem:s20+$0x170]  }
0x31: {  	v12 =	vld [tilespmem:s22+$0x2900];
	[tilespmem:s20+$0x110] =	vst v11;
	v4 =	vadd.f32 v4, v9  }
0x32: {  	v11 =	vld [tilespmem:s22+$0x2910];
	[tilespmem:s20+$0x120] =	vst v5;
	v3 =	vadd.f32 v3, v8  }
0x33: {  	v5 =	vld [tilespmem:s22+$0x2920];
	[tilespmem:s20+$0x130] =	vst v4;
	v2 =	vadd.f32 v2, v6  }
0x34: {  	v4 =	vld [tilespmem:s22+$0x2930];
	[tilespmem:s20+$0x140] =	vst v3;
	v1 =	vadd.f32 v1, v7  }
0x35: {  	v3 =	vld [tilespmem:s22+$0x2940];
	[tilespmem:s20+$0x150] =	vst v2;
	v0 =	vadd.f32 v0, v10  }
0x36: {  	v2 =	vld [tilespmem:s22+$0x2950];
	[tilespmem:s20+$0x160] =	vst v1  }
0x37: {  	v1 =	vld [tilespmem:s22+$0x2960];
	[tilespmem:s20+$0x170] =	vst v0;
	s20 =	smov.u32 s22  }
0x38: {  	v0 =	vld [tilespmem:s20+$0x2970]  }
0x39: {  	v6 =	vld [tilespmem:s20+$0x100]  }
0x3a: {  	v7 =	vld [tilespmem:s20+$0x110]  }
.Ltmp0:
0x3b: {  	v10 =	vld [tilespmem:s20+$0x120];
	(pc) =	sbr.rel @p0 .LBB2_3-.Ltmp0, $4  }
0x3c: {  	v9 =	vld [tilespmem:s20+$0x130]  }
0x3d: {  	v8 =	vld [tilespmem:s20+$0x140]  }
0x3e: {  	v12 =	vadd.f32 v12, v6;
	v6 =	vld [tilespmem:s20+$0x150]  }
0x3f: {  	s21 =	sadd.s32 $0x200, s21;
	v11 =	vadd.f32 v11, v7;
	v7 =	vld [tilespmem:s20+$0x160]  }
0x40: {  	[tilespmem:s20+$0x100] =	vst v12;
	v5 =	vadd.f32 v5, v10;
	v63 =	vld [tilespmem:s20+$0x170]  }
0x41: {  	[tilespmem:s20+$0x110] =	vst v11;
	v4 =	vadd.f32 v4, v9  }
0x42: {  	[tilespmem:s20+$0x120] =	vst v5;
	v3 =	vadd.f32 v3, v8  }
0x43: {  	[tilespmem:s20+$0x130] =	vst v4;
	v2 =	vadd.f32 v2, v6  }
0x44: {  	[tilespmem:s20+$0x140] =	vst v3;
	v1 =	vadd.f32 v1, v7  }
0x45: {  	s18 =	sadd.s32 $0x1, s18;
	[tilespmem:s20+$0x150] =	vst v2;
	v0 =	vadd.f32 v0, v63  }
0x46: {  	s19 =	sshll.u32 s19, $0x4;
	p0 =	sne.s32 s18, $0x7D;
	[tilespmem:s20+$0x160] =	vst v1  }
.Ltmp1:
0x47: {  	s19 =	sadd.s32 s7, s19;
	[tilespmem:s20+$0x170] =	vst v0;
	(pc) =	sbr.rel @p0 .LBB2_2-.Ltmp1, $4  }
0x48: {  	[hbm4b:s19+s1] =	stream.linear.scatter [tilespmem:s13], [sflag:$0x3], $0x2800, $0x38;
	[tilespmem:$0x5100] =	vst v63  }
0x49: {  	_ =	swait.ge [sflag:s10], $0x2800  }
0x4a: {  	[sflag:s10] =	ssyncset.done $0x0  }
0x4b: {  	[sflag:s10] =	ssyncadd.s32 $0xFFFFD800  }
0x4c: {  	s17 =	sadd.s32 $0x1, s17  }
0x4d: {  	p0 =	sne.s32 s17, s9  }
.Ltmp2:
0x4e: {  	_ = 	snop;
	(pc) =	sbr.rel @p0 .LBB2_1-.Ltmp2, $1  }
0x4f: {  	_ =	sdelay $0x3  }
0x50: {  	_ =	sfence.sel $0x180000  }
0x51: {  	[bflag:$0x0] =	sbarrier.arrive $0xFFFF  }
0x52: {  	p0 =	sne.s32 s2, $0x0;
	_ =	strace $0x90000053  }
0x53: {  	s0 =	sadd.s32 @!p0 $0x100000, s0;
	[bflag:$0x2] =	sbarrier.arrive $0xFFFF  }
0x54: {  	[sflag:s0] =	ssyncadd.tile.s32 @!p0 $0x1;
	_ =	shalt  }
.Lfunc_end2:
_tile_overlayer_lowered:
.L_overlay_start_2:
0x55: {  	(tag) =	ssettag $0x2  }
0x56: {  	s0 =	rddreg [dreg:$0x0];
	s2 =	stileid.u32  }
0x57: {  	s1 =	rddreg [dreg:$0x1];
	p0 =	sne.s32 s2, $0x0  }
0x58: {  	s3 =	rddreg [dreg:$0x2];
	[bflag:$0x3] =	sbarrier.arrive $0xFFFF;
	s2 =	simm.s32 @!p0 $0x1C03  }
0x59: {  	[timem:s3], [sflag:s2] =	dma.local @!p0 [hbm:s0], s1  }
0x5a: {  	s0 =	simm.s32 @!p0 $0x3  }
0x5b: {  	_ =	swait.ge @!p0 [sflag:s0], s1  }
0x5c: {  	s1 =	ssub.s32 @!p0 $0x0, s1;
	[sflag:s0] =	ssyncset.done @!p0 $0x0  }
0x5d: {  	[sflag:s0] =	ssyncadd.s32 @!p0 s1  }
0x5e: {  	[bflag:$0x3] =	sbarrier.arrive $0xFFFF  }
0x5f: {  	_ =	shalt  }

</sc_bundles>
